<compile_context>
chip_gen: v7x
topology: tpu7x:2x2x1
jax: 0.10.2.dev20260603
libtpu: 0.0.44.dev20260713+nightly
codegen_flags: <defaults>
</compile_context>

<pallas_src>
import functools

import jax
import jax.numpy as jnp
from jax import lax
from jax.experimental import pallas as pl
from jax.experimental.pallas import tpu as pltpu
from jax.experimental.pallas import tpu_sc as plsc

_B = 128
_POOL = 1000
_K = 5
_EPL = 8
_D = 768
_NL_Q = 5
_GPL = 6
_NC = 2
_NS = 16
_NW = _NC * _NS
_NL = 3
_SUBROWS = _B * _K * _EPL
_RPW = _SUBROWS // _NW
_CHUNK = 40
_NCHUNK = _RPW // _CHUNK
_TOT_CHUNKS = _NL * _NCHUNK
_NBUF = 2


def _score_topk_body(x2, x3, x4, k2, k3, k4, qns, kns, o_ref):
    lane = lax.broadcasted_iota(jnp.int32, (_B, _K * _EPL), 1)
    colid = lax.broadcasted_iota(jnp.int32, (_B, _POOL), 1)
    for i, (x_ref, k_ref) in enumerate(((x2, k2), (x3, k3), (x4, k4))):
        nk = k_ref[...] / kns[i]
        q = x_ref[...] / qns[i]
        s = lax.dot_general(q.astype(jnp.bfloat16), nk.astype(jnp.bfloat16),
                            (((1,), (1,)), ((), ())),
                            preferred_element_type=jnp.float32)
        acc = jnp.zeros((_B, _K * _EPL), jnp.int32)
        for t in range(_K):
            m = jnp.max(s, axis=1, keepdims=True)
            idx = jnp.min(jnp.where(s == m, colid, jnp.int32(2**30)),
                          axis=1, keepdims=True)
            acc = jnp.where(lane // _EPL == t, idx * _EPL + lane % _EPL, acc)
            s = jnp.where(colid == idx, -jnp.inf, s)
        o_ref[i] = acc


def _score_topk(x2, x3, x4, k2, k3, k4, interpret=False):
    def _norm(a):
        return jnp.maximum(
            jnp.linalg.norm(a, ord=2, axis=1, keepdims=True), 1e-12)
    qns = jnp.stack([_norm(x2), _norm(x3), _norm(x4)])
    kns = jnp.stack([_norm(k2), _norm(k3), _norm(k4)])
    return pl.pallas_call(
        _score_topk_body,
        out_shape=jax.ShapeDtypeStruct((_NL, _B, _K * _EPL), jnp.int32),
        interpret=interpret,
    )(x2, x3, x4, k2, k3, k4, qns, kns)


def _make_gather():
    mesh = plsc.VectorSubcoreMesh(core_axis_name="c", subcore_axis_name="s",
                                  num_cores=_NC, num_subcores=_NS)

    @functools.partial(
        pl.kernel,
        mesh=mesh,
        out_type=[jax.ShapeDtypeStruct((_SUBROWS, _D), jnp.float32)] * _NL,
        scratch_types=[
            pltpu.VMEM((_TOT_CHUNKS, _CHUNK), jnp.int32),
        ] + [pltpu.VMEM((_CHUNK, _D), jnp.float32)] * _NBUF
          + [pltpu.SemaphoreType.DMA] * (2 * _NBUF),
    )
    def gather(t2, t3, t4, idx_hbm, o2, o3, o4, idx_v, *bufsem):
        bufs = bufsem[:_NBUF]
        gsems = bufsem[_NBUF:2 * _NBUF]
        ssems = bufsem[2 * _NBUF:]
        wid = lax.axis_index("s") * _NC + lax.axis_index("c")
        for l in range(_NL):
            pltpu.sync_copy(idx_hbm.at[l * _NW + wid],
                            idx_v.at[pl.ds(l * _NCHUNK, _NCHUNK)])
        tabs = (t2, t3, t4)
        outs = (o2, o3, o4)
        base = wid * _RPW

        def start_gather(c):
            l = c // _NCHUNK
            cp = pltpu.make_async_copy(
                tabs[l].at[idx_v.at[c]], bufs[c % _NBUF], gsems[c % _NBUF])
            cp.start()
            return cp

        def start_scatter(c):
            l, cc = divmod(c, _NCHUNK)
            cp = pltpu.make_async_copy(
                bufs[c % _NBUF],
                outs[l].at[pl.ds(base + cc * _CHUNK, _CHUNK)],
                ssems[c % _NBUF])
            cp.start()
            return cp

        gs = [None] * _TOT_CHUNKS
        ss = [None] * _TOT_CHUNKS
        for c in range(_TOT_CHUNKS):
            if c >= _NBUF:
                ss[c - _NBUF].wait()
            gs[c] = start_gather(c)
            if c >= 1:
                gs[c - 1].wait()
                ss[c - 1] = start_scatter(c - 1)
        gs[_TOT_CHUNKS - 1].wait()
        ss[_TOT_CHUNKS - 1] = start_scatter(_TOT_CHUNKS - 1)
        for c in range(_TOT_CHUNKS - _NBUF, _TOT_CHUNKS):
            ss[c].wait()

    return gather


@functools.lru_cache(maxsize=1)
def _gather_cached():
    return _make_gather()


def kernel(x_query, vis_mark, g_p_0, g_p_1, e_p_2, e_k_2, e_p_3, e_k_3,
           e_p_4, e_k_4):
    x2 = x_query[:, 2, :]
    x3 = x_query[:, 3, :]
    x4 = x_query[:, 4, :]
    sub = _score_topk(x2, x3, x4, e_k_2, e_k_3, e_k_4)
    out0 = jnp.broadcast_to(g_p_0[None], (_B,) + g_p_0.shape)
    out1 = jnp.broadcast_to(g_p_1[None], (_B,) + g_p_1.shape)
    idx = sub.reshape(_NL * _NW, _NCHUNK, _CHUNK)
    t2 = e_p_2.reshape(_POOL * _EPL, _D)
    t3 = e_p_3.reshape(_POOL * _EPL, _D)
    t4 = e_p_4.reshape(_POOL * _EPL, _D)
    o2, o3, o4 = _gather_cached()(t2, t3, t4, idx)
    out2 = o2.reshape(_B, _K, _EPL, _D)
    out3 = o3.reshape(_B, _K, _EPL, _D)
    out4 = o4.reshape(_B, _K, _EPL, _D)
    loss = jnp.zeros((), jnp.float32)
    return (out0, out1, out2, out3, out4, loss)

# --- scband reference (transcript-rebuilt; emitter-appended) ---
"""Pipeline reference for scband-dual-prompt-2078764171778 (READ-ONLY COPY).

The authoritative reference and input builder live on the scoring server;
editing this copy changes nothing except your own understanding.
"""

import jax, jax.numpy as jnp
import numpy as np

E_LAYERS = (2, 3, 4)
G_LAYERS = (0, 1)
TOP_K = 5
LOSS_WEIGHT = 0.1


def _normalize(x, axis):
    n = jnp.linalg.norm(x, ord=2, axis=axis, keepdims=True)
    return x / jnp.maximum(n, 1e-12)


def setup_inputs(seed: int = 0) -> dict:
    key = jax.random.key(seed)
    ks = jax.random.split(key, 16)
    inp = {}
    inp["x_query"] = jax.random.normal(ks[0], (128, 5, 768), dtype=jnp.float32)
    inp["vis_mark"] = 0
    inp["g_p_0"] = jax.random.uniform(ks[1], (6, 768), dtype=jnp.float32)
    inp["g_p_1"] = jax.random.uniform(ks[2], (6, 768), dtype=jnp.float32)
    inp["e_p_2"] = jax.random.uniform(ks[3], (1000, 8, 768), dtype=jnp.float32)
    inp["e_k_2"] = jax.random.uniform(ks[4], (1000, 768), dtype=jnp.float32)
    inp["e_p_3"] = jax.random.uniform(ks[5], (1000, 8, 768), dtype=jnp.float32)
    inp["e_k_3"] = jax.random.uniform(ks[6], (1000, 768), dtype=jnp.float32)
    inp["e_p_4"] = jax.random.uniform(ks[7], (1000, 8, 768), dtype=jnp.float32)
    inp["e_k_4"] = jax.random.uniform(ks[8], (1000, 768), dtype=jnp.float32)
    return inp


def _forward(x_query, g_p_0, g_p_1, e_p_2, e_k_2, e_p_3, e_k_3, e_p_4, e_k_4):
    B, nL, C = x_query.shape
    e_p = {2: e_p_2, 3: e_p_3, 4: e_p_4}
    e_k = {2: e_k_2, 3: e_k_3, 4: e_k_4}
    g_p = {0: g_p_0, 1: g_p_1}
    p_return = []
    for l in range(nL):
        lp = []
        if l in E_LAYERS:
            K = e_k[l]
            p = e_p[l]
            n_K = _normalize(K, 1)
            q = jax.lax.stop_gradient(_normalize(x_query[:, l, :], 1))
            cos_sim = jnp.einsum('bj,kj->bk', q, n_K)
            # eval path (train=False): top-k over the prompt pool, gather prompts
            _, k_idx = jax.lax.top_k(cos_sim, TOP_K)
            P_ = jnp.take(p, k_idx, axis=0)  # [B, top_k, e_p_length, emb_d]
            lp.append(P_)
        if l in G_LAYERS:
            p = g_p[l]
            P_ = jnp.broadcast_to(p[None, :, :], (B,) + p.shape)  # [B, g_p_length, emb_d]
            lp.append(P_)
        p_return.append(jnp.concatenate(lp, axis=1))
    p_loss = jnp.asarray(0.0, dtype=jnp.float32)
    return tuple(p_return) + (p_loss * LOSS_WEIGHT,)


def reference(x_query, vis_mark, g_p_0, g_p_1, e_p_2, e_k_2, e_p_3, e_k_3, e_p_4, e_k_4):
    return _forward(x_query, g_p_0, g_p_1, e_p_2, e_k_2, e_p_3, e_k_3, e_p_4, e_k_4)

if __name__ == "__main__":
    import jax
    _d = setup_inputs()
    print(jax.jit(kernel)(*tuple(_d.values())))

</pallas_src>

<mosaic_0001>
#map = affine_map<(d0, d1) -> (0, 0)>
#map1 = affine_map<(d0, d1) -> (0, 0, 0)>
module attributes {stable_mosaic.version = 14 : i64} {
  func.func @gather(%arg0: i32, %arg1: i32, %arg2: memref<8000x768xf32, #tpu.memory_space<hbm>>, %arg3: memref<8000x768xf32, #tpu.memory_space<hbm>>, %arg4: memref<8000x768xf32, #tpu.memory_space<hbm>>, %arg5: memref<96x4x40xi32, #tpu.memory_space<hbm>>, %arg6: memref<5120x768xf32, #tpu.memory_space<hbm>>, %arg7: memref<5120x768xf32, #tpu.memory_space<hbm>>, %arg8: memref<5120x768xf32, #tpu.memory_space<hbm>>, %arg9: memref<12x40xi32, #tpu.memory_space<vmem>>, %arg10: memref<40x768xf32, #tpu.memory_space<vmem>>, %arg11: memref<40x768xf32, #tpu.memory_space<vmem>>, %arg12: memref<!tpu.dma_semaphore, #tpu.memory_space<semaphore_mem>>, %arg13: memref<!tpu.dma_semaphore, #tpu.memory_space<semaphore_mem>>, %arg14: memref<!tpu.dma_semaphore, #tpu.memory_space<semaphore_mem>>, %arg15: memref<!tpu.dma_semaphore, #tpu.memory_space<semaphore_mem>>) attributes {dimension_semantics = [#tpu.dimension_semantics<core_parallel>, #tpu.dimension_semantics<subcore_parallel>], iteration_bounds = array<i64: 2, 16>, scalar_prefetch = 0 : i64, scratch_operands = 7 : i64, tpu.core_type = #tpu.core_type<sc_vector_subcore>, window_params = [{transform_indices = #map}, {transform_indices = #map}, {transform_indices = #map}, {transform_indices = #map1}, {transform_indices = #map}, {transform_indices = #map}, {transform_indices = #map}]} {
    %mul3A = arith.constant 2 : i32
    %mul3A_0 = arith.muli %arg1, %mul3A : i32
    %add3A = arith.addi %mul3A_0, %arg0 : i32
    %add3A_1 = arith.constant 0 : i32
    %add3A_2 = arith.addi %add3A_1, %add3A : i32
    "tpu.region"() ({
      %run_scoped3A = tpu.sem_alloc : memref<!tpu.dma_semaphore, #tpu.memory_space<semaphore_mem>>
      %dma_start3A_295 = arith.constant 0 : i32
      %dma_start3A_296 = arith.constant 0 : i32
      %dma_start3A_297 = tpu.memref_slice %arg9[%dma_start3A_295, %dma_start3A_296] : memref<12x40xi32, #tpu.memory_space<vmem>> -> memref<4x40xi32, #tpu.memory_space<vmem>>
      %dma_start3A_298 = arith.constant 0 : i32
      %dma_start3A_299 = arith.constant 0 : i32
      %dma_start3A_300 = tpu.memref_slice %arg5[%add3A_2, %dma_start3A_298, %dma_start3A_299] : memref<96x4x40xi32, #tpu.memory_space<hbm>> -> memref<1x4x40xi32, #tpu.memory_space<hbm>>
      %dma_start3A_301 = tpu.memref_squeeze %dma_start3A_300 : memref<1x4x40xi32, #tpu.memory_space<hbm>> -> memref<4x40xi32, #tpu.memory_space<hbm>>
      %dma_start3A_302 = arith.constant 0 : i32
      %dma_start3A_303 = arith.constant 0 : i32
      %dma_start3A_304 = tpu.memref_slice %arg9[%dma_start3A_302, %dma_start3A_303] : memref<12x40xi32, #tpu.memory_space<vmem>> -> memref<4x40xi32, #tpu.memory_space<vmem>>
      %dma_start3A_305 = arith.constant 0 : i32
      %dma_start3A_306 = arith.constant 0 : i32
      %dma_start3A_307 = tpu.memref_slice %arg5[%add3A_2, %dma_start3A_305, %dma_start3A_306] : memref<96x4x40xi32, #tpu.memory_space<hbm>> -> memref<1x4x40xi32, #tpu.memory_space<hbm>>
      %dma_start3A_308 = tpu.memref_squeeze %dma_start3A_307 : memref<1x4x40xi32, #tpu.memory_space<hbm>> -> memref<4x40xi32, #tpu.memory_space<hbm>>
      tpu.enqueue_dma source(%dma_start3A_308 : memref<4x40xi32, #tpu.memory_space<hbm>>) target(%dma_start3A_304 : memref<4x40xi32, #tpu.memory_space<vmem>>) target_semaphore(%run_scoped3A : memref<!tpu.dma_semaphore, #tpu.memory_space<semaphore_mem>>)
      %dma_wait3A_309 = arith.constant 0 : i32
      %dma_wait3A_310 = arith.constant 0 : i32
      %dma_wait3A_311 = tpu.memref_slice %arg9[%dma_wait3A_309, %dma_wait3A_310] : memref<12x40xi32, #tpu.memory_space<vmem>> -> memref<4x40xi32, #tpu.memory_space<vmem>>
      %dma_wait3A_312 = arith.constant 0 : i32
      %dma_wait3A_313 = arith.constant 0 : i32
      %dma_wait3A_314 = tpu.memref_slice %arg5[%add3A_2, %dma_wait3A_312, %dma_wait3A_313] : memref<96x4x40xi32, #tpu.memory_space<hbm>> -> memref<1x4x40xi32, #tpu.memory_space<hbm>>
      %dma_wait3A_315 = tpu.memref_squeeze %dma_wait3A_314 : memref<1x4x40xi32, #tpu.memory_space<hbm>> -> memref<4x40xi32, #tpu.memory_space<hbm>>
      %dma_wait3A_316 = arith.constant 0 : i32
      %dma_wait3A_317 = arith.constant 0 : i32
      %dma_wait3A_318 = tpu.memref_slice %arg9[%dma_wait3A_316, %dma_wait3A_317] : memref<12x40xi32, #tpu.memory_space<vmem>> -> memref<4x40xi32, #tpu.memory_space<vmem>>
      %dma_wait3A_319 = arith.constant 0 : i32
      %dma_wait3A_320 = arith.constant 0 : i32
      %dma_wait3A_321 = tpu.memref_slice %arg5[%add3A_2, %dma_wait3A_319, %dma_wait3A_320] : memref<96x4x40xi32, #tpu.memory_space<hbm>> -> memref<1x4x40xi32, #tpu.memory_space<hbm>>
      %dma_wait3A_322 = tpu.memref_squeeze %dma_wait3A_321 : memref<1x4x40xi32, #tpu.memory_space<hbm>> -> memref<4x40xi32, #tpu.memory_space<hbm>>
      tpu.wait_dma2 semaphore(%run_scoped3A : memref<!tpu.dma_semaphore, #tpu.memory_space<semaphore_mem>>) src(%dma_wait3A_322 : memref<4x40xi32, #tpu.memory_space<hbm>>) dst(%dma_wait3A_318 : memref<4x40xi32, #tpu.memory_space<vmem>>)
      tpu.yield
    }) : () -> ()
    %add3A_3 = arith.constant 32 : i32
    %add3A_4 = arith.addi %add3A_3, %add3A : i32
    "tpu.region"() ({
      %run_scoped3A = tpu.sem_alloc : memref<!tpu.dma_semaphore, #tpu.memory_space<semaphore_mem>>
      %dma_start3A_295 = arith.constant 4 : i32
      %dma_start3A_296 = arith.constant 0 : i32
      %dma_start3A_297 = tpu.memref_slice %arg9[%dma_start3A_295, %dma_start3A_296] : memref<12x40xi32, #tpu.memory_space<vmem>> -> memref<4x40xi32, #tpu.memory_space<vmem>>
      %dma_start3A_298 = arith.constant 0 : i32
      %dma_start3A_299 = arith.constant 0 : i32
      %dma_start3A_300 = tpu.memref_slice %arg5[%add3A_4, %dma_start3A_298, %dma_start3A_299] : memref<96x4x40xi32, #tpu.memory_space<hbm>> -> memref<1x4x40xi32, #tpu.memory_space<hbm>>
      %dma_start3A_301 = tpu.memref_squeeze %dma_start3A_300 : memref<1x4x40xi32, #tpu.memory_space<hbm>> -> memref<4x40xi32, #tpu.memory_space<hbm>>
      %dma_start3A_302 = arith.constant 4 : i32
      %dma_start3A_303 = arith.constant 0 : i32
      %dma_start3A_304 = tpu.memref_slice %arg9[%dma_start3A_302, %dma_start3A_303] : memref<12x40xi32, #tpu.memory_space<vmem>> -> memref<4x40xi32, #tpu.memory_space<vmem>>
      %dma_start3A_305 = arith.constant 0 : i32
      %dma_start3A_306 = arith.constant 0 : i32
      %dma_start3A_307 = tpu.memref_slice %arg5[%add3A_4, %dma_start3A_305, %dma_start3A_306] : memref<96x4x40xi32, #tpu.memory_space<hbm>> -> memref<1x4x40xi32, #tpu.memory_space<hbm>>
      %dma_start3A_308 = tpu.memref_squeeze %dma_start3A_307 : memref<1x4x40xi32, #tpu.memory_space<hbm>> -> memref<4x40xi32, #tpu.memory_space<hbm>>
      tpu.enqueue_dma source(%dma_start3A_308 : memref<4x40xi32, #tpu.memory_space<hbm>>) target(%dma_start3A_304 : memref<4x40xi32, #tpu.memory_space<vmem>>) target_semaphore(%run_scoped3A : memref<!tpu.dma_semaphore, #tpu.memory_space<semaphore_mem>>)
      %dma_wait3A_309 = arith.constant 4 : i32
      %dma_wait3A_310 = arith.constant 0 : i32
      %dma_wait3A_311 = tpu.memref_slice %arg9[%dma_wait3A_309, %dma_wait3A_310] : memref<12x40xi32, #tpu.memory_space<vmem>> -> memref<4x40xi32, #tpu.memory_space<vmem>>
      %dma_wait3A_312 = arith.constant 0 : i32
      %dma_wait3A_313 = arith.constant 0 : i32
      %dma_wait3A_314 = tpu.memref_slice %arg5[%add3A_4, %dma_wait3A_312, %dma_wait3A_313] : memref<96x4x40xi32, #tpu.memory_space<hbm>> -> memref<1x4x40xi32, #tpu.memory_space<hbm>>
      %dma_wait3A_315 = tpu.memref_squeeze %dma_wait3A_314 : memref<1x4x40xi32, #tpu.memory_space<hbm>> -> memref<4x40xi32, #tpu.memory_space<hbm>>
      %dma_wait3A_316 = arith.constant 4 : i32
      %dma_wait3A_317 = arith.constant 0 : i32
      %dma_wait3A_318 = tpu.memref_slice %arg9[%dma_wait3A_316, %dma_wait3A_317] : memref<12x40xi32, #tpu.memory_space<vmem>> -> memref<4x40xi32, #tpu.memory_space<vmem>>
      %dma_wait3A_319 = arith.constant 0 : i32
      %dma_wait3A_320 = arith.constant 0 : i32
      %dma_wait3A_321 = tpu.memref_slice %arg5[%add3A_4, %dma_wait3A_319, %dma_wait3A_320] : memref<96x4x40xi32, #tpu.memory_space<hbm>> -> memref<1x4x40xi32, #tpu.memory_space<hbm>>
      %dma_wait3A_322 = tpu.memref_squeeze %dma_wait3A_321 : memref<1x4x40xi32, #tpu.memory_space<hbm>> -> memref<4x40xi32, #tpu.memory_space<hbm>>
      tpu.wait_dma2 semaphore(%run_scoped3A : memref<!tpu.dma_semaphore, #tpu.memory_space<semaphore_mem>>) src(%dma_wait3A_322 : memref<4x40xi32, #tpu.memory_space<hbm>>) dst(%dma_wait3A_318 : memref<4x40xi32, #tpu.memory_space<vmem>>)
      tpu.yield
    }) : () -> ()
    %add3A_5 = arith.constant 64 : i32
    %add3A_6 = arith.addi %add3A_5, %add3A : i32
    "tpu.region"() ({
      %run_scoped3A = tpu.sem_alloc : memref<!tpu.dma_semaphore, #tpu.memory_space<semaphore_mem>>
      %dma_start3A_295 = arith.constant 8 : i32
      %dma_start3A_296 = arith.constant 0 : i32
      %dma_start3A_297 = tpu.memref_slice %arg9[%dma_start3A_295, %dma_start3A_296] : memref<12x40xi32, #tpu.memory_space<vmem>> -> memref<4x40xi32, #tpu.memory_space<vmem>>
      %dma_start3A_298 = arith.constant 0 : i32
      %dma_start3A_299 = arith.constant 0 : i32
      %dma_start3A_300 = tpu.memref_slice %arg5[%add3A_6, %dma_start3A_298, %dma_start3A_299] : memref<96x4x40xi32, #tpu.memory_space<hbm>> -> memref<1x4x40xi32, #tpu.memory_space<hbm>>
      %dma_start3A_301 = tpu.memref_squeeze %dma_start3A_300 : memref<1x4x40xi32, #tpu.memory_space<hbm>> -> memref<4x40xi32, #tpu.memory_space<hbm>>
      %dma_start3A_302 = arith.constant 8 : i32
      %dma_start3A_303 = arith.constant 0 : i32
      %dma_start3A_304 = tpu.memref_slice %arg9[%dma_start3A_302, %dma_start3A_303] : memref<12x40xi32, #tpu.memory_space<vmem>> -> memref<4x40xi32, #tpu.memory_space<vmem>>
      %dma_start3A_305 = arith.constant 0 : i32
      %dma_start3A_306 = arith.constant 0 : i32
      %dma_start3A_307 = tpu.memref_slice %arg5[%add3A_6, %dma_start3A_305, %dma_start3A_306] : memref<96x4x40xi32, #tpu.memory_space<hbm>> -> memref<1x4x40xi32, #tpu.memory_space<hbm>>
      %dma_start3A_308 = tpu.memref_squeeze %dma_start3A_307 : memref<1x4x40xi32, #tpu.memory_space<hbm>> -> memref<4x40xi32, #tpu.memory_space<hbm>>
      tpu.enqueue_dma source(%dma_start3A_308 : memref<4x40xi32, #tpu.memory_space<hbm>>) target(%dma_start3A_304 : memref<4x40xi32, #tpu.memory_space<vmem>>) target_semaphore(%run_scoped3A : memref<!tpu.dma_semaphore, #tpu.memory_space<semaphore_mem>>)
      %dma_wait3A_309 = arith.constant 8 : i32
      %dma_wait3A_310 = arith.constant 0 : i32
      %dma_wait3A_311 = tpu.memref_slice %arg9[%dma_wait3A_309, %dma_wait3A_310] : memref<12x40xi32, #tpu.memory_space<vmem>> -> memref<4x40xi32, #tpu.memory_space<vmem>>
      %dma_wait3A_312 = arith.constant 0 : i32
      %dma_wait3A_313 = arith.constant 0 : i32
      %dma_wait3A_314 = tpu.memref_slice %arg5[%add3A_6, %dma_wait3A_312, %dma_wait3A_313] : memref<96x4x40xi32, #tpu.memory_space<hbm>> -> memref<1x4x40xi32, #tpu.memory_space<hbm>>
      %dma_wait3A_315 = tpu.memref_squeeze %dma_wait3A_314 : memref<1x4x40xi32, #tpu.memory_space<hbm>> -> memref<4x40xi32, #tpu.memory_space<hbm>>
      %dma_wait3A_316 = arith.constant 8 : i32
      %dma_wait3A_317 = arith.constant 0 : i32
      %dma_wait3A_318 = tpu.memref_slice %arg9[%dma_wait3A_316, %dma_wait3A_317] : memref<12x40xi32, #tpu.memory_space<vmem>> -> memref<4x40xi32, #tpu.memory_space<vmem>>
      %dma_wait3A_319 = arith.constant 0 : i32
      %dma_wait3A_320 = arith.constant 0 : i32
      %dma_wait3A_321 = tpu.memref_slice %arg5[%add3A_6, %dma_wait3A_319, %dma_wait3A_320] : memref<96x4x40xi32, #tpu.memory_space<hbm>> -> memref<1x4x40xi32, #tpu.memory_space<hbm>>
      %dma_wait3A_322 = tpu.memref_squeeze %dma_wait3A_321 : memref<1x4x40xi32, #tpu.memory_space<hbm>> -> memref<4x40xi32, #tpu.memory_space<hbm>>
      tpu.wait_dma2 semaphore(%run_scoped3A : memref<!tpu.dma_semaphore, #tpu.memory_space<semaphore_mem>>) src(%dma_wait3A_322 : memref<4x40xi32, #tpu.memory_space<hbm>>) dst(%dma_wait3A_318 : memref<4x40xi32, #tpu.memory_space<vmem>>)
      tpu.yield
    }) : () -> ()
    %mul3A_7 = arith.constant 160 : i32
    %mul3A_8 = arith.muli %add3A, %mul3A_7 : i32
    %dma_start3A = arith.constant 0 : i32
    %dma_start3A_9 = arith.constant 0 : i32
    %dma_start3A_10 = tpu.memref_slice %arg9[%dma_start3A, %dma_start3A_9] : memref<12x40xi32, #tpu.memory_space<vmem>> -> memref<1x40xi32, #tpu.memory_space<vmem>>
    %dma_start3A_11 = tpu.memref_squeeze %dma_start3A_10 : memref<1x40xi32, #tpu.memory_space<vmem>> -> memref<40xi32, #tpu.memory_space<vmem>>
    %dma_start3A_12 = arith.constant 0 : i32
    %dma_start3A_13 = arith.constant 0 : i32
    %dma_start3A_14 = tpu.memref_slice %arg2[%dma_start3A_12, %dma_start3A_13] : memref<8000x768xf32, #tpu.memory_space<hbm>> -> memref<8000x768xf32, #tpu.memory_space<hbm>>
    tpu.enqueue_indirect_dma source(%dma_start3A_14 : memref<8000x768xf32, #tpu.memory_space<hbm>>) target(%arg10 : memref<40x768xf32, #tpu.memory_space<vmem>>) offsets(%dma_start3A_11 : memref<40xi32, #tpu.memory_space<vmem>>) semaphore(%arg12 : memref<!tpu.dma_semaphore, #tpu.memory_space<semaphore_mem>>)
    %dma_start3A_15 = arith.constant 1 : i32
    %dma_start3A_16 = arith.constant 0 : i32
    %dma_start3A_17 = tpu.memref_slice %arg9[%dma_start3A_15, %dma_start3A_16] : memref<12x40xi32, #tpu.memory_space<vmem>> -> memref<1x40xi32, #tpu.memory_space<vmem>>
    %dma_start3A_18 = tpu.memref_squeeze %dma_start3A_17 : memref<1x40xi32, #tpu.memory_space<vmem>> -> memref<40xi32, #tpu.memory_space<vmem>>
    %dma_start3A_19 = arith.constant 0 : i32
    %dma_start3A_20 = arith.constant 0 : i32
    %dma_start3A_21 = tpu.memref_slice %arg2[%dma_start3A_19, %dma_start3A_20] : memref<8000x768xf32, #tpu.memory_space<hbm>> -> memref<8000x768xf32, #tpu.memory_space<hbm>>
    tpu.enqueue_indirect_dma source(%dma_start3A_21 : memref<8000x768xf32, #tpu.memory_space<hbm>>) target(%arg11 : memref<40x768xf32, #tpu.memory_space<vmem>>) offsets(%dma_start3A_18 : memref<40xi32, #tpu.memory_space<vmem>>) semaphore(%arg13 : memref<!tpu.dma_semaphore, #tpu.memory_space<semaphore_mem>>)
    %dma_wait3A = arith.constant 0 : i32
    %dma_wait3A_22 = arith.constant 0 : i32
    %dma_wait3A_23 = tpu.memref_slice %arg9[%dma_wait3A, %dma_wait3A_22] : memref<12x40xi32, #tpu.memory_space<vmem>> -> memref<1x40xi32, #tpu.memory_space<vmem>>
    %dma_wait3A_24 = tpu.memref_squeeze %dma_wait3A_23 : memref<1x40xi32, #tpu.memory_space<vmem>> -> memref<40xi32, #tpu.memory_space<vmem>>
    %dma_wait3A_25 = arith.constant 0 : i32
    %dma_wait3A_26 = arith.constant 0 : i32
    %dma_wait3A_27 = tpu.memref_slice %arg2[%dma_wait3A_25, %dma_wait3A_26] : memref<8000x768xf32, #tpu.memory_space<hbm>> -> memref<8000x768xf32, #tpu.memory_space<hbm>>
    tpu.wait_indirect_dma semaphore(%arg12 : memref<!tpu.dma_semaphore, #tpu.memory_space<semaphore_mem>>) src(%dma_wait3A_27 : memref<8000x768xf32, #tpu.memory_space<hbm>>) dst(%arg10 : memref<40x768xf32, #tpu.memory_space<vmem>>)
    %add3A_28 = arith.constant 0 : i32
    %add3A_29 = arith.addi %mul3A_8, %add3A_28 : i32
    %dma_start3A_30 = arith.constant 0 : i32
    %dma_start3A_31 = tpu.memref_slice %arg6[%add3A_29, %dma_start3A_30] : memref<5120x768xf32, #tpu.memory_space<hbm>> -> memref<40x768xf32, #tpu.memory_space<hbm>>
    %dma_start3A_32 = arith.constant 0 : i32
    %dma_start3A_33 = tpu.memref_slice %arg6[%add3A_29, %dma_start3A_32] : memref<5120x768xf32, #tpu.memory_space<hbm>> -> memref<40x768xf32, #tpu.memory_space<hbm>>
    tpu.enqueue_dma source(%arg10 : memref<40x768xf32, #tpu.memory_space<vmem>>) target(%dma_start3A_33 : memref<40x768xf32, #tpu.memory_space<hbm>>) target_semaphore(%arg14 : memref<!tpu.dma_semaphore, #tpu.memory_space<semaphore_mem>>)
    %dma_wait3A_34 = arith.constant 0 : i32
    %dma_wait3A_35 = tpu.memref_slice %arg6[%add3A_29, %dma_wait3A_34] : memref<5120x768xf32, #tpu.memory_space<hbm>> -> memref<40x768xf32, #tpu.memory_space<hbm>>
    %dma_wait3A_36 = arith.constant 0 : i32
    %dma_wait3A_37 = tpu.memref_slice %arg6[%add3A_29, %dma_wait3A_36] : memref<5120x768xf32, #tpu.memory_space<hbm>> -> memref<40x768xf32, #tpu.memory_space<hbm>>
    tpu.wait_dma2 semaphore(%arg14 : memref<!tpu.dma_semaphore, #tpu.memory_space<semaphore_mem>>) src(%arg10 : memref<40x768xf32, #tpu.memory_space<vmem>>) dst(%dma_wait3A_37 : memref<40x768xf32, #tpu.memory_space<hbm>>)
    %dma_start3A_38 = arith.constant 2 : i32
    %dma_start3A_39 = arith.constant 0 : i32
    %dma_start3A_40 = tpu.memref_slice %arg9[%dma_start3A_38, %dma_start3A_39] : memref<12x40xi32, #tpu.memory_space<vmem>> -> memref<1x40xi32, #tpu.memory_space<vmem>>
    %dma_start3A_41 = tpu.memref_squeeze %dma_start3A_40 : memref<1x40xi32, #tpu.memory_space<vmem>> -> memref<40xi32, #tpu.memory_space<vmem>>
    %dma_start3A_42 = arith.constant 0 : i32
    %dma_start3A_43 = arith.constant 0 : i32
    %dma_start3A_44 = tpu.memref_slice %arg2[%dma_start3A_42, %dma_start3A_43] : memref<8000x768xf32, #tpu.memory_space<hbm>> -> memref<8000x768xf32, #tpu.memory_space<hbm>>
    tpu.enqueue_indirect_dma source(%dma_start3A_44 : memref<8000x768xf32, #tpu.memory_space<hbm>>) target(%arg10 : memref<40x768xf32, #tpu.memory_space<vmem>>) offsets(%dma_start3A_41 : memref<40xi32, #tpu.memory_space<vmem>>) semaphore(%arg12 : memref<!tpu.dma_semaphore, #tpu.memory_space<semaphore_mem>>)
    %dma_wait3A_45 = arith.constant 1 : i32
    %dma_wait3A_46 = arith.constant 0 : i32
    %dma_wait3A_47 = tpu.memref_slice %arg9[%dma_wait3A_45, %dma_wait3A_46] : memref<12x40xi32, #tpu.memory_space<vmem>> -> memref<1x40xi32, #tpu.memory_space<vmem>>
    %dma_wait3A_48 = tpu.memref_squeeze %dma_wait3A_47 : memref<1x40xi32, #tpu.memory_space<vmem>> -> memref<40xi32, #tpu.memory_space<vmem>>
    %dma_wait3A_49 = arith.constant 0 : i32
    %dma_wait3A_50 = arith.constant 0 : i32
    %dma_wait3A_51 = tpu.memref_slice %arg2[%dma_wait3A_49, %dma_wait3A_50] : memref<8000x768xf32, #tpu.memory_space<hbm>> -> memref<8000x768xf32, #tpu.memory_space<hbm>>
    tpu.wait_indirect_dma semaphore(%arg13 : memref<!tpu.dma_semaphore, #tpu.memory_space<semaphore_mem>>) src(%dma_wait3A_51 : memref<8000x768xf32, #tpu.memory_space<hbm>>) dst(%arg11 : memref<40x768xf32, #tpu.memory_space<vmem>>)
    %add3A_52 = arith.constant 40 : i32
    %add3A_53 = arith.addi %mul3A_8, %add3A_52 : i32
    %dma_start3A_54 = arith.constant 0 : i32
    %dma_start3A_55 = tpu.memref_slice %arg6[%add3A_53, %dma_start3A_54] : memref<5120x768xf32, #tpu.memory_space<hbm>> -> memref<40x768xf32, #tpu.memory_space<hbm>>
    %dma_start3A_56 = arith.constant 0 : i32
    %dma_start3A_57 = tpu.memref_slice %arg6[%add3A_53, %dma_start3A_56] : memref<5120x768xf32, #tpu.memory_space<hbm>> -> memref<40x768xf32, #tpu.memory_space<hbm>>
    tpu.enqueue_dma source(%arg11 : memref<40x768xf32, #tpu.memory_space<vmem>>) target(%dma_start3A_57 : memref<40x768xf32, #tpu.memory_space<hbm>>) target_semaphore(%arg15 : memref<!tpu.dma_semaphore, #tpu.memory_space<semaphore_mem>>)
    %dma_wait3A_58 = arith.constant 0 : i32
    %dma_wait3A_59 = tpu.memref_slice %arg6[%add3A_53, %dma_wait3A_58] : memref<5120x768xf32, #tpu.memory_space<hbm>> -> memref<40x768xf32, #tpu.memory_space<hbm>>
    %dma_wait3A_60 = arith.constant 0 : i32
    %dma_wait3A_61 = tpu.memref_slice %arg6[%add3A_53, %dma_wait3A_60] : memref<5120x768xf32, #tpu.memory_space<hbm>> -> memref<40x768xf32, #tpu.memory_space<hbm>>
    tpu.wait_dma2 semaphore(%arg15 : memref<!tpu.dma_semaphore, #tpu.memory_space<semaphore_mem>>) src(%arg11 : memref<40x768xf32, #tpu.memory_space<vmem>>) dst(%dma_wait3A_61 : memref<40x768xf32, #tpu.memory_space<hbm>>)
    %dma_start3A_62 = arith.constant 3 : i32
    %dma_start3A_63 = arith.constant 0 : i32
    %dma_start3A_64 = tpu.memref_slice %arg9[%dma_start3A_62, %dma_start3A_63] : memref<12x40xi32, #tpu.memory_space<vmem>> -> memref<1x40xi32, #tpu.memory_space<vmem>>
    %dma_start3A_65 = tpu.memref_squeeze %dma_start3A_64 : memref<1x40xi32, #tpu.memory_space<vmem>> -> memref<40xi32, #tpu.memory_space<vmem>>
    %dma_start3A_66 = arith.constant 0 : i32
    %dma_start3A_67 = arith.constant 0 : i32
    %dma_start3A_68 = tpu.memref_slice %arg2[%dma_start3A_66, %dma_start3A_67] : memref<8000x768xf32, #tpu.memory_space<hbm>> -> memref<8000x768xf32, #tpu.memory_space<hbm>>
    tpu.enqueue_indirect_dma source(%dma_start3A_68 : memref<8000x768xf32, #tpu.memory_space<hbm>>) target(%arg11 : memref<40x768xf32, #tpu.memory_space<vmem>>) offsets(%dma_start3A_65 : memref<40xi32, #tpu.memory_space<vmem>>) semaphore(%arg13 : memref<!tpu.dma_semaphore, #tpu.memory_space<semaphore_mem>>)
    %dma_wait3A_69 = arith.constant 2 : i32
    %dma_wait3A_70 = arith.constant 0 : i32
    %dma_wait3A_71 = tpu.memref_slice %arg9[%dma_wait3A_69, %dma_wait3A_70] : memref<12x40xi32, #tpu.memory_space<vmem>> -> memref<1x40xi32, #tpu.memory_space<vmem>>
    %dma_wait3A_72 = tpu.memref_squeeze %dma_wait3A_71 : memref<1x40xi32, #tpu.memory_space<vmem>> -> memref<40xi32, #tpu.memory_space<vmem>>
    %dma_wait3A_73 = arith.constant 0 : i32
    %dma_wait3A_74 = arith.constant 0 : i32
    %dma_wait3A_75 = tpu.memref_slice %arg2[%dma_wait3A_73, %dma_wait3A_74] : memref<8000x768xf32, #tpu.memory_space<hbm>> -> memref<8000x768xf32, #tpu.memory_space<hbm>>
    tpu.wait_indirect_dma semaphore(%arg12 : memref<!tpu.dma_semaphore, #tpu.memory_space<semaphore_mem>>) src(%dma_wait3A_75 : memref<8000x768xf32, #tpu.memory_space<hbm>>) dst(%arg10 : memref<40x768xf32, #tpu.memory_space<vmem>>)
    %add3A_76 = arith.constant 80 : i32
    %add3A_77 = arith.addi %mul3A_8, %add3A_76 : i32
    %dma_start3A_78 = arith.constant 0 : i32
    %dma_start3A_79 = tpu.memref_slice %arg6[%add3A_77, %dma_start3A_78] : memref<5120x768xf32, #tpu.memory_space<hbm>> -> memref<40x768xf32, #tpu.memory_space<hbm>>
    %dma_start3A_80 = arith.constant 0 : i32
    %dma_start3A_81 = tpu.memref_slice %arg6[%add3A_77, %dma_start3A_80] : memref<5120x768xf32, #tpu.memory_space<hbm>> -> memref<40x768xf32, #tpu.memory_space<hbm>>
    tpu.enqueue_dma source(%arg10 : memref<40x768xf32, #tpu.memory_space<vmem>>) target(%dma_start3A_81 : memref<40x768xf32, #tpu.memory_space<hbm>>) target_semaphore(%arg14 : memref<!tpu.dma_semaphore, #tpu.memory_space<semaphore_mem>>)
    %dma_wait3A_82 = arith.constant 0 : i32
    %dma_wait3A_83 = tpu.memref_slice %arg6[%add3A_77, %dma_wait3A_82] : memref<5120x768xf32, #tpu.memory_space<hbm>> -> memref<40x768xf32, #tpu.memory_space<hbm>>
    %dma_wait3A_84 = arith.constant 0 : i32
    %dma_wait3A_85 = tpu.memref_slice %arg6[%add3A_77, %dma_wait3A_84] : memref<5120x768xf32, #tpu.memory_space<hbm>> -> memref<40x768xf32, #tpu.memory_space<hbm>>
    tpu.wait_dma2 semaphore(%arg14 : memref<!tpu.dma_semaphore, #tpu.memory_space<semaphore_mem>>) src(%arg10 : memref<40x768xf32, #tpu.memory_space<vmem>>) dst(%dma_wait3A_85 : memref<40x768xf32, #tpu.memory_space<hbm>>)
    %dma_start3A_86 = arith.constant 4 : i32
    %dma_start3A_87 = arith.constant 0 : i32
    %dma_start3A_88 = tpu.memref_slice %arg9[%dma_start3A_86, %dma_start3A_87] : memref<12x40xi32, #tpu.memory_space<vmem>> -> memref<1x40xi32, #tpu.memory_space<vmem>>
    %dma_start3A_89 = tpu.memref_squeeze %dma_start3A_88 : memref<1x40xi32, #tpu.memory_space<vmem>> -> memref<40xi32, #tpu.memory_space<vmem>>
    %dma_start3A_90 = arith.constant 0 : i32
    %dma_start3A_91 = arith.constant 0 : i32
    %dma_start3A_92 = tpu.memref_slice %arg3[%dma_start3A_90, %dma_start3A_91] : memref<8000x768xf32, #tpu.memory_space<hbm>> -> memref<8000x768xf32, #tpu.memory_space<hbm>>
    tpu.enqueue_indirect_dma source(%dma_start3A_92 : memref<8000x768xf32, #tpu.memory_space<hbm>>) target(%arg10 : memref<40x768xf32, #tpu.memory_space<vmem>>) offsets(%dma_start3A_89 : memref<40xi32, #tpu.memory_space<vmem>>) semaphore(%arg12 : memref<!tpu.dma_semaphore, #tpu.memory_space<semaphore_mem>>)
    %dma_wait3A_93 = arith.constant 3 : i32
    %dma_wait3A_94 = arith.constant 0 : i32
    %dma_wait3A_95 = tpu.memref_slice %arg9[%dma_wait3A_93, %dma_wait3A_94] : memref<12x40xi32, #tpu.memory_space<vmem>> -> memref<1x40xi32, #tpu.memory_space<vmem>>
    %dma_wait3A_96 = tpu.memref_squeeze %dma_wait3A_95 : memref<1x40xi32, #tpu.memory_space<vmem>> -> memref<40xi32, #tpu.memory_space<vmem>>
    %dma_wait3A_97 = arith.constant 0 : i32
    %dma_wait3A_98 = arith.constant 0 : i32
    %dma_wait3A_99 = tpu.memref_slice %arg2[%dma_wait3A_97, %dma_wait3A_98] : memref<8000x768xf32, #tpu.memory_space<hbm>> -> memref<8000x768xf32, #tpu.memory_space<hbm>>
    tpu.wait_indirect_dma semaphore(%arg13 : memref<!tpu.dma_semaphore, #tpu.memory_space<semaphore_mem>>) src(%dma_wait3A_99 : memref<8000x768xf32, #tpu.memory_space<hbm>>) dst(%arg11 : memref<40x768xf32, #tpu.memory_space<vmem>>)
    %add3A_100 = arith.constant 120 : i32
    %add3A_101 = arith.addi %mul3A_8, %add3A_100 : i32
    %dma_start3A_102 = arith.constant 0 : i32
    %dma_start3A_103 = tpu.memref_slice %arg6[%add3A_101, %dma_start3A_102] : memref<5120x768xf32, #tpu.memory_space<hbm>> -> memref<40x768xf32, #tpu.memory_space<hbm>>
    %dma_start3A_104 = arith.constant 0 : i32
    %dma_start3A_105 = tpu.memref_slice %arg6[%add3A_101, %dma_start3A_104] : memref<5120x768xf32, #tpu.memory_space<hbm>> -> memref<40x768xf32, #tpu.memory_space<hbm>>
    tpu.enqueue_dma source(%arg11 : memref<40x768xf32, #tpu.memory_space<vmem>>) target(%dma_start3A_105 : memref<40x768xf32, #tpu.memory_space<hbm>>) target_semaphore(%arg15 : memref<!tpu.dma_semaphore, #tpu.memory_space<semaphore_mem>>)
    %dma_wait3A_106 = arith.constant 0 : i32
    %dma_wait3A_107 = tpu.memref_slice %arg6[%add3A_101, %dma_wait3A_106] : memref<5120x768xf32, #tpu.memory_space<hbm>> -> memref<40x768xf32, #tpu.memory_space<hbm>>
    %dma_wait3A_108 = arith.constant 0 : i32
    %dma_wait3A_109 = tpu.memref_slice %arg6[%add3A_101, %dma_wait3A_108] : memref<5120x768xf32, #tpu.memory_space<hbm>> -> memref<40x768xf32, #tpu.memory_space<hbm>>
    tpu.wait_dma2 semaphore(%arg15 : memref<!tpu.dma_semaphore, #tpu.memory_space<semaphore_mem>>) src(%arg11 : memref<40x768xf32, #tpu.memory_space<vmem>>) dst(%dma_wait3A_109 : memref<40x768xf32, #tpu.memory_space<hbm>>)
    %dma_start3A_110 = arith.constant 5 : i32
    %dma_start3A_111 = arith.constant 0 : i32
    %dma_start3A_112 = tpu.memref_slice %arg9[%dma_start3A_110, %dma_start3A_111] : memref<12x40xi32, #tpu.memory_space<vmem>> -> memref<1x40xi32, #tpu.memory_space<vmem>>
    %dma_start3A_113 = tpu.memref_squeeze %dma_start3A_112 : memref<1x40xi32, #tpu.memory_space<vmem>> -> memref<40xi32, #tpu.memory_space<vmem>>
    %dma_start3A_114 = arith.constant 0 : i32
    %dma_start3A_115 = arith.constant 0 : i32
    %dma_start3A_116 = tpu.memref_slice %arg3[%dma_start3A_114, %dma_start3A_115] : memref<8000x768xf32, #tpu.memory_space<hbm>> -> memref<8000x768xf32, #tpu.memory_space<hbm>>
    tpu.enqueue_indirect_dma source(%dma_start3A_116 : memref<8000x768xf32, #tpu.memory_space<hbm>>) target(%arg11 : memref<40x768xf32, #tpu.memory_space<vmem>>) offsets(%dma_start3A_113 : memref<40xi32, #tpu.memory_space<vmem>>) semaphore(%arg13 : memref<!tpu.dma_semaphore, #tpu.memory_space<semaphore_mem>>)
    %dma_wait3A_117 = arith.constant 4 : i32
    %dma_wait3A_118 = arith.constant 0 : i32
    %dma_wait3A_119 = tpu.memref_slice %arg9[%dma_wait3A_117, %dma_wait3A_118] : memref<12x40xi32, #tpu.memory_space<vmem>> -> memref<1x40xi32, #tpu.memory_space<vmem>>
    %dma_wait3A_120 = tpu.memref_squeeze %dma_wait3A_119 : memref<1x40xi32, #tpu.memory_space<vmem>> -> memref<40xi32, #tpu.memory_space<vmem>>
    %dma_wait3A_121 = arith.constant 0 : i32
    %dma_wait3A_122 = arith.constant 0 : i32
    %dma_wait3A_123 = tpu.memref_slice %arg3[%dma_wait3A_121, %dma_wait3A_122] : memref<8000x768xf32, #tpu.memory_space<hbm>> -> memref<8000x768xf32, #tpu.memory_space<hbm>>
    tpu.wait_indirect_dma semaphore(%arg12 : memref<!tpu.dma_semaphore, #tpu.memory_space<semaphore_mem>>) src(%dma_wait3A_123 : memref<8000x768xf32, #tpu.memory_space<hbm>>) dst(%arg10 : memref<40x768xf32, #tpu.memory_space<vmem>>)
    %add3A_124 = arith.constant 0 : i32
    %add3A_125 = arith.addi %mul3A_8, %add3A_124 : i32
    %dma_start3A_126 = arith.constant 0 : i32
    %dma_start3A_127 = tpu.memref_slice %arg7[%add3A_125, %dma_start3A_126] : memref<5120x768xf32, #tpu.memory_space<hbm>> -> memref<40x768xf32, #tpu.memory_space<hbm>>
    %dma_start3A_128 = arith.constant 0 : i32
    %dma_start3A_129 = tpu.memref_slice %arg7[%add3A_125, %dma_start3A_128] : memref<5120x768xf32, #tpu.memory_space<hbm>> -> memref<40x768xf32, #tpu.memory_space<hbm>>
    tpu.enqueue_dma source(%arg10 : memref<40x768xf32, #tpu.memory_space<vmem>>) target(%dma_start3A_129 : memref<40x768xf32, #tpu.memory_space<hbm>>) target_semaphore(%arg14 : memref<!tpu.dma_semaphore, #tpu.memory_space<semaphore_mem>>)
    %dma_wait3A_130 = arith.constant 0 : i32
    %dma_wait3A_131 = tpu.memref_slice %arg7[%add3A_125, %dma_wait3A_130] : memref<5120x768xf32, #tpu.memory_space<hbm>> -> memref<40x768xf32, #tpu.memory_space<hbm>>
    %dma_wait3A_132 = arith.constant 0 : i32
    %dma_wait3A_133 = tpu.memref_slice %arg7[%add3A_125, %dma_wait3A_132] : memref<5120x768xf32, #tpu.memory_space<hbm>> -> memref<40x768xf32, #tpu.memory_space<hbm>>
    tpu.wait_dma2 semaphore(%arg14 : memref<!tpu.dma_semaphore, #tpu.memory_space<semaphore_mem>>) src(%arg10 : memref<40x768xf32, #tpu.memory_space<vmem>>) dst(%dma_wait3A_133 : memref<40x768xf32, #tpu.memory_space<hbm>>)
    %dma_start3A_134 = arith.constant 6 : i32
    %dma_start3A_135 = arith.constant 0 : i32
    %dma_start3A_136 = tpu.memref_slice %arg9[%dma_start3A_134, %dma_start3A_135] : memref<12x40xi32, #tpu.memory_space<vmem>> -> memref<1x40xi32, #tpu.memory_space<vmem>>
    %dma_start3A_137 = tpu.memref_squeeze %dma_start3A_136 : memref<1x40xi32, #tpu.memory_space<vmem>> -> memref<40xi32, #tpu.memory_space<vmem>>
    %dma_start3A_138 = arith.constant 0 : i32
    %dma_start3A_139 = arith.constant 0 : i32
    %dma_start3A_140 = tpu.memref_slice %arg3[%dma_start3A_138, %dma_start3A_139] : memref<8000x768xf32, #tpu.memory_space<hbm>> -> memref<8000x768xf32, #tpu.memory_space<hbm>>
    tpu.enqueue_indirect_dma source(%dma_start3A_140 : memref<8000x768xf32, #tpu.memory_space<hbm>>) target(%arg10 : memref<40x768xf32, #tpu.memory_space<vmem>>) offsets(%dma_start3A_137 : memref<40xi32, #tpu.memory_space<vmem>>) semaphore(%arg12 : memref<!tpu.dma_semaphore, #tpu.memory_space<semaphore_mem>>)
    %dma_wait3A_141 = arith.constant 5 : i32
    %dma_wait3A_142 = arith.constant 0 : i32
    %dma_wait3A_143 = tpu.memref_slice %arg9[%dma_wait3A_141, %dma_wait3A_142] : memref<12x40xi32, #tpu.memory_space<vmem>> -> memref<1x40xi32, #tpu.memory_space<vmem>>
    %dma_wait3A_144 = tpu.memref_squeeze %dma_wait3A_143 : memref<1x40xi32, #tpu.memory_space<vmem>> -> memref<40xi32, #tpu.memory_space<vmem>>
    %dma_wait3A_145 = arith.constant 0 : i32
    %dma_wait3A_146 = arith.constant 0 : i32
    %dma_wait3A_147 = tpu.memref_slice %arg3[%dma_wait3A_145, %dma_wait3A_146] : memref<8000x768xf32, #tpu.memory_space<hbm>> -> memref<8000x768xf32, #tpu.memory_space<hbm>>
    tpu.wait_indirect_dma semaphore(%arg13 : memref<!tpu.dma_semaphore, #tpu.memory_space<semaphore_mem>>) src(%dma_wait3A_147 : memref<8000x768xf32, #tpu.memory_space<hbm>>) dst(%arg11 : memref<40x768xf32, #tpu.memory_space<vmem>>)
    %add3A_148 = arith.constant 40 : i32
    %add3A_149 = arith.addi %mul3A_8, %add3A_148 : i32
    %dma_start3A_150 = arith.constant 0 : i32
    %dma_start3A_151 = tpu.memref_slice %arg7[%add3A_149, %dma_start3A_150] : memref<5120x768xf32, #tpu.memory_space<hbm>> -> memref<40x768xf32, #tpu.memory_space<hbm>>
    %dma_start3A_152 = arith.constant 0 : i32
    %dma_start3A_153 = tpu.memref_slice %arg7[%add3A_149, %dma_start3A_152] : memref<5120x768xf32, #tpu.memory_space<hbm>> -> memref<40x768xf32, #tpu.memory_space<hbm>>
    tpu.enqueue_dma source(%arg11 : memref<40x768xf32, #tpu.memory_space<vmem>>) target(%dma_start3A_153 : memref<40x768xf32, #tpu.memory_space<hbm>>) target_semaphore(%arg15 : memref<!tpu.dma_semaphore, #tpu.memory_space<semaphore_mem>>)
    %dma_wait3A_154 = arith.constant 0 : i32
    %dma_wait3A_155 = tpu.memref_slice %arg7[%add3A_149, %dma_wait3A_154] : memref<5120x768xf32, #tpu.memory_space<hbm>> -> memref<40x768xf32, #tpu.memory_space<hbm>>
    %dma_wait3A_156 = arith.constant 0 : i32
    %dma_wait3A_157 = tpu.memref_slice %arg7[%add3A_149, %dma_wait3A_156] : memref<5120x768xf32, #tpu.memory_space<hbm>> -> memref<40x768xf32, #tpu.memory_space<hbm>>
    tpu.wait_dma2 semaphore(%arg15 : memref<!tpu.dma_semaphore, #tpu.memory_space<semaphore_mem>>) src(%arg11 : memref<40x768xf32, #tpu.memory_space<vmem>>) dst(%dma_wait3A_157 : memref<40x768xf32, #tpu.memory_space<hbm>>)
    %dma_start3A_158 = arith.constant 7 : i32
    %dma_start3A_159 = arith.constant 0 : i32
    %dma_start3A_160 = tpu.memref_slice %arg9[%dma_start3A_158, %dma_start3A_159] : memref<12x40xi32, #tpu.memory_space<vmem>> -> memref<1x40xi32, #tpu.memory_space<vmem>>
    %dma_start3A_161 = tpu.memref_squeeze %dma_start3A_160 : memref<1x40xi32, #tpu.memory_space<vmem>> -> memref<40xi32, #tpu.memory_space<vmem>>
    %dma_start3A_162 = arith.constant 0 : i32
    %dma_start3A_163 = arith.constant 0 : i32
    %dma_start3A_164 = tpu.memref_slice %arg3[%dma_start3A_162, %dma_start3A_163] : memref<8000x768xf32, #tpu.memory_space<hbm>> -> memref<8000x768xf32, #tpu.memory_space<hbm>>
    tpu.enqueue_indirect_dma source(%dma_start3A_164 : memref<8000x768xf32, #tpu.memory_space<hbm>>) target(%arg11 : memref<40x768xf32, #tpu.memory_space<vmem>>) offsets(%dma_start3A_161 : memref<40xi32, #tpu.memory_space<vmem>>) semaphore(%arg13 : memref<!tpu.dma_semaphore, #tpu.memory_space<semaphore_mem>>)
    %dma_wait3A_165 = arith.constant 6 : i32
    %dma_wait3A_166 = arith.constant 0 : i32
    %dma_wait3A_167 = tpu.memref_slice %arg9[%dma_wait3A_165, %dma_wait3A_166] : memref<12x40xi32, #tpu.memory_space<vmem>> -> memref<1x40xi32, #tpu.memory_space<vmem>>
    %dma_wait3A_168 = tpu.memref_squeeze %dma_wait3A_167 : memref<1x40xi32, #tpu.memory_space<vmem>> -> memref<40xi32, #tpu.memory_space<vmem>>
    %dma_wait3A_169 = arith.constant 0 : i32
    %dma_wait3A_170 = arith.constant 0 : i32
    %dma_wait3A_171 = tpu.memref_slice %arg3[%dma_wait3A_169, %dma_wait3A_170] : memref<8000x768xf32, #tpu.memory_space<hbm>> -> memref<8000x768xf32, #tpu.memory_space<hbm>>
    tpu.wait_indirect_dma semaphore(%arg12 : memref<!tpu.dma_semaphore, #tpu.memory_space<semaphore_mem>>) src(%dma_wait3A_171 : memref<8000x768xf32, #tpu.memory_space<hbm>>) dst(%arg10 : memref<40x768xf32, #tpu.memory_space<vmem>>)
    %add3A_172 = arith.constant 80 : i32
    %add3A_173 = arith.addi %mul3A_8, %add3A_172 : i32
    %dma_start3A_174 = arith.constant 0 : i32
    %dma_start3A_175 = tpu.memref_slice %arg7[%add3A_173, %dma_start3A_174] : memref<5120x768xf32, #tpu.memory_space<hbm>> -> memref<40x768xf32, #tpu.memory_space<hbm>>
    %dma_start3A_176 = arith.constant 0 : i32
    %dma_start3A_177 = tpu.memref_slice %arg7[%add3A_173, %dma_start3A_176] : memref<5120x768xf32, #tpu.memory_space<hbm>> -> memref<40x768xf32, #tpu.memory_space<hbm>>
    tpu.enqueue_dma source(%arg10 : memref<40x768xf32, #tpu.memory_space<vmem>>) target(%dma_start3A_177 : memref<40x768xf32, #tpu.memory_space<hbm>>) target_semaphore(%arg14 : memref<!tpu.dma_semaphore, #tpu.memory_space<semaphore_mem>>)
    %dma_wait3A_178 = arith.constant 0 : i32
    %dma_wait3A_179 = tpu.memref_slice %arg7[%add3A_173, %dma_wait3A_178] : memref<5120x768xf32, #tpu.memory_space<hbm>> -> memref<40x768xf32, #tpu.memory_space<hbm>>
    %dma_wait3A_180 = arith.constant 0 : i32
    %dma_wait3A_181 = tpu.memref_slice %arg7[%add3A_173, %dma_wait3A_180] : memref<5120x768xf32, #tpu.memory_space<hbm>> -> memref<40x768xf32, #tpu.memory_space<hbm>>
    tpu.wait_dma2 semaphore(%arg14 : memref<!tpu.dma_semaphore, #tpu.memory_space<semaphore_mem>>) src(%arg10 : memref<40x768xf32, #tpu.memory_space<vmem>>) dst(%dma_wait3A_181 : memref<40x768xf32, #tpu.memory_space<hbm>>)
    %dma_start3A_182 = arith.constant 8 : i32
    %dma_start3A_183 = arith.constant 0 : i32
    %dma_start3A_184 = tpu.memref_slice %arg9[%dma_start3A_182, %dma_start3A_183] : memref<12x40xi32, #tpu.memory_space<vmem>> -> memref<1x40xi32, #tpu.memory_space<vmem>>
    %dma_start3A_185 = tpu.memref_squeeze %dma_start3A_184 : memref<1x40xi32, #tpu.memory_space<vmem>> -> memref<40xi32, #tpu.memory_space<vmem>>
    %dma_start3A_186 = arith.constant 0 : i32
    %dma_start3A_187 = arith.constant 0 : i32
    %dma_start3A_188 = tpu.memref_slice %arg4[%dma_start3A_186, %dma_start3A_187] : memref<8000x768xf32, #tpu.memory_space<hbm>> -> memref<8000x768xf32, #tpu.memory_space<hbm>>
    tpu.enqueue_indirect_dma source(%dma_start3A_188 : memref<8000x768xf32, #tpu.memory_space<hbm>>) target(%arg10 : memref<40x768xf32, #tpu.memory_space<vmem>>) offsets(%dma_start3A_185 : memref<40xi32, #tpu.memory_space<vmem>>) semaphore(%arg12 : memref<!tpu.dma_semaphore, #tpu.memory_space<semaphore_mem>>)
    %dma_wait3A_189 = arith.constant 7 : i32
    %dma_wait3A_190 = arith.constant 0 : i32
    %dma_wait3A_191 = tpu.memref_slice %arg9[%dma_wait3A_189, %dma_wait3A_190] : memref<12x40xi32, #tpu.memory_space<vmem>> -> memref<1x40xi32, #tpu.memory_space<vmem>>
    %dma_wait3A_192 = tpu.memref_squeeze %dma_wait3A_191 : memref<1x40xi32, #tpu.memory_space<vmem>> -> memref<40xi32, #tpu.memory_space<vmem>>
    %dma_wait3A_193 = arith.constant 0 : i32
    %dma_wait3A_194 = arith.constant 0 : i32
    %dma_wait3A_195 = tpu.memref_slice %arg3[%dma_wait3A_193, %dma_wait3A_194] : memref<8000x768xf32, #tpu.memory_space<hbm>> -> memref<8000x768xf32, #tpu.memory_space<hbm>>
    tpu.wait_indirect_dma semaphore(%arg13 : memref<!tpu.dma_semaphore, #tpu.memory_space<semaphore_mem>>) src(%dma_wait3A_195 : memref<8000x768xf32, #tpu.memory_space<hbm>>) dst(%arg11 : memref<40x768xf32, #tpu.memory_space<vmem>>)
    %add3A_196 = arith.constant 120 : i32
    %add3A_197 = arith.addi %mul3A_8, %add3A_196 : i32
    %dma_start3A_198 = arith.constant 0 : i32
    %dma_start3A_199 = tpu.memref_slice %arg7[%add3A_197, %dma_start3A_198] : memref<5120x768xf32, #tpu.memory_space<hbm>> -> memref<40x768xf32, #tpu.memory_space<hbm>>
    %dma_start3A_200 = arith.constant 0 : i32
    %dma_start3A_201 = tpu.memref_slice %arg7[%add3A_197, %dma_start3A_200] : memref<5120x768xf32, #tpu.memory_space<hbm>> -> memref<40x768xf32, #tpu.memory_space<hbm>>
    tpu.enqueue_dma source(%arg11 : memref<40x768xf32, #tpu.memory_space<vmem>>) target(%dma_start3A_201 : memref<40x768xf32, #tpu.memory_space<hbm>>) target_semaphore(%arg15 : memref<!tpu.dma_semaphore, #tpu.memory_space<semaphore_mem>>)
    %dma_wait3A_202 = arith.constant 0 : i32
    %dma_wait3A_203 = tpu.memref_slice %arg7[%add3A_197, %dma_wait3A_202] : memref<5120x768xf32, #tpu.memory_space<hbm>> -> memref<40x768xf32, #tpu.memory_space<hbm>>
    %dma_wait3A_204 = arith.constant 0 : i32
    %dma_wait3A_205 = tpu.memref_slice %arg7[%add3A_197, %dma_wait3A_204] : memref<5120x768xf32, #tpu.memory_space<hbm>> -> memref<40x768xf32, #tpu.memory_space<hbm>>
    tpu.wait_dma2 semaphore(%arg15 : memref<!tpu.dma_semaphore, #tpu.memory_space<semaphore_mem>>) src(%arg11 : memref<40x768xf32, #tpu.memory_space<vmem>>) dst(%dma_wait3A_205 : memref<40x768xf32, #tpu.memory_space<hbm>>)
    %dma_start3A_206 = arith.constant 9 : i32
    %dma_start3A_207 = arith.constant 0 : i32
    %dma_start3A_208 = tpu.memref_slice %arg9[%dma_start3A_206, %dma_start3A_207] : memref<12x40xi32, #tpu.memory_space<vmem>> -> memref<1x40xi32, #tpu.memory_space<vmem>>
    %dma_start3A_209 = tpu.memref_squeeze %dma_start3A_208 : memref<1x40xi32, #tpu.memory_space<vmem>> -> memref<40xi32, #tpu.memory_space<vmem>>
    %dma_start3A_210 = arith.constant 0 : i32
    %dma_start3A_211 = arith.constant 0 : i32
    %dma_start3A_212 = tpu.memref_slice %arg4[%dma_start3A_210, %dma_start3A_211] : memref<8000x768xf32, #tpu.memory_space<hbm>> -> memref<8000x768xf32, #tpu.memory_space<hbm>>
    tpu.enqueue_indirect_dma source(%dma_start3A_212 : memref<8000x768xf32, #tpu.memory_space<hbm>>) target(%arg11 : memref<40x768xf32, #tpu.memory_space<vmem>>) offsets(%dma_start3A_209 : memref<40xi32, #tpu.memory_space<vmem>>) semaphore(%arg13 : memref<!tpu.dma_semaphore, #tpu.memory_space<semaphore_mem>>)
    %dma_wait3A_213 = arith.constant 8 : i32
    %dma_wait3A_214 = arith.constant 0 : i32
    %dma_wait3A_215 = tpu.memref_slice %arg9[%dma_wait3A_213, %dma_wait3A_214] : memref<12x40xi32, #tpu.memory_space<vmem>> -> memref<1x40xi32, #tpu.memory_space<vmem>>
    %dma_wait3A_216 = tpu.memref_squeeze %dma_wait3A_215 : memref<1x40xi32, #tpu.memory_space<vmem>> -> memref<40xi32, #tpu.memory_space<vmem>>
    %dma_wait3A_217 = arith.constant 0 : i32
    %dma_wait3A_218 = arith.constant 0 : i32
    %dma_wait3A_219 = tpu.memref_slice %arg4[%dma_wait3A_217, %dma_wait3A_218] : memref<8000x768xf32, #tpu.memory_space<hbm>> -> memref<8000x768xf32, #tpu.memory_space<hbm>>
    tpu.wait_indirect_dma semaphore(%arg12 : memref<!tpu.dma_semaphore, #tpu.memory_space<semaphore_mem>>) src(%dma_wait3A_219 : memref<8000x768xf32, #tpu.memory_space<hbm>>) dst(%arg10 : memref<40x768xf32, #tpu.memory_space<vmem>>)
    %add3A_220 = arith.constant 0 : i32
    %add3A_221 = arith.addi %mul3A_8, %add3A_220 : i32
    %dma_start3A_222 = arith.constant 0 : i32
    %dma_start3A_223 = tpu.memref_slice %arg8[%add3A_221, %dma_start3A_222] : memref<5120x768xf32, #tpu.memory_space<hbm>> -> memref<40x768xf32, #tpu.memory_space<hbm>>
    %dma_start3A_224 = arith.constant 0 : i32
    %dma_start3A_225 = tpu.memref_slice %arg8[%add3A_221, %dma_start3A_224] : memref<5120x768xf32, #tpu.memory_space<hbm>> -> memref<40x768xf32, #tpu.memory_space<hbm>>
    tpu.enqueue_dma source(%arg10 : memref<40x768xf32, #tpu.memory_space<vmem>>) target(%dma_start3A_225 : memref<40x768xf32, #tpu.memory_space<hbm>>) target_semaphore(%arg14 : memref<!tpu.dma_semaphore, #tpu.memory_space<semaphore_mem>>)
    %dma_wait3A_226 = arith.constant 0 : i32
    %dma_wait3A_227 = tpu.memref_slice %arg8[%add3A_221, %dma_wait3A_226] : memref<5120x768xf32, #tpu.memory_space<hbm>> -> memref<40x768xf32, #tpu.memory_space<hbm>>
    %dma_wait3A_228 = arith.constant 0 : i32
    %dma_wait3A_229 = tpu.memref_slice %arg8[%add3A_221, %dma_wait3A_228] : memref<5120x768xf32, #tpu.memory_space<hbm>> -> memref<40x768xf32, #tpu.memory_space<hbm>>
    tpu.wait_dma2 semaphore(%arg14 : memref<!tpu.dma_semaphore, #tpu.memory_space<semaphore_mem>>) src(%arg10 : memref<40x768xf32, #tpu.memory_space<vmem>>) dst(%dma_wait3A_229 : memref<40x768xf32, #tpu.memory_space<hbm>>)
    %dma_start3A_230 = arith.constant 10 : i32
    %dma_start3A_231 = arith.constant 0 : i32
    %dma_start3A_232 = tpu.memref_slice %arg9[%dma_start3A_230, %dma_start3A_231] : memref<12x40xi32, #tpu.memory_space<vmem>> -> memref<1x40xi32, #tpu.memory_space<vmem>>
    %dma_start3A_233 = tpu.memref_squeeze %dma_start3A_232 : memref<1x40xi32, #tpu.memory_space<vmem>> -> memref<40xi32, #tpu.memory_space<vmem>>
    %dma_start3A_234 = arith.constant 0 : i32
    %dma_start3A_235 = arith.constant 0 : i32
    %dma_start3A_236 = tpu.memref_slice %arg4[%dma_start3A_234, %dma_start3A_235] : memref<8000x768xf32, #tpu.memory_space<hbm>> -> memref<8000x768xf32, #tpu.memory_space<hbm>>
    tpu.enqueue_indirect_dma source(%dma_start3A_236 : memref<8000x768xf32, #tpu.memory_space<hbm>>) target(%arg10 : memref<40x768xf32, #tpu.memory_space<vmem>>) offsets(%dma_start3A_233 : memref<40xi32, #tpu.memory_space<vmem>>) semaphore(%arg12 : memref<!tpu.dma_semaphore, #tpu.memory_space<semaphore_mem>>)
    %dma_wait3A_237 = arith.constant 9 : i32
    %dma_wait3A_238 = arith.constant 0 : i32
    %dma_wait3A_239 = tpu.memref_slice %arg9[%dma_wait3A_237, %dma_wait3A_238] : memref<12x40xi32, #tpu.memory_space<vmem>> -> memref<1x40xi32, #tpu.memory_space<vmem>>
    %dma_wait3A_240 = tpu.memref_squeeze %dma_wait3A_239 : memref<1x40xi32, #tpu.memory_space<vmem>> -> memref<40xi32, #tpu.memory_space<vmem>>
    %dma_wait3A_241 = arith.constant 0 : i32
    %dma_wait3A_242 = arith.constant 0 : i32
    %dma_wait3A_243 = tpu.memref_slice %arg4[%dma_wait3A_241, %dma_wait3A_242] : memref<8000x768xf32, #tpu.memory_space<hbm>> -> memref<8000x768xf32, #tpu.memory_space<hbm>>
    tpu.wait_indirect_dma semaphore(%arg13 : memref<!tpu.dma_semaphore, #tpu.memory_space<semaphore_mem>>) src(%dma_wait3A_243 : memref<8000x768xf32, #tpu.memory_space<hbm>>) dst(%arg11 : memref<40x768xf32, #tpu.memory_space<vmem>>)
    %add3A_244 = arith.constant 40 : i32
    %add3A_245 = arith.addi %mul3A_8, %add3A_244 : i32
    %dma_start3A_246 = arith.constant 0 : i32
    %dma_start3A_247 = tpu.memref_slice %arg8[%add3A_245, %dma_start3A_246] : memref<5120x768xf32, #tpu.memory_space<hbm>> -> memref<40x768xf32, #tpu.memory_space<hbm>>
    %dma_start3A_248 = arith.constant 0 : i32
    %dma_start3A_249 = tpu.memref_slice %arg8[%add3A_245, %dma_start3A_248] : memref<5120x768xf32, #tpu.memory_space<hbm>> -> memref<40x768xf32, #tpu.memory_space<hbm>>
    tpu.enqueue_dma source(%arg11 : memref<40x768xf32, #tpu.memory_space<vmem>>) target(%dma_start3A_249 : memref<40x768xf32, #tpu.memory_space<hbm>>) target_semaphore(%arg15 : memref<!tpu.dma_semaphore, #tpu.memory_space<semaphore_mem>>)
    %dma_wait3A_250 = arith.constant 0 : i32
    %dma_wait3A_251 = tpu.memref_slice %arg8[%add3A_245, %dma_wait3A_250] : memref<5120x768xf32, #tpu.memory_space<hbm>> -> memref<40x768xf32, #tpu.memory_space<hbm>>
    %dma_wait3A_252 = arith.constant 0 : i32
    %dma_wait3A_253 = tpu.memref_slice %arg8[%add3A_245, %dma_wait3A_252] : memref<5120x768xf32, #tpu.memory_space<hbm>> -> memref<40x768xf32, #tpu.memory_space<hbm>>
    tpu.wait_dma2 semaphore(%arg15 : memref<!tpu.dma_semaphore, #tpu.memory_space<semaphore_mem>>) src(%arg11 : memref<40x768xf32, #tpu.memory_space<vmem>>) dst(%dma_wait3A_253 : memref<40x768xf32, #tpu.memory_space<hbm>>)
    %dma_start3A_254 = arith.constant 11 : i32
    %dma_start3A_255 = arith.constant 0 : i32
    %dma_start3A_256 = tpu.memref_slice %arg9[%dma_start3A_254, %dma_start3A_255] : memref<12x40xi32, #tpu.memory_space<vmem>> -> memref<1x40xi32, #tpu.memory_space<vmem>>
    %dma_start3A_257 = tpu.memref_squeeze %dma_start3A_256 : memref<1x40xi32, #tpu.memory_space<vmem>> -> memref<40xi32, #tpu.memory_space<vmem>>
    %dma_start3A_258 = arith.constant 0 : i32
    %dma_start3A_259 = arith.constant 0 : i32
    %dma_start3A_260 = tpu.memref_slice %arg4[%dma_start3A_258, %dma_start3A_259] : memref<8000x768xf32, #tpu.memory_space<hbm>> -> memref<8000x768xf32, #tpu.memory_space<hbm>>
    tpu.enqueue_indirect_dma source(%dma_start3A_260 : memref<8000x768xf32, #tpu.memory_space<hbm>>) target(%arg11 : memref<40x768xf32, #tpu.memory_space<vmem>>) offsets(%dma_start3A_257 : memref<40xi32, #tpu.memory_space<vmem>>) semaphore(%arg13 : memref<!tpu.dma_semaphore, #tpu.memory_space<semaphore_mem>>)
    %dma_wait3A_261 = arith.constant 10 : i32
    %dma_wait3A_262 = arith.constant 0 : i32
    %dma_wait3A_263 = tpu.memref_slice %arg9[%dma_wait3A_261, %dma_wait3A_262] : memref<12x40xi32, #tpu.memory_space<vmem>> -> memref<1x40xi32, #tpu.memory_space<vmem>>
    %dma_wait3A_264 = tpu.memref_squeeze %dma_wait3A_263 : memref<1x40xi32, #tpu.memory_space<vmem>> -> memref<40xi32, #tpu.memory_space<vmem>>
    %dma_wait3A_265 = arith.constant 0 : i32
    %dma_wait3A_266 = arith.constant 0 : i32
    %dma_wait3A_267 = tpu.memref_slice %arg4[%dma_wait3A_265, %dma_wait3A_266] : memref<8000x768xf32, #tpu.memory_space<hbm>> -> memref<8000x768xf32, #tpu.memory_space<hbm>>
    tpu.wait_indirect_dma semaphore(%arg12 : memref<!tpu.dma_semaphore, #tpu.memory_space<semaphore_mem>>) src(%dma_wait3A_267 : memref<8000x768xf32, #tpu.memory_space<hbm>>) dst(%arg10 : memref<40x768xf32, #tpu.memory_space<vmem>>)
    %add3A_268 = arith.constant 80 : i32
    %add3A_269 = arith.addi %mul3A_8, %add3A_268 : i32
    %dma_start3A_270 = arith.constant 0 : i32
    %dma_start3A_271 = tpu.memref_slice %arg8[%add3A_269, %dma_start3A_270] : memref<5120x768xf32, #tpu.memory_space<hbm>> -> memref<40x768xf32, #tpu.memory_space<hbm>>
    %dma_start3A_272 = arith.constant 0 : i32
    %dma_start3A_273 = tpu.memref_slice %arg8[%add3A_269, %dma_start3A_272] : memref<5120x768xf32, #tpu.memory_space<hbm>> -> memref<40x768xf32, #tpu.memory_space<hbm>>
    tpu.enqueue_dma source(%arg10 : memref<40x768xf32, #tpu.memory_space<vmem>>) target(%dma_start3A_273 : memref<40x768xf32, #tpu.memory_space<hbm>>) target_semaphore(%arg14 : memref<!tpu.dma_semaphore, #tpu.memory_space<semaphore_mem>>)
    %dma_wait3A_274 = arith.constant 11 : i32
    %dma_wait3A_275 = arith.constant 0 : i32
    %dma_wait3A_276 = tpu.memref_slice %arg9[%dma_wait3A_274, %dma_wait3A_275] : memref<12x40xi32, #tpu.memory_space<vmem>> -> memref<1x40xi32, #tpu.memory_space<vmem>>
    %dma_wait3A_277 = tpu.memref_squeeze %dma_wait3A_276 : memref<1x40xi32, #tpu.memory_space<vmem>> -> memref<40xi32, #tpu.memory_space<vmem>>
    %dma_wait3A_278 = arith.constant 0 : i32
    %dma_wait3A_279 = arith.constant 0 : i32
    %dma_wait3A_280 = tpu.memref_slice %arg4[%dma_wait3A_278, %dma_wait3A_279] : memref<8000x768xf32, #tpu.memory_space<hbm>> -> memref<8000x768xf32, #tpu.memory_space<hbm>>
    tpu.wait_indirect_dma semaphore(%arg13 : memref<!tpu.dma_semaphore, #tpu.memory_space<semaphore_mem>>) src(%dma_wait3A_280 : memref<8000x768xf32, #tpu.memory_space<hbm>>) dst(%arg11 : memref<40x768xf32, #tpu.memory_space<vmem>>)
    %add3A_281 = arith.constant 120 : i32
    %add3A_282 = arith.addi %mul3A_8, %add3A_281 : i32
    %dma_start3A_283 = arith.constant 0 : i32
    %dma_start3A_284 = tpu.memref_slice %arg8[%add3A_282, %dma_start3A_283] : memref<5120x768xf32, #tpu.memory_space<hbm>> -> memref<40x768xf32, #tpu.memory_space<hbm>>
    %dma_start3A_285 = arith.constant 0 : i32
    %dma_start3A_286 = tpu.memref_slice %arg8[%add3A_282, %dma_start3A_285] : memref<5120x768xf32, #tpu.memory_space<hbm>> -> memref<40x768xf32, #tpu.memory_space<hbm>>
    tpu.enqueue_dma source(%arg11 : memref<40x768xf32, #tpu.memory_space<vmem>>) target(%dma_start3A_286 : memref<40x768xf32, #tpu.memory_space<hbm>>) target_semaphore(%arg15 : memref<!tpu.dma_semaphore, #tpu.memory_space<semaphore_mem>>)
    %dma_wait3A_287 = arith.constant 0 : i32
    %dma_wait3A_288 = tpu.memref_slice %arg8[%add3A_269, %dma_wait3A_287] : memref<5120x768xf32, #tpu.memory_space<hbm>> -> memref<40x768xf32, #tpu.memory_space<hbm>>
    %dma_wait3A_289 = arith.constant 0 : i32
    %dma_wait3A_290 = tpu.memref_slice %arg8[%add3A_269, %dma_wait3A_289] : memref<5120x768xf32, #tpu.memory_space<hbm>> -> memref<40x768xf32, #tpu.memory_space<hbm>>
    tpu.wait_dma2 semaphore(%arg14 : memref<!tpu.dma_semaphore, #tpu.memory_space<semaphore_mem>>) src(%arg10 : memref<40x768xf32, #tpu.memory_space<vmem>>) dst(%dma_wait3A_290 : memref<40x768xf32, #tpu.memory_space<hbm>>)
    %dma_wait3A_291 = arith.constant 0 : i32
    %dma_wait3A_292 = tpu.memref_slice %arg8[%add3A_282, %dma_wait3A_291] : memref<5120x768xf32, #tpu.memory_space<hbm>> -> memref<40x768xf32, #tpu.memory_space<hbm>>
    %dma_wait3A_293 = arith.constant 0 : i32
    %dma_wait3A_294 = tpu.memref_slice %arg8[%add3A_282, %dma_wait3A_293] : memref<5120x768xf32, #tpu.memory_space<hbm>> -> memref<40x768xf32, #tpu.memory_space<hbm>>
    tpu.wait_dma2 semaphore(%arg15 : memref<!tpu.dma_semaphore, #tpu.memory_space<semaphore_mem>>) src(%arg11 : memref<40x768xf32, #tpu.memory_space<vmem>>) dst(%dma_wait3A_294 : memref<40x768xf32, #tpu.memory_space<hbm>>)
    return
  }
}

module attributes {stable_mosaic.version = 14 : i64} {
  func.func @_score_topk_body(%arg0: memref<128x768xf32, #tpu.memory_space<vmem>>, %arg1: memref<128x768xf32, #tpu.memory_space<vmem>>, %arg2: memref<128x768xf32, #tpu.memory_space<vmem>>, %arg3: memref<1000x768xf32, #tpu.memory_space<vmem>>, %arg4: memref<1000x768xf32, #tpu.memory_space<vmem>>, %arg5: memref<1000x768xf32, #tpu.memory_space<vmem>>, %arg6: memref<3x128x1xf32, #tpu.memory_space<vmem>>, %arg7: memref<3x1000x1xf32, #tpu.memory_space<vmem>>, %arg8: memref<3x128x40xi32, #tpu.memory_space<vmem>>) attributes {dimension_semantics = [], scalar_prefetch = 0 : i64, scratch_operands = 0 : i64, tpu.core_type = #tpu.core_type<tc>} {
    %iota3A = tpu.iota {dimensions = array<i32: 1>} : vector<128x40xi32>
    %iota3A_0 = tpu.iota {dimensions = array<i32: 1>} : vector<128x1000xi32>
    %get3A = arith.constant 0 : index
    %get3A_1 = arith.constant 0 : index
    %get3A_2 = vector.load %arg3[%get3A, %get3A_1] : memref<1000x768xf32, #tpu.memory_space<vmem>>, vector<1000x768xf32>
    %get3A_3 = arith.constant 0 : index
    %get3A_4 = arith.constant 0 : index
    %get3A_5 = arith.constant 0 : index
    %get3A_6 = vector.load %arg7[%get3A_3, %get3A_4, %get3A_5] : memref<3x1000x1xf32, #tpu.memory_space<vmem>>, vector<1x1000x1xf32>
    %get3A_7 = vector.shape_cast %get3A_6 : vector<1x1000x1xf32> to vector<1000x1xf32>
    %div3A = vector.broadcast %get3A_7 : vector<1000x1xf32> to vector<1000x768xf32>
    %div3A_8 = arith.divf %get3A_2, %div3A : vector<1000x768xf32>
    %get3A_9 = arith.constant 0 : index
    %get3A_10 = arith.constant 0 : index
    %get3A_11 = vector.load %arg0[%get3A_9, %get3A_10] : memref<128x768xf32, #tpu.memory_space<vmem>>, vector<128x768xf32>
    %get3A_12 = arith.constant 0 : index
    %get3A_13 = arith.constant 0 : index
    %get3A_14 = arith.constant 0 : index
    %get3A_15 = vector.load %arg6[%get3A_12, %get3A_13, %get3A_14] : memref<3x128x1xf32, #tpu.memory_space<vmem>>, vector<1x128x1xf32>
    %get3A_16 = vector.shape_cast %get3A_15 : vector<1x128x1xf32> to vector<128x1xf32>
    %div3A_17 = vector.broadcast %get3A_16 : vector<128x1xf32> to vector<128x768xf32>
    %div3A_18 = arith.divf %get3A_11, %div3A_17 : vector<128x768xf32>
    %convert_element_type3A = arith.truncf %div3A_18 : vector<128x768xf32> to vector<128x768xbf16>
    %convert_element_type3A_19 = arith.truncf %div3A_8 : vector<1000x768xf32> to vector<1000x768xbf16>
    %dot_general3A = arith.constant dense<0.000000e+00> : vector<128x1000xf32>
    %dot_general3A_20 = tpu.matmul %convert_element_type3A, %convert_element_type3A_19, %dot_general3A {dimension_numbers = #tpu.dot_dimension_numbers<[1], [1], [0], [0], [0, 0, 1, 0], [], []>, transpose_lhs_hint = false} : vector<128x768xbf16>, vector<1000x768xbf16>, vector<128x1000xf32> -> vector<128x1000xf32>
    %broadcast_in_dim3A = arith.constant 0 : i32
    %broadcast_in_dim3A_21 = vector.broadcast %broadcast_in_dim3A : i32 to vector<128x40xi32>
    %reduce_max3A = arith.constant dense<0xFF800000> : vector<128xf32>
    %reduce_max3A_22 = vector.multi_reduction <maximumf>, %dot_general3A_20, %reduce_max3A [1] : vector<128x1000xf32> to vector<128xf32>
    %broadcast_in_dim3A_23 = vector.shape_cast %reduce_max3A_22 : vector<128xf32> to vector<128x1xf32>
    %eq3A = vector.broadcast %broadcast_in_dim3A_23 : vector<128x1xf32> to vector<128x1000xf32>
    %eq3A_24 = arith.cmpf oeq, %dot_general3A_20, %eq3A : vector<128x1000xf32>
    %jit3A = arith.constant 1073741824 : i32
    %broadcast_in_dim3A_25 = vector.broadcast %jit3A : i32 to vector<128x1000xi32>
    %select_n3A = arith.select %eq3A_24, %iota3A_0, %broadcast_in_dim3A_25 : vector<128x1000xi1>, vector<128x1000xi32>
    %reduce_min3A = arith.constant dense<2147483647> : vector<128xi32>
    %reduce_min3A_26 = vector.multi_reduction <minsi>, %select_n3A, %reduce_min3A [1] : vector<128x1000xi32> to vector<128xi32>
    %broadcast_in_dim3A_27 = vector.shape_cast %reduce_min3A_26 : vector<128xi32> to vector<128x1xi32>
    %jit3A_28 = arith.constant 8 : i32
    %div3A_29 = vector.broadcast %jit3A_28 : i32 to vector<128x40xi32>
    %div3A_30 = arith.divsi %iota3A, %div3A_29 : vector<128x40xi32>
    %sign3A = arith.constant 0 : i32
    %sign3A_31 = vector.broadcast %sign3A : i32 to vector<128x40xi32>
    %sign3A_32 = arith.cmpi sgt, %iota3A, %sign3A_31 : vector<128x40xi32>
    %sign3A_33 = arith.extui %sign3A_32 : vector<128x40xi1> to vector<128x40xi32>
    %sign3A_34 = arith.constant 0 : i32
    %sign3A_35 = vector.broadcast %sign3A_34 : i32 to vector<128x40xi32>
    %sign3A_36 = arith.cmpi slt, %iota3A, %sign3A_35 : vector<128x40xi32>
    %sign3A_37 = arith.extui %sign3A_36 : vector<128x40xi1> to vector<128x40xi32>
    %sign3A_38 = arith.subi %sign3A_33, %sign3A_37 : vector<128x40xi32>
    %sign3A_39 = arith.constant 0 : i32
    %sign3A_40 = arith.cmpi sgt, %jit3A_28, %sign3A_39 : i32
    %sign3A_41 = arith.extui %sign3A_40 : i1 to i32
    %sign3A_42 = arith.constant 0 : i32
    %sign3A_43 = arith.cmpi slt, %jit3A_28, %sign3A_42 : i32
    %sign3A_44 = arith.extui %sign3A_43 : i1 to i32
    %sign3A_45 = arith.subi %sign3A_41, %sign3A_44 : i32
    %ne3A = vector.broadcast %sign3A_45 : i32 to vector<128x40xi32>
    %ne3A_46 = arith.cmpi ne, %sign3A_38, %ne3A : vector<128x40xi32>
    %rem3A = vector.broadcast %jit3A_28 : i32 to vector<128x40xi32>
    %rem3A_47 = arith.remsi %iota3A, %rem3A : vector<128x40xi32>
    %ne3A_48 = arith.constant 0 : i32
    %ne3A_49 = vector.broadcast %ne3A_48 : i32 to vector<128x40xi32>
    %ne3A_50 = arith.cmpi ne, %rem3A_47, %ne3A_49 : vector<128x40xi32>
    %and3A = arith.andi %ne3A_46, %ne3A_50 : vector<128x40xi1>
    %sub3A = arith.constant 1 : i32
    %sub3A_51 = vector.broadcast %sub3A : i32 to vector<128x40xi32>
    %sub3A_52 = arith.subi %div3A_30, %sub3A_51 : vector<128x40xi32>
    %select_n3A_53 = arith.select %and3A, %sub3A_52, %div3A_30 : vector<128x40xi1>, vector<128x40xi32>
    %eq3A_54 = arith.constant 0 : i32
    %eq3A_55 = vector.broadcast %eq3A_54 : i32 to vector<128x40xi32>
    %eq3A_56 = arith.cmpi eq, %select_n3A_53, %eq3A_55 : vector<128x40xi32>
    %mul3A = arith.constant 8 : i32
    %mul3A_57 = vector.broadcast %mul3A : i32 to vector<128x1xi32>
    %mul3A_58 = arith.muli %broadcast_in_dim3A_27, %mul3A_57 : vector<128x1xi32>
    %jit3A_59 = arith.constant 8 : i32
    %eq3A_60 = arith.constant 0 : i32
    %eq3A_61 = arith.cmpi eq, %jit3A_59, %eq3A_60 : i32
    %jit3A_62 = arith.constant 1 : i32
    %select_n3A_63 = arith.select %eq3A_61, %jit3A_62, %jit3A_59 : i32
    %rem3A_64 = vector.broadcast %select_n3A_63 : i32 to vector<128x40xi32>
    %rem3A_65 = arith.remsi %iota3A, %rem3A_64 : vector<128x40xi32>
    %ne3A_66 = arith.constant 0 : i32
    %ne3A_67 = vector.broadcast %ne3A_66 : i32 to vector<128x40xi32>
    %ne3A_68 = arith.cmpi ne, %rem3A_65, %ne3A_67 : vector<128x40xi32>
    %lt3A = arith.constant 0 : i32
    %lt3A_69 = vector.broadcast %lt3A : i32 to vector<128x40xi32>
    %lt3A_70 = arith.cmpi slt, %rem3A_65, %lt3A_69 : vector<128x40xi32>
    %lt3A_71 = arith.constant 0 : i32
    %lt3A_72 = arith.cmpi slt, %select_n3A_63, %lt3A_71 : i32
    %ne3A_73 = vector.broadcast %lt3A_72 : i1 to vector<128x40xi1>
    %ne3A_74 = vector.broadcast %ne3A_73 : vector<128x40xi1> to vector<128x40xi1>
    %ne3A_75 = arith.xori %lt3A_70, %ne3A_74 : vector<128x40xi1>
    %and3A_76 = arith.andi %ne3A_75, %ne3A_68 : vector<128x40xi1>
    %add3A = vector.broadcast %select_n3A_63 : i32 to vector<128x40xi32>
    %add3A_77 = arith.addi %rem3A_65, %add3A : vector<128x40xi32>
    %select_n3A_78 = arith.select %and3A_76, %add3A_77, %rem3A_65 : vector<128x40xi1>, vector<128x40xi32>
    %add3A_79 = vector.broadcast %mul3A_58 : vector<128x1xi32> to vector<128x40xi32>
    %add3A_80 = arith.addi %add3A_79, %select_n3A_78 : vector<128x40xi32>
    %select_n3A_81 = arith.select %eq3A_56, %add3A_80, %broadcast_in_dim3A_21 : vector<128x40xi1>, vector<128x40xi32>
    %eq3A_82 = vector.broadcast %broadcast_in_dim3A_27 : vector<128x1xi32> to vector<128x1000xi32>
    %eq3A_83 = arith.cmpi eq, %iota3A_0, %eq3A_82 : vector<128x1000xi32>
    %jit3A_84 = arith.constant 0xFF800000 : f32
    %broadcast_in_dim3A_85 = vector.broadcast %jit3A_84 : f32 to vector<128x1000xf32>
    %select_n3A_86 = arith.select %eq3A_83, %broadcast_in_dim3A_85, %dot_general3A_20 : vector<128x1000xi1>, vector<128x1000xf32>
    %reduce_max3A_87 = arith.constant dense<0xFF800000> : vector<128xf32>
    %reduce_max3A_88 = vector.multi_reduction <maximumf>, %select_n3A_86, %reduce_max3A_87 [1] : vector<128x1000xf32> to vector<128xf32>
    %broadcast_in_dim3A_89 = vector.shape_cast %reduce_max3A_88 : vector<128xf32> to vector<128x1xf32>
    %eq3A_90 = vector.broadcast %broadcast_in_dim3A_89 : vector<128x1xf32> to vector<128x1000xf32>
    %eq3A_91 = arith.cmpf oeq, %select_n3A_86, %eq3A_90 : vector<128x1000xf32>
    %jit3A_92 = arith.constant 1073741824 : i32
    %broadcast_in_dim3A_93 = vector.broadcast %jit3A_92 : i32 to vector<128x1000xi32>
    %select_n3A_94 = arith.select %eq3A_91, %iota3A_0, %broadcast_in_dim3A_93 : vector<128x1000xi1>, vector<128x1000xi32>
    %reduce_min3A_95 = arith.constant dense<2147483647> : vector<128xi32>
    %reduce_min3A_96 = vector.multi_reduction <minsi>, %select_n3A_94, %reduce_min3A_95 [1] : vector<128x1000xi32> to vector<128xi32>
    %broadcast_in_dim3A_97 = vector.shape_cast %reduce_min3A_96 : vector<128xi32> to vector<128x1xi32>
    %jit3A_98 = arith.constant 8 : i32
    %div3A_99 = vector.broadcast %jit3A_98 : i32 to vector<128x40xi32>
    %div3A_100 = arith.divsi %iota3A, %div3A_99 : vector<128x40xi32>
    %sign3A_101 = arith.constant 0 : i32
    %sign3A_102 = vector.broadcast %sign3A_101 : i32 to vector<128x40xi32>
    %sign3A_103 = arith.cmpi sgt, %iota3A, %sign3A_102 : vector<128x40xi32>
    %sign3A_104 = arith.extui %sign3A_103 : vector<128x40xi1> to vector<128x40xi32>
    %sign3A_105 = arith.constant 0 : i32
    %sign3A_106 = vector.broadcast %sign3A_105 : i32 to vector<128x40xi32>
    %sign3A_107 = arith.cmpi slt, %iota3A, %sign3A_106 : vector<128x40xi32>
    %sign3A_108 = arith.extui %sign3A_107 : vector<128x40xi1> to vector<128x40xi32>
    %sign3A_109 = arith.subi %sign3A_104, %sign3A_108 : vector<128x40xi32>
    %sign3A_110 = arith.constant 0 : i32
    %sign3A_111 = arith.cmpi sgt, %jit3A_98, %sign3A_110 : i32
    %sign3A_112 = arith.extui %sign3A_111 : i1 to i32
    %sign3A_113 = arith.constant 0 : i32
    %sign3A_114 = arith.cmpi slt, %jit3A_98, %sign3A_113 : i32
    %sign3A_115 = arith.extui %sign3A_114 : i1 to i32
    %sign3A_116 = arith.subi %sign3A_112, %sign3A_115 : i32
    %ne3A_117 = vector.broadcast %sign3A_116 : i32 to vector<128x40xi32>
    %ne3A_118 = arith.cmpi ne, %sign3A_109, %ne3A_117 : vector<128x40xi32>
    %rem3A_119 = vector.broadcast %jit3A_98 : i32 to vector<128x40xi32>
    %rem3A_120 = arith.remsi %iota3A, %rem3A_119 : vector<128x40xi32>
    %ne3A_121 = arith.constant 0 : i32
    %ne3A_122 = vector.broadcast %ne3A_121 : i32 to vector<128x40xi32>
    %ne3A_123 = arith.cmpi ne, %rem3A_120, %ne3A_122 : vector<128x40xi32>
    %and3A_124 = arith.andi %ne3A_118, %ne3A_123 : vector<128x40xi1>
    %sub3A_125 = arith.constant 1 : i32
    %sub3A_126 = vector.broadcast %sub3A_125 : i32 to vector<128x40xi32>
    %sub3A_127 = arith.subi %div3A_100, %sub3A_126 : vector<128x40xi32>
    %select_n3A_128 = arith.select %and3A_124, %sub3A_127, %div3A_100 : vector<128x40xi1>, vector<128x40xi32>
    %eq3A_129 = arith.constant 1 : i32
    %eq3A_130 = vector.broadcast %eq3A_129 : i32 to vector<128x40xi32>
    %eq3A_131 = arith.cmpi eq, %select_n3A_128, %eq3A_130 : vector<128x40xi32>
    %mul3A_132 = arith.constant 8 : i32
    %mul3A_133 = vector.broadcast %mul3A_132 : i32 to vector<128x1xi32>
    %mul3A_134 = arith.muli %broadcast_in_dim3A_97, %mul3A_133 : vector<128x1xi32>
    %jit3A_135 = arith.constant 8 : i32
    %eq3A_136 = arith.constant 0 : i32
    %eq3A_137 = arith.cmpi eq, %jit3A_135, %eq3A_136 : i32
    %jit3A_138 = arith.constant 1 : i32
    %select_n3A_139 = arith.select %eq3A_137, %jit3A_138, %jit3A_135 : i32
    %rem3A_140 = vector.broadcast %select_n3A_139 : i32 to vector<128x40xi32>
    %rem3A_141 = arith.remsi %iota3A, %rem3A_140 : vector<128x40xi32>
    %ne3A_142 = arith.constant 0 : i32
    %ne3A_143 = vector.broadcast %ne3A_142 : i32 to vector<128x40xi32>
    %ne3A_144 = arith.cmpi ne, %rem3A_141, %ne3A_143 : vector<128x40xi32>
    %lt3A_145 = arith.constant 0 : i32
    %lt3A_146 = vector.broadcast %lt3A_145 : i32 to vector<128x40xi32>
    %lt3A_147 = arith.cmpi slt, %rem3A_141, %lt3A_146 : vector<128x40xi32>
    %lt3A_148 = arith.constant 0 : i32
    %lt3A_149 = arith.cmpi slt, %select_n3A_139, %lt3A_148 : i32
    %ne3A_150 = vector.broadcast %lt3A_149 : i1 to vector<128x40xi1>
    %ne3A_151 = vector.broadcast %ne3A_150 : vector<128x40xi1> to vector<128x40xi1>
    %ne3A_152 = arith.xori %lt3A_147, %ne3A_151 : vector<128x40xi1>
    %and3A_153 = arith.andi %ne3A_152, %ne3A_144 : vector<128x40xi1>
    %add3A_154 = vector.broadcast %select_n3A_139 : i32 to vector<128x40xi32>
    %add3A_155 = arith.addi %rem3A_141, %add3A_154 : vector<128x40xi32>
    %select_n3A_156 = arith.select %and3A_153, %add3A_155, %rem3A_141 : vector<128x40xi1>, vector<128x40xi32>
    %add3A_157 = vector.broadcast %mul3A_134 : vector<128x1xi32> to vector<128x40xi32>
    %add3A_158 = arith.addi %add3A_157, %select_n3A_156 : vector<128x40xi32>
    %select_n3A_159 = arith.select %eq3A_131, %add3A_158, %select_n3A_81 : vector<128x40xi1>, vector<128x40xi32>
    %eq3A_160 = vector.broadcast %broadcast_in_dim3A_97 : vector<128x1xi32> to vector<128x1000xi32>
    %eq3A_161 = arith.cmpi eq, %iota3A_0, %eq3A_160 : vector<128x1000xi32>
    %jit3A_162 = arith.constant 0xFF800000 : f32
    %broadcast_in_dim3A_163 = vector.broadcast %jit3A_162 : f32 to vector<128x1000xf32>
    %select_n3A_164 = arith.select %eq3A_161, %broadcast_in_dim3A_163, %select_n3A_86 : vector<128x1000xi1>, vector<128x1000xf32>
    %reduce_max3A_165 = arith.constant dense<0xFF800000> : vector<128xf32>
    %reduce_max3A_166 = vector.multi_reduction <maximumf>, %select_n3A_164, %reduce_max3A_165 [1] : vector<128x1000xf32> to vector<128xf32>
    %broadcast_in_dim3A_167 = vector.shape_cast %reduce_max3A_166 : vector<128xf32> to vector<128x1xf32>
    %eq3A_168 = vector.broadcast %broadcast_in_dim3A_167 : vector<128x1xf32> to vector<128x1000xf32>
    %eq3A_169 = arith.cmpf oeq, %select_n3A_164, %eq3A_168 : vector<128x1000xf32>
    %jit3A_170 = arith.constant 1073741824 : i32
    %broadcast_in_dim3A_171 = vector.broadcast %jit3A_170 : i32 to vector<128x1000xi32>
    %select_n3A_172 = arith.select %eq3A_169, %iota3A_0, %broadcast_in_dim3A_171 : vector<128x1000xi1>, vector<128x1000xi32>
    %reduce_min3A_173 = arith.constant dense<2147483647> : vector<128xi32>
    %reduce_min3A_174 = vector.multi_reduction <minsi>, %select_n3A_172, %reduce_min3A_173 [1] : vector<128x1000xi32> to vector<128xi32>
    %broadcast_in_dim3A_175 = vector.shape_cast %reduce_min3A_174 : vector<128xi32> to vector<128x1xi32>
    %jit3A_176 = arith.constant 8 : i32
    %div3A_177 = vector.broadcast %jit3A_176 : i32 to vector<128x40xi32>
    %div3A_178 = arith.divsi %iota3A, %div3A_177 : vector<128x40xi32>
    %sign3A_179 = arith.constant 0 : i32
    %sign3A_180 = vector.broadcast %sign3A_179 : i32 to vector<128x40xi32>
    %sign3A_181 = arith.cmpi sgt, %iota3A, %sign3A_180 : vector<128x40xi32>
    %sign3A_182 = arith.extui %sign3A_181 : vector<128x40xi1> to vector<128x40xi32>
    %sign3A_183 = arith.constant 0 : i32
    %sign3A_184 = vector.broadcast %sign3A_183 : i32 to vector<128x40xi32>
    %sign3A_185 = arith.cmpi slt, %iota3A, %sign3A_184 : vector<128x40xi32>
    %sign3A_186 = arith.extui %sign3A_185 : vector<128x40xi1> to vector<128x40xi32>
    %sign3A_187 = arith.subi %sign3A_182, %sign3A_186 : vector<128x40xi32>
    %sign3A_188 = arith.constant 0 : i32
    %sign3A_189 = arith.cmpi sgt, %jit3A_176, %sign3A_188 : i32
    %sign3A_190 = arith.extui %sign3A_189 : i1 to i32
    %sign3A_191 = arith.constant 0 : i32
    %sign3A_192 = arith.cmpi slt, %jit3A_176, %sign3A_191 : i32
    %sign3A_193 = arith.extui %sign3A_192 : i1 to i32
    %sign3A_194 = arith.subi %sign3A_190, %sign3A_193 : i32
    %ne3A_195 = vector.broadcast %sign3A_194 : i32 to vector<128x40xi32>
    %ne3A_196 = arith.cmpi ne, %sign3A_187, %ne3A_195 : vector<128x40xi32>
    %rem3A_197 = vector.broadcast %jit3A_176 : i32 to vector<128x40xi32>
    %rem3A_198 = arith.remsi %iota3A, %rem3A_197 : vector<128x40xi32>
    %ne3A_199 = arith.constant 0 : i32
    %ne3A_200 = vector.broadcast %ne3A_199 : i32 to vector<128x40xi32>
    %ne3A_201 = arith.cmpi ne, %rem3A_198, %ne3A_200 : vector<128x40xi32>
    %and3A_202 = arith.andi %ne3A_196, %ne3A_201 : vector<128x40xi1>
    %sub3A_203 = arith.constant 1 : i32
    %sub3A_204 = vector.broadcast %sub3A_203 : i32 to vector<128x40xi32>
    %sub3A_205 = arith.subi %div3A_178, %sub3A_204 : vector<128x40xi32>
    %select_n3A_206 = arith.select %and3A_202, %sub3A_205, %div3A_178 : vector<128x40xi1>, vector<128x40xi32>
    %eq3A_207 = arith.constant 2 : i32
    %eq3A_208 = vector.broadcast %eq3A_207 : i32 to vector<128x40xi32>
    %eq3A_209 = arith.cmpi eq, %select_n3A_206, %eq3A_208 : vector<128x40xi32>
    %mul3A_210 = arith.constant 8 : i32
    %mul3A_211 = vector.broadcast %mul3A_210 : i32 to vector<128x1xi32>
    %mul3A_212 = arith.muli %broadcast_in_dim3A_175, %mul3A_211 : vector<128x1xi32>
    %jit3A_213 = arith.constant 8 : i32
    %eq3A_214 = arith.constant 0 : i32
    %eq3A_215 = arith.cmpi eq, %jit3A_213, %eq3A_214 : i32
    %jit3A_216 = arith.constant 1 : i32
    %select_n3A_217 = arith.select %eq3A_215, %jit3A_216, %jit3A_213 : i32
    %rem3A_218 = vector.broadcast %select_n3A_217 : i32 to vector<128x40xi32>
    %rem3A_219 = arith.remsi %iota3A, %rem3A_218 : vector<128x40xi32>
    %ne3A_220 = arith.constant 0 : i32
    %ne3A_221 = vector.broadcast %ne3A_220 : i32 to vector<128x40xi32>
    %ne3A_222 = arith.cmpi ne, %rem3A_219, %ne3A_221 : vector<128x40xi32>
    %lt3A_223 = arith.constant 0 : i32
    %lt3A_224 = vector.broadcast %lt3A_223 : i32 to vector<128x40xi32>
    %lt3A_225 = arith.cmpi slt, %rem3A_219, %lt3A_224 : vector<128x40xi32>
    %lt3A_226 = arith.constant 0 : i32
    %lt3A_227 = arith.cmpi slt, %select_n3A_217, %lt3A_226 : i32
    %ne3A_228 = vector.broadcast %lt3A_227 : i1 to vector<128x40xi1>
    %ne3A_229 = vector.broadcast %ne3A_228 : vector<128x40xi1> to vector<128x40xi1>
    %ne3A_230 = arith.xori %lt3A_225, %ne3A_229 : vector<128x40xi1>
    %and3A_231 = arith.andi %ne3A_230, %ne3A_222 : vector<128x40xi1>
    %add3A_232 = vector.broadcast %select_n3A_217 : i32 to vector<128x40xi32>
    %add3A_233 = arith.addi %rem3A_219, %add3A_232 : vector<128x40xi32>
    %select_n3A_234 = arith.select %and3A_231, %add3A_233, %rem3A_219 : vector<128x40xi1>, vector<128x40xi32>
    %add3A_235 = vector.broadcast %mul3A_212 : vector<128x1xi32> to vector<128x40xi32>
    %add3A_236 = arith.addi %add3A_235, %select_n3A_234 : vector<128x40xi32>
    %select_n3A_237 = arith.select %eq3A_209, %add3A_236, %select_n3A_159 : vector<128x40xi1>, vector<128x40xi32>
    %eq3A_238 = vector.broadcast %broadcast_in_dim3A_175 : vector<128x1xi32> to vector<128x1000xi32>
    %eq3A_239 = arith.cmpi eq, %iota3A_0, %eq3A_238 : vector<128x1000xi32>
    %jit3A_240 = arith.constant 0xFF800000 : f32
    %broadcast_in_dim3A_241 = vector.broadcast %jit3A_240 : f32 to vector<128x1000xf32>
    %select_n3A_242 = arith.select %eq3A_239, %broadcast_in_dim3A_241, %select_n3A_164 : vector<128x1000xi1>, vector<128x1000xf32>
    %reduce_max3A_243 = arith.constant dense<0xFF800000> : vector<128xf32>
    %reduce_max3A_244 = vector.multi_reduction <maximumf>, %select_n3A_242, %reduce_max3A_243 [1] : vector<128x1000xf32> to vector<128xf32>
    %broadcast_in_dim3A_245 = vector.shape_cast %reduce_max3A_244 : vector<128xf32> to vector<128x1xf32>
    %eq3A_246 = vector.broadcast %broadcast_in_dim3A_245 : vector<128x1xf32> to vector<128x1000xf32>
    %eq3A_247 = arith.cmpf oeq, %select_n3A_242, %eq3A_246 : vector<128x1000xf32>
    %jit3A_248 = arith.constant 1073741824 : i32
    %broadcast_in_dim3A_249 = vector.broadcast %jit3A_248 : i32 to vector<128x1000xi32>
    %select_n3A_250 = arith.select %eq3A_247, %iota3A_0, %broadcast_in_dim3A_249 : vector<128x1000xi1>, vector<128x1000xi32>
    %reduce_min3A_251 = arith.constant dense<2147483647> : vector<128xi32>
    %reduce_min3A_252 = vector.multi_reduction <minsi>, %select_n3A_250, %reduce_min3A_251 [1] : vector<128x1000xi32> to vector<128xi32>
    %broadcast_in_dim3A_253 = vector.shape_cast %reduce_min3A_252 : vector<128xi32> to vector<128x1xi32>
    %jit3A_254 = arith.constant 8 : i32
    %div3A_255 = vector.broadcast %jit3A_254 : i32 to vector<128x40xi32>
    %div3A_256 = arith.divsi %iota3A, %div3A_255 : vector<128x40xi32>
    %sign3A_257 = arith.constant 0 : i32
    %sign3A_258 = vector.broadcast %sign3A_257 : i32 to vector<128x40xi32>
    %sign3A_259 = arith.cmpi sgt, %iota3A, %sign3A_258 : vector<128x40xi32>
    %sign3A_260 = arith.extui %sign3A_259 : vector<128x40xi1> to vector<128x40xi32>
    %sign3A_261 = arith.constant 0 : i32
    %sign3A_262 = vector.broadcast %sign3A_261 : i32 to vector<128x40xi32>
    %sign3A_263 = arith.cmpi slt, %iota3A, %sign3A_262 : vector<128x40xi32>
    %sign3A_264 = arith.extui %sign3A_263 : vector<128x40xi1> to vector<128x40xi32>
    %sign3A_265 = arith.subi %sign3A_260, %sign3A_264 : vector<128x40xi32>
    %sign3A_266 = arith.constant 0 : i32
    %sign3A_267 = arith.cmpi sgt, %jit3A_254, %sign3A_266 : i32
    %sign3A_268 = arith.extui %sign3A_267 : i1 to i32
    %sign3A_269 = arith.constant 0 : i32
    %sign3A_270 = arith.cmpi slt, %jit3A_254, %sign3A_269 : i32
    %sign3A_271 = arith.extui %sign3A_270 : i1 to i32
    %sign3A_272 = arith.subi %sign3A_268, %sign3A_271 : i32
    %ne3A_273 = vector.broadcast %sign3A_272 : i32 to vector<128x40xi32>
    %ne3A_274 = arith.cmpi ne, %sign3A_265, %ne3A_273 : vector<128x40xi32>
    %rem3A_275 = vector.broadcast %jit3A_254 : i32 to vector<128x40xi32>
    %rem3A_276 = arith.remsi %iota3A, %rem3A_275 : vector<128x40xi32>
    %ne3A_277 = arith.constant 0 : i32
    %ne3A_278 = vector.broadcast %ne3A_277 : i32 to vector<128x40xi32>
    %ne3A_279 = arith.cmpi ne, %rem3A_276, %ne3A_278 : vector<128x40xi32>
    %and3A_280 = arith.andi %ne3A_274, %ne3A_279 : vector<128x40xi1>
    %sub3A_281 = arith.constant 1 : i32
    %sub3A_282 = vector.broadcast %sub3A_281 : i32 to vector<128x40xi32>
    %sub3A_283 = arith.subi %div3A_256, %sub3A_282 : vector<128x40xi32>
    %select_n3A_284 = arith.select %and3A_280, %sub3A_283, %div3A_256 : vector<128x40xi1>, vector<128x40xi32>
    %eq3A_285 = arith.constant 3 : i32
    %eq3A_286 = vector.broadcast %eq3A_285 : i32 to vector<128x40xi32>
    %eq3A_287 = arith.cmpi eq, %select_n3A_284, %eq3A_286 : vector<128x40xi32>
    %mul3A_288 = arith.constant 8 : i32
    %mul3A_289 = vector.broadcast %mul3A_288 : i32 to vector<128x1xi32>
    %mul3A_290 = arith.muli %broadcast_in_dim3A_253, %mul3A_289 : vector<128x1xi32>
    %jit3A_291 = arith.constant 8 : i32
    %eq3A_292 = arith.constant 0 : i32
    %eq3A_293 = arith.cmpi eq, %jit3A_291, %eq3A_292 : i32
    %jit3A_294 = arith.constant 1 : i32
    %select_n3A_295 = arith.select %eq3A_293, %jit3A_294, %jit3A_291 : i32
    %rem3A_296 = vector.broadcast %select_n3A_295 : i32 to vector<128x40xi32>
    %rem3A_297 = arith.remsi %iota3A, %rem3A_296 : vector<128x40xi32>
    %ne3A_298 = arith.constant 0 : i32
    %ne3A_299 = vector.broadcast %ne3A_298 : i32 to vector<128x40xi32>
    %ne3A_300 = arith.cmpi ne, %rem3A_297, %ne3A_299 : vector<128x40xi32>
    %lt3A_301 = arith.constant 0 : i32
    %lt3A_302 = vector.broadcast %lt3A_301 : i32 to vector<128x40xi32>
    %lt3A_303 = arith.cmpi slt, %rem3A_297, %lt3A_302 : vector<128x40xi32>
    %lt3A_304 = arith.constant 0 : i32
    %lt3A_305 = arith.cmpi slt, %select_n3A_295, %lt3A_304 : i32
    %ne3A_306 = vector.broadcast %lt3A_305 : i1 to vector<128x40xi1>
    %ne3A_307 = vector.broadcast %ne3A_306 : vector<128x40xi1> to vector<128x40xi1>
    %ne3A_308 = arith.xori %lt3A_303, %ne3A_307 : vector<128x40xi1>
    %and3A_309 = arith.andi %ne3A_308, %ne3A_300 : vector<128x40xi1>
    %add3A_310 = vector.broadcast %select_n3A_295 : i32 to vector<128x40xi32>
    %add3A_311 = arith.addi %rem3A_297, %add3A_310 : vector<128x40xi32>
    %select_n3A_312 = arith.select %and3A_309, %add3A_311, %rem3A_297 : vector<128x40xi1>, vector<128x40xi32>
    %add3A_313 = vector.broadcast %mul3A_290 : vector<128x1xi32> to vector<128x40xi32>
    %add3A_314 = arith.addi %add3A_313, %select_n3A_312 : vector<128x40xi32>
    %select_n3A_315 = arith.select %eq3A_287, %add3A_314, %select_n3A_237 : vector<128x40xi1>, vector<128x40xi32>
    %eq3A_316 = vector.broadcast %broadcast_in_dim3A_253 : vector<128x1xi32> to vector<128x1000xi32>
    %eq3A_317 = arith.cmpi eq, %iota3A_0, %eq3A_316 : vector<128x1000xi32>
    %jit3A_318 = arith.constant 0xFF800000 : f32
    %broadcast_in_dim3A_319 = vector.broadcast %jit3A_318 : f32 to vector<128x1000xf32>
    %select_n3A_320 = arith.select %eq3A_317, %broadcast_in_dim3A_319, %select_n3A_242 : vector<128x1000xi1>, vector<128x1000xf32>
    %reduce_max3A_321 = arith.constant dense<0xFF800000> : vector<128xf32>
    %reduce_max3A_322 = vector.multi_reduction <maximumf>, %select_n3A_320, %reduce_max3A_321 [1] : vector<128x1000xf32> to vector<128xf32>
    %broadcast_in_dim3A_323 = vector.shape_cast %reduce_max3A_322 : vector<128xf32> to vector<128x1xf32>
    %eq3A_324 = vector.broadcast %broadcast_in_dim3A_323 : vector<128x1xf32> to vector<128x1000xf32>
    %eq3A_325 = arith.cmpf oeq, %select_n3A_320, %eq3A_324 : vector<128x1000xf32>
    %jit3A_326 = arith.constant 1073741824 : i32
    %broadcast_in_dim3A_327 = vector.broadcast %jit3A_326 : i32 to vector<128x1000xi32>
    %select_n3A_328 = arith.select %eq3A_325, %iota3A_0, %broadcast_in_dim3A_327 : vector<128x1000xi1>, vector<128x1000xi32>
    %reduce_min3A_329 = arith.constant dense<2147483647> : vector<128xi32>
    %reduce_min3A_330 = vector.multi_reduction <minsi>, %select_n3A_328, %reduce_min3A_329 [1] : vector<128x1000xi32> to vector<128xi32>
    %broadcast_in_dim3A_331 = vector.shape_cast %reduce_min3A_330 : vector<128xi32> to vector<128x1xi32>
    %jit3A_332 = arith.constant 8 : i32
    %div3A_333 = vector.broadcast %jit3A_332 : i32 to vector<128x40xi32>
    %div3A_334 = arith.divsi %iota3A, %div3A_333 : vector<128x40xi32>
    %sign3A_335 = arith.constant 0 : i32
    %sign3A_336 = vector.broadcast %sign3A_335 : i32 to vector<128x40xi32>
    %sign3A_337 = arith.cmpi sgt, %iota3A, %sign3A_336 : vector<128x40xi32>
    %sign3A_338 = arith.extui %sign3A_337 : vector<128x40xi1> to vector<128x40xi32>
    %sign3A_339 = arith.constant 0 : i32
    %sign3A_340 = vector.broadcast %sign3A_339 : i32 to vector<128x40xi32>
    %sign3A_341 = arith.cmpi slt, %iota3A, %sign3A_340 : vector<128x40xi32>
    %sign3A_342 = arith.extui %sign3A_341 : vector<128x40xi1> to vector<128x40xi32>
    %sign3A_343 = arith.subi %sign3A_338, %sign3A_342 : vector<128x40xi32>
    %sign3A_344 = arith.constant 0 : i32
    %sign3A_345 = arith.cmpi sgt, %jit3A_332, %sign3A_344 : i32
    %sign3A_346 = arith.extui %sign3A_345 : i1 to i32
    %sign3A_347 = arith.constant 0 : i32
    %sign3A_348 = arith.cmpi slt, %jit3A_332, %sign3A_347 : i32
    %sign3A_349 = arith.extui %sign3A_348 : i1 to i32
    %sign3A_350 = arith.subi %sign3A_346, %sign3A_349 : i32
    %ne3A_351 = vector.broadcast %sign3A_350 : i32 to vector<128x40xi32>
    %ne3A_352 = arith.cmpi ne, %sign3A_343, %ne3A_351 : vector<128x40xi32>
    %rem3A_353 = vector.broadcast %jit3A_332 : i32 to vector<128x40xi32>
    %rem3A_354 = arith.remsi %iota3A, %rem3A_353 : vector<128x40xi32>
    %ne3A_355 = arith.constant 0 : i32
    %ne3A_356 = vector.broadcast %ne3A_355 : i32 to vector<128x40xi32>
    %ne3A_357 = arith.cmpi ne, %rem3A_354, %ne3A_356 : vector<128x40xi32>
    %and3A_358 = arith.andi %ne3A_352, %ne3A_357 : vector<128x40xi1>
    %sub3A_359 = arith.constant 1 : i32
    %sub3A_360 = vector.broadcast %sub3A_359 : i32 to vector<128x40xi32>
    %sub3A_361 = arith.subi %div3A_334, %sub3A_360 : vector<128x40xi32>
    %select_n3A_362 = arith.select %and3A_358, %sub3A_361, %div3A_334 : vector<128x40xi1>, vector<128x40xi32>
    %eq3A_363 = arith.constant 4 : i32
    %eq3A_364 = vector.broadcast %eq3A_363 : i32 to vector<128x40xi32>
    %eq3A_365 = arith.cmpi eq, %select_n3A_362, %eq3A_364 : vector<128x40xi32>
    %mul3A_366 = arith.constant 8 : i32
    %mul3A_367 = vector.broadcast %mul3A_366 : i32 to vector<128x1xi32>
    %mul3A_368 = arith.muli %broadcast_in_dim3A_331, %mul3A_367 : vector<128x1xi32>
    %jit3A_369 = arith.constant 8 : i32
    %eq3A_370 = arith.constant 0 : i32
    %eq3A_371 = arith.cmpi eq, %jit3A_369, %eq3A_370 : i32
    %jit3A_372 = arith.constant 1 : i32
    %select_n3A_373 = arith.select %eq3A_371, %jit3A_372, %jit3A_369 : i32
    %rem3A_374 = vector.broadcast %select_n3A_373 : i32 to vector<128x40xi32>
    %rem3A_375 = arith.remsi %iota3A, %rem3A_374 : vector<128x40xi32>
    %ne3A_376 = arith.constant 0 : i32
    %ne3A_377 = vector.broadcast %ne3A_376 : i32 to vector<128x40xi32>
    %ne3A_378 = arith.cmpi ne, %rem3A_375, %ne3A_377 : vector<128x40xi32>
    %lt3A_379 = arith.constant 0 : i32
    %lt3A_380 = vector.broadcast %lt3A_379 : i32 to vector<128x40xi32>
    %lt3A_381 = arith.cmpi slt, %rem3A_375, %lt3A_380 : vector<128x40xi32>
    %lt3A_382 = arith.constant 0 : i32
    %lt3A_383 = arith.cmpi slt, %select_n3A_373, %lt3A_382 : i32
    %ne3A_384 = vector.broadcast %lt3A_383 : i1 to vector<128x40xi1>
    %ne3A_385 = vector.broadcast %ne3A_384 : vector<128x40xi1> to vector<128x40xi1>
    %ne3A_386 = arith.xori %lt3A_381, %ne3A_385 : vector<128x40xi1>
    %and3A_387 = arith.andi %ne3A_386, %ne3A_378 : vector<128x40xi1>
    %add3A_388 = vector.broadcast %select_n3A_373 : i32 to vector<128x40xi32>
    %add3A_389 = arith.addi %rem3A_375, %add3A_388 : vector<128x40xi32>
    %select_n3A_390 = arith.select %and3A_387, %add3A_389, %rem3A_375 : vector<128x40xi1>, vector<128x40xi32>
    %add3A_391 = vector.broadcast %mul3A_368 : vector<128x1xi32> to vector<128x40xi32>
    %add3A_392 = arith.addi %add3A_391, %select_n3A_390 : vector<128x40xi32>
    %select_n3A_393 = arith.select %eq3A_365, %add3A_392, %select_n3A_315 : vector<128x40xi1>, vector<128x40xi32>
    %swap3A = arith.constant 0 : index
    %swap3A_394 = arith.constant 0 : index
    %swap3A_395 = arith.constant 0 : index
    %swap3A_396 = vector.load %arg8[%swap3A, %swap3A_394, %swap3A_395] : memref<3x128x40xi32, #tpu.memory_space<vmem>>, vector<1x128x40xi32>
    %swap3A_397 = vector.shape_cast %swap3A_396 : vector<1x128x40xi32> to vector<128x40xi32>
    %swap3A_398 = vector.shape_cast %select_n3A_393 : vector<128x40xi32> to vector<1x128x40xi32>
    tpu.vector_store %arg8[%swap3A, %swap3A_394, %swap3A_395], %swap3A_398 {strides = array<i32>} : memref<3x128x40xi32, #tpu.memory_space<vmem>>, vector<1x128x40xi32>,
    %get3A_399 = arith.constant 0 : index
    %get3A_400 = arith.constant 0 : index
    %get3A_401 = vector.load %arg4[%get3A_399, %get3A_400] : memref<1000x768xf32, #tpu.memory_space<vmem>>, vector<1000x768xf32>
    %get3A_402 = arith.constant 1 : index
    %get3A_403 = arith.constant 0 : index
    %get3A_404 = arith.constant 0 : index
    %get3A_405 = vector.load %arg7[%get3A_402, %get3A_403, %get3A_404] : memref<3x1000x1xf32, #tpu.memory_space<vmem>>, vector<1x1000x1xf32>
    %get3A_406 = vector.shape_cast %get3A_405 : vector<1x1000x1xf32> to vector<1000x1xf32>
    %div3A_407 = vector.broadcast %get3A_406 : vector<1000x1xf32> to vector<1000x768xf32>
    %div3A_408 = arith.divf %get3A_401, %div3A_407 : vector<1000x768xf32>
    %get3A_409 = arith.constant 0 : index
    %get3A_410 = arith.constant 0 : index
    %get3A_411 = vector.load %arg1[%get3A_409, %get3A_410] : memref<128x768xf32, #tpu.memory_space<vmem>>, vector<128x768xf32>
    %get3A_412 = arith.constant 1 : index
    %get3A_413 = arith.constant 0 : index
    %get3A_414 = arith.constant 0 : index
    %get3A_415 = vector.load %arg6[%get3A_412, %get3A_413, %get3A_414] : memref<3x128x1xf32, #tpu.memory_space<vmem>>, vector<1x128x1xf32>
    %get3A_416 = vector.shape_cast %get3A_415 : vector<1x128x1xf32> to vector<128x1xf32>
    %div3A_417 = vector.broadcast %get3A_416 : vector<128x1xf32> to vector<128x768xf32>
    %div3A_418 = arith.divf %get3A_411, %div3A_417 : vector<128x768xf32>
    %convert_element_type3A_419 = arith.truncf %div3A_418 : vector<128x768xf32> to vector<128x768xbf16>
    %convert_element_type3A_420 = arith.truncf %div3A_408 : vector<1000x768xf32> to vector<1000x768xbf16>
    %dot_general3A_421 = arith.constant dense<0.000000e+00> : vector<128x1000xf32>
    %dot_general3A_422 = tpu.matmul %convert_element_type3A_419, %convert_element_type3A_420, %dot_general3A_421 {dimension_numbers = #tpu.dot_dimension_numbers<[1], [1], [0], [0], [0, 0, 1, 0], [], []>, transpose_lhs_hint = false} : vector<128x768xbf16>, vector<1000x768xbf16>, vector<128x1000xf32> -> vector<128x1000xf32>
    %broadcast_in_dim3A_423 = arith.constant 0 : i32
    %broadcast_in_dim3A_424 = vector.broadcast %broadcast_in_dim3A_423 : i32 to vector<128x40xi32>
    %reduce_max3A_425 = arith.constant dense<0xFF800000> : vector<128xf32>
    %reduce_max3A_426 = vector.multi_reduction <maximumf>, %dot_general3A_422, %reduce_max3A_425 [1] : vector<128x1000xf32> to vector<128xf32>
    %broadcast_in_dim3A_427 = vector.shape_cast %reduce_max3A_426 : vector<128xf32> to vector<128x1xf32>
    %eq3A_428 = vector.broadcast %broadcast_in_dim3A_427 : vector<128x1xf32> to vector<128x1000xf32>
    %eq3A_429 = arith.cmpf oeq, %dot_general3A_422, %eq3A_428 : vector<128x1000xf32>
    %jit3A_430 = arith.constant 1073741824 : i32
    %broadcast_in_dim3A_431 = vector.broadcast %jit3A_430 : i32 to vector<128x1000xi32>
    %select_n3A_432 = arith.select %eq3A_429, %iota3A_0, %broadcast_in_dim3A_431 : vector<128x1000xi1>, vector<128x1000xi32>
    %reduce_min3A_433 = arith.constant dense<2147483647> : vector<128xi32>
    %reduce_min3A_434 = vector.multi_reduction <minsi>, %select_n3A_432, %reduce_min3A_433 [1] : vector<128x1000xi32> to vector<128xi32>
    %broadcast_in_dim3A_435 = vector.shape_cast %reduce_min3A_434 : vector<128xi32> to vector<128x1xi32>
    %jit3A_436 = arith.constant 8 : i32
    %div3A_437 = vector.broadcast %jit3A_436 : i32 to vector<128x40xi32>
    %div3A_438 = arith.divsi %iota3A, %div3A_437 : vector<128x40xi32>
    %sign3A_439 = arith.constant 0 : i32
    %sign3A_440 = vector.broadcast %sign3A_439 : i32 to vector<128x40xi32>
    %sign3A_441 = arith.cmpi sgt, %iota3A, %sign3A_440 : vector<128x40xi32>
    %sign3A_442 = arith.extui %sign3A_441 : vector<128x40xi1> to vector<128x40xi32>
    %sign3A_443 = arith.constant 0 : i32
    %sign3A_444 = vector.broadcast %sign3A_443 : i32 to vector<128x40xi32>
    %sign3A_445 = arith.cmpi slt, %iota3A, %sign3A_444 : vector<128x40xi32>
    %sign3A_446 = arith.extui %sign3A_445 : vector<128x40xi1> to vector<128x40xi32>
    %sign3A_447 = arith.subi %sign3A_442, %sign3A_446 : vector<128x40xi32>
    %sign3A_448 = arith.constant 0 : i32
    %sign3A_449 = arith.cmpi sgt, %jit3A_436, %sign3A_448 : i32
    %sign3A_450 = arith.extui %sign3A_449 : i1 to i32
    %sign3A_451 = arith.constant 0 : i32
    %sign3A_452 = arith.cmpi slt, %jit3A_436, %sign3A_451 : i32
    %sign3A_453 = arith.extui %sign3A_452 : i1 to i32
    %sign3A_454 = arith.subi %sign3A_450, %sign3A_453 : i32
    %ne3A_455 = vector.broadcast %sign3A_454 : i32 to vector<128x40xi32>
    %ne3A_456 = arith.cmpi ne, %sign3A_447, %ne3A_455 : vector<128x40xi32>
    %rem3A_457 = vector.broadcast %jit3A_436 : i32 to vector<128x40xi32>
    %rem3A_458 = arith.remsi %iota3A, %rem3A_457 : vector<128x40xi32>
    %ne3A_459 = arith.constant 0 : i32
    %ne3A_460 = vector.broadcast %ne3A_459 : i32 to vector<128x40xi32>
    %ne3A_461 = arith.cmpi ne, %rem3A_458, %ne3A_460 : vector<128x40xi32>
    %and3A_462 = arith.andi %ne3A_456, %ne3A_461 : vector<128x40xi1>
    %sub3A_463 = arith.constant 1 : i32
    %sub3A_464 = vector.broadcast %sub3A_463 : i32 to vector<128x40xi32>
    %sub3A_465 = arith.subi %div3A_438, %sub3A_464 : vector<128x40xi32>
    %select_n3A_466 = arith.select %and3A_462, %sub3A_465, %div3A_438 : vector<128x40xi1>, vector<128x40xi32>
    %eq3A_467 = arith.constant 0 : i32
    %eq3A_468 = vector.broadcast %eq3A_467 : i32 to vector<128x40xi32>
    %eq3A_469 = arith.cmpi eq, %select_n3A_466, %eq3A_468 : vector<128x40xi32>
    %mul3A_470 = arith.constant 8 : i32
    %mul3A_471 = vector.broadcast %mul3A_470 : i32 to vector<128x1xi32>
    %mul3A_472 = arith.muli %broadcast_in_dim3A_435, %mul3A_471 : vector<128x1xi32>
    %jit3A_473 = arith.constant 8 : i32
    %eq3A_474 = arith.constant 0 : i32
    %eq3A_475 = arith.cmpi eq, %jit3A_473, %eq3A_474 : i32
    %jit3A_476 = arith.constant 1 : i32
    %select_n3A_477 = arith.select %eq3A_475, %jit3A_476, %jit3A_473 : i32
    %rem3A_478 = vector.broadcast %select_n3A_477 : i32 to vector<128x40xi32>
    %rem3A_479 = arith.remsi %iota3A, %rem3A_478 : vector<128x40xi32>
    %ne3A_480 = arith.constant 0 : i32
    %ne3A_481 = vector.broadcast %ne3A_480 : i32 to vector<128x40xi32>
    %ne3A_482 = arith.cmpi ne, %rem3A_479, %ne3A_481 : vector<128x40xi32>
    %lt3A_483 = arith.constant 0 : i32
    %lt3A_484 = vector.broadcast %lt3A_483 : i32 to vector<128x40xi32>
    %lt3A_485 = arith.cmpi slt, %rem3A_479, %lt3A_484 : vector<128x40xi32>
    %lt3A_486 = arith.constant 0 : i32
    %lt3A_487 = arith.cmpi slt, %select_n3A_477, %lt3A_486 : i32
    %ne3A_488 = vector.broadcast %lt3A_487 : i1 to vector<128x40xi1>
    %ne3A_489 = vector.broadcast %ne3A_488 : vector<128x40xi1> to vector<128x40xi1>
    %ne3A_490 = arith.xori %lt3A_485, %ne3A_489 : vector<128x40xi1>
    %and3A_491 = arith.andi %ne3A_490, %ne3A_482 : vector<128x40xi1>
    %add3A_492 = vector.broadcast %select_n3A_477 : i32 to vector<128x40xi32>
    %add3A_493 = arith.addi %rem3A_479, %add3A_492 : vector<128x40xi32>
    %select_n3A_494 = arith.select %and3A_491, %add3A_493, %rem3A_479 : vector<128x40xi1>, vector<128x40xi32>
    %add3A_495 = vector.broadcast %mul3A_472 : vector<128x1xi32> to vector<128x40xi32>
    %add3A_496 = arith.addi %add3A_495, %select_n3A_494 : vector<128x40xi32>
    %select_n3A_497 = arith.select %eq3A_469, %add3A_496, %broadcast_in_dim3A_424 : vector<128x40xi1>, vector<128x40xi32>
    %eq3A_498 = vector.broadcast %broadcast_in_dim3A_435 : vector<128x1xi32> to vector<128x1000xi32>
    %eq3A_499 = arith.cmpi eq, %iota3A_0, %eq3A_498 : vector<128x1000xi32>
    %jit3A_500 = arith.constant 0xFF800000 : f32
    %broadcast_in_dim3A_501 = vector.broadcast %jit3A_500 : f32 to vector<128x1000xf32>
    %select_n3A_502 = arith.select %eq3A_499, %broadcast_in_dim3A_501, %dot_general3A_422 : vector<128x1000xi1>, vector<128x1000xf32>
    %reduce_max3A_503 = arith.constant dense<0xFF800000> : vector<128xf32>
    %reduce_max3A_504 = vector.multi_reduction <maximumf>, %select_n3A_502, %reduce_max3A_503 [1] : vector<128x1000xf32> to vector<128xf32>
    %broadcast_in_dim3A_505 = vector.shape_cast %reduce_max3A_504 : vector<128xf32> to vector<128x1xf32>
    %eq3A_506 = vector.broadcast %broadcast_in_dim3A_505 : vector<128x1xf32> to vector<128x1000xf32>
    %eq3A_507 = arith.cmpf oeq, %select_n3A_502, %eq3A_506 : vector<128x1000xf32>
    %jit3A_508 = arith.constant 1073741824 : i32
    %broadcast_in_dim3A_509 = vector.broadcast %jit3A_508 : i32 to vector<128x1000xi32>
    %select_n3A_510 = arith.select %eq3A_507, %iota3A_0, %broadcast_in_dim3A_509 : vector<128x1000xi1>, vector<128x1000xi32>
    %reduce_min3A_511 = arith.constant dense<2147483647> : vector<128xi32>
    %reduce_min3A_512 = vector.multi_reduction <minsi>, %select_n3A_510, %reduce_min3A_511 [1] : vector<128x1000xi32> to vector<128xi32>
    %broadcast_in_dim3A_513 = vector.shape_cast %reduce_min3A_512 : vector<128xi32> to vector<128x1xi32>
    %jit3A_514 = arith.constant 8 : i32
    %div3A_515 = vector.broadcast %jit3A_514 : i32 to vector<128x40xi32>
    %div3A_516 = arith.divsi %iota3A, %div3A_515 : vector<128x40xi32>
    %sign3A_517 = arith.constant 0 : i32
    %sign3A_518 = vector.broadcast %sign3A_517 : i32 to vector<128x40xi32>
    %sign3A_519 = arith.cmpi sgt, %iota3A, %sign3A_518 : vector<128x40xi32>
    %sign3A_520 = arith.extui %sign3A_519 : vector<128x40xi1> to vector<128x40xi32>
    %sign3A_521 = arith.constant 0 : i32
    %sign3A_522 = vector.broadcast %sign3A_521 : i32 to vector<128x40xi32>
    %sign3A_523 = arith.cmpi slt, %iota3A, %sign3A_522 : vector<128x40xi32>
    %sign3A_524 = arith.extui %sign3A_523 : vector<128x40xi1> to vector<128x40xi32>
    %sign3A_525 = arith.subi %sign3A_520, %sign3A_524 : vector<128x40xi32>
    %sign3A_526 = arith.constant 0 : i32
    %sign3A_527 = arith.cmpi sgt, %jit3A_514, %sign3A_526 : i32
    %sign3A_528 = arith.extui %sign3A_527 : i1 to i32
    %sign3A_529 = arith.constant 0 : i32
    %sign3A_530 = arith.cmpi slt, %jit3A_514, %sign3A_529 : i32
    %sign3A_531 = arith.extui %sign3A_530 : i1 to i32
    %sign3A_532 = arith.subi %sign3A_528, %sign3A_531 : i32
    %ne3A_533 = vector.broadcast %sign3A_532 : i32 to vector<128x40xi32>
    %ne3A_534 = arith.cmpi ne, %sign3A_525, %ne3A_533 : vector<128x40xi32>
    %rem3A_535 = vector.broadcast %jit3A_514 : i32 to vector<128x40xi32>
    %rem3A_536 = arith.remsi %iota3A, %rem3A_535 : vector<128x40xi32>
    %ne3A_537 = arith.constant 0 : i32
    %ne3A_538 = vector.broadcast %ne3A_537 : i32 to vector<128x40xi32>
    %ne3A_539 = arith.cmpi ne, %rem3A_536, %ne3A_538 : vector<128x40xi32>
    %and3A_540 = arith.andi %ne3A_534, %ne3A_539 : vector<128x40xi1>
    %sub3A_541 = arith.constant 1 : i32
    %sub3A_542 = vector.broadcast %sub3A_541 : i32 to vector<128x40xi32>
    %sub3A_543 = arith.subi %div3A_516, %sub3A_542 : vector<128x40xi32>
    %select_n3A_544 = arith.select %and3A_540, %sub3A_543, %div3A_516 : vector<128x40xi1>, vector<128x40xi32>
    %eq3A_545 = arith.constant 1 : i32
    %eq3A_546 = vector.broadcast %eq3A_545 : i32 to vector<128x40xi32>
    %eq3A_547 = arith.cmpi eq, %select_n3A_544, %eq3A_546 : vector<128x40xi32>
    %mul3A_548 = arith.constant 8 : i32
    %mul3A_549 = vector.broadcast %mul3A_548 : i32 to vector<128x1xi32>
    %mul3A_550 = arith.muli %broadcast_in_dim3A_513, %mul3A_549 : vector<128x1xi32>
    %jit3A_551 = arith.constant 8 : i32
    %eq3A_552 = arith.constant 0 : i32
    %eq3A_553 = arith.cmpi eq, %jit3A_551, %eq3A_552 : i32
    %jit3A_554 = arith.constant 1 : i32
    %select_n3A_555 = arith.select %eq3A_553, %jit3A_554, %jit3A_551 : i32
    %rem3A_556 = vector.broadcast %select_n3A_555 : i32 to vector<128x40xi32>
    %rem3A_557 = arith.remsi %iota3A, %rem3A_556 : vector<128x40xi32>
    %ne3A_558 = arith.constant 0 : i32
    %ne3A_559 = vector.broadcast %ne3A_558 : i32 to vector<128x40xi32>
    %ne3A_560 = arith.cmpi ne, %rem3A_557, %ne3A_559 : vector<128x40xi32>
    %lt3A_561 = arith.constant 0 : i32
    %lt3A_562 = vector.broadcast %lt3A_561 : i32 to vector<128x40xi32>
    %lt3A_563 = arith.cmpi slt, %rem3A_557, %lt3A_562 : vector<128x40xi32>
    %lt3A_564 = arith.constant 0 : i32
    %lt3A_565 = arith.cmpi slt, %select_n3A_555, %lt3A_564 : i32
    %ne3A_566 = vector.broadcast %lt3A_565 : i1 to vector<128x40xi1>
    %ne3A_567 = vector.broadcast %ne3A_566 : vector<128x40xi1> to vector<128x40xi1>
    %ne3A_568 = arith.xori %lt3A_563, %ne3A_567 : vector<128x40xi1>
    %and3A_569 = arith.andi %ne3A_568, %ne3A_560 : vector<128x40xi1>
    %add3A_570 = vector.broadcast %select_n3A_555 : i32 to vector<128x40xi32>
    %add3A_571 = arith.addi %rem3A_557, %add3A_570 : vector<128x40xi32>
    %select_n3A_572 = arith.select %and3A_569, %add3A_571, %rem3A_557 : vector<128x40xi1>, vector<128x40xi32>
    %add3A_573 = vector.broadcast %mul3A_550 : vector<128x1xi32> to vector<128x40xi32>
    %add3A_574 = arith.addi %add3A_573, %select_n3A_572 : vector<128x40xi32>
    %select_n3A_575 = arith.select %eq3A_547, %add3A_574, %select_n3A_497 : vector<128x40xi1>, vector<128x40xi32>
    %eq3A_576 = vector.broadcast %broadcast_in_dim3A_513 : vector<128x1xi32> to vector<128x1000xi32>
    %eq3A_577 = arith.cmpi eq, %iota3A_0, %eq3A_576 : vector<128x1000xi32>
    %jit3A_578 = arith.constant 0xFF800000 : f32
    %broadcast_in_dim3A_579 = vector.broadcast %jit3A_578 : f32 to vector<128x1000xf32>
    %select_n3A_580 = arith.select %eq3A_577, %broadcast_in_dim3A_579, %select_n3A_502 : vector<128x1000xi1>, vector<128x1000xf32>
    %reduce_max3A_581 = arith.constant dense<0xFF800000> : vector<128xf32>
    %reduce_max3A_582 = vector.multi_reduction <maximumf>, %select_n3A_580, %reduce_max3A_581 [1] : vector<128x1000xf32> to vector<128xf32>
    %broadcast_in_dim3A_583 = vector.shape_cast %reduce_max3A_582 : vector<128xf32> to vector<128x1xf32>
    %eq3A_584 = vector.broadcast %broadcast_in_dim3A_583 : vector<128x1xf32> to vector<128x1000xf32>
    %eq3A_585 = arith.cmpf oeq, %select_n3A_580, %eq3A_584 : vector<128x1000xf32>
    %jit3A_586 = arith.constant 1073741824 : i32
    %broadcast_in_dim3A_587 = vector.broadcast %jit3A_586 : i32 to vector<128x1000xi32>
    %select_n3A_588 = arith.select %eq3A_585, %iota3A_0, %broadcast_in_dim3A_587 : vector<128x1000xi1>, vector<128x1000xi32>
    %reduce_min3A_589 = arith.constant dense<2147483647> : vector<128xi32>
    %reduce_min3A_590 = vector.multi_reduction <minsi>, %select_n3A_588, %reduce_min3A_589 [1] : vector<128x1000xi32> to vector<128xi32>
    %broadcast_in_dim3A_591 = vector.shape_cast %reduce_min3A_590 : vector<128xi32> to vector<128x1xi32>
    %jit3A_592 = arith.constant 8 : i32
    %div3A_593 = vector.broadcast %jit3A_592 : i32 to vector<128x40xi32>
    %div3A_594 = arith.divsi %iota3A, %div3A_593 : vector<128x40xi32>
    %sign3A_595 = arith.constant 0 : i32
    %sign3A_596 = vector.broadcast %sign3A_595 : i32 to vector<128x40xi32>
    %sign3A_597 = arith.cmpi sgt, %iota3A, %sign3A_596 : vector<128x40xi32>
    %sign3A_598 = arith.extui %sign3A_597 : vector<128x40xi1> to vector<128x40xi32>
    %sign3A_599 = arith.constant 0 : i32
    %sign3A_600 = vector.broadcast %sign3A_599 : i32 to vector<128x40xi32>
    %sign3A_601 = arith.cmpi slt, %iota3A, %sign3A_600 : vector<128x40xi32>
    %sign3A_602 = arith.extui %sign3A_601 : vector<128x40xi1> to vector<128x40xi32>
    %sign3A_603 = arith.subi %sign3A_598, %sign3A_602 : vector<128x40xi32>
    %sign3A_604 = arith.constant 0 : i32
    %sign3A_605 = arith.cmpi sgt, %jit3A_592, %sign3A_604 : i32
    %sign3A_606 = arith.extui %sign3A_605 : i1 to i32
    %sign3A_607 = arith.constant 0 : i32
    %sign3A_608 = arith.cmpi slt, %jit3A_592, %sign3A_607 : i32
    %sign3A_609 = arith.extui %sign3A_608 : i1 to i32
    %sign3A_610 = arith.subi %sign3A_606, %sign3A_609 : i32
    %ne3A_611 = vector.broadcast %sign3A_610 : i32 to vector<128x40xi32>
    %ne3A_612 = arith.cmpi ne, %sign3A_603, %ne3A_611 : vector<128x40xi32>
    %rem3A_613 = vector.broadcast %jit3A_592 : i32 to vector<128x40xi32>
    %rem3A_614 = arith.remsi %iota3A, %rem3A_613 : vector<128x40xi32>
    %ne3A_615 = arith.constant 0 : i32
    %ne3A_616 = vector.broadcast %ne3A_615 : i32 to vector<128x40xi32>
    %ne3A_617 = arith.cmpi ne, %rem3A_614, %ne3A_616 : vector<128x40xi32>
    %and3A_618 = arith.andi %ne3A_612, %ne3A_617 : vector<128x40xi1>
    %sub3A_619 = arith.constant 1 : i32
    %sub3A_620 = vector.broadcast %sub3A_619 : i32 to vector<128x40xi32>
    %sub3A_621 = arith.subi %div3A_594, %sub3A_620 : vector<128x40xi32>
    %select_n3A_622 = arith.select %and3A_618, %sub3A_621, %div3A_594 : vector<128x40xi1>, vector<128x40xi32>
    %eq3A_623 = arith.constant 2 : i32
    %eq3A_624 = vector.broadcast %eq3A_623 : i32 to vector<128x40xi32>
    %eq3A_625 = arith.cmpi eq, %select_n3A_622, %eq3A_624 : vector<128x40xi32>
    %mul3A_626 = arith.constant 8 : i32
    %mul3A_627 = vector.broadcast %mul3A_626 : i32 to vector<128x1xi32>
    %mul3A_628 = arith.muli %broadcast_in_dim3A_591, %mul3A_627 : vector<128x1xi32>
    %jit3A_629 = arith.constant 8 : i32
    %eq3A_630 = arith.constant 0 : i32
    %eq3A_631 = arith.cmpi eq, %jit3A_629, %eq3A_630 : i32
    %jit3A_632 = arith.constant 1 : i32
    %select_n3A_633 = arith.select %eq3A_631, %jit3A_632, %jit3A_629 : i32
    %rem3A_634 = vector.broadcast %select_n3A_633 : i32 to vector<128x40xi32>
    %rem3A_635 = arith.remsi %iota3A, %rem3A_634 : vector<128x40xi32>
    %ne3A_636 = arith.constant 0 : i32
    %ne3A_637 = vector.broadcast %ne3A_636 : i32 to vector<128x40xi32>
    %ne3A_638 = arith.cmpi ne, %rem3A_635, %ne3A_637 : vector<128x40xi32>
    %lt3A_639 = arith.constant 0 : i32
    %lt3A_640 = vector.broadcast %lt3A_639 : i32 to vector<128x40xi32>
    %lt3A_641 = arith.cmpi slt, %rem3A_635, %lt3A_640 : vector<128x40xi32>
    %lt3A_642 = arith.constant 0 : i32
    %lt3A_643 = arith.cmpi slt, %select_n3A_633, %lt3A_642 : i32
    %ne3A_644 = vector.broadcast %lt3A_643 : i1 to vector<128x40xi1>
    %ne3A_645 = vector.broadcast %ne3A_644 : vector<128x40xi1> to vector<128x40xi1>
    %ne3A_646 = arith.xori %lt3A_641, %ne3A_645 : vector<128x40xi1>
    %and3A_647 = arith.andi %ne3A_646, %ne3A_638 : vector<128x40xi1>
    %add3A_648 = vector.broadcast %select_n3A_633 : i32 to vector<128x40xi32>
    %add3A_649 = arith.addi %rem3A_635, %add3A_648 : vector<128x40xi32>
    %select_n3A_650 = arith.select %and3A_647, %add3A_649, %rem3A_635 : vector<128x40xi1>, vector<128x40xi32>
    %add3A_651 = vector.broadcast %mul3A_628 : vector<128x1xi32> to vector<128x40xi32>
    %add3A_652 = arith.addi %add3A_651, %select_n3A_650 : vector<128x40xi32>
    %select_n3A_653 = arith.select %eq3A_625, %add3A_652, %select_n3A_575 : vector<128x40xi1>, vector<128x40xi32>
    %eq3A_654 = vector.broadcast %broadcast_in_dim3A_591 : vector<128x1xi32> to vector<128x1000xi32>
    %eq3A_655 = arith.cmpi eq, %iota3A_0, %eq3A_654 : vector<128x1000xi32>
    %jit3A_656 = arith.constant 0xFF800000 : f32
    %broadcast_in_dim3A_657 = vector.broadcast %jit3A_656 : f32 to vector<128x1000xf32>
    %select_n3A_658 = arith.select %eq3A_655, %broadcast_in_dim3A_657, %select_n3A_580 : vector<128x1000xi1>, vector<128x1000xf32>
    %reduce_max3A_659 = arith.constant dense<0xFF800000> : vector<128xf32>
    %reduce_max3A_660 = vector.multi_reduction <maximumf>, %select_n3A_658, %reduce_max3A_659 [1] : vector<128x1000xf32> to vector<128xf32>
    %broadcast_in_dim3A_661 = vector.shape_cast %reduce_max3A_660 : vector<128xf32> to vector<128x1xf32>
    %eq3A_662 = vector.broadcast %broadcast_in_dim3A_661 : vector<128x1xf32> to vector<128x1000xf32>
    %eq3A_663 = arith.cmpf oeq, %select_n3A_658, %eq3A_662 : vector<128x1000xf32>
    %jit3A_664 = arith.constant 1073741824 : i32
    %broadcast_in_dim3A_665 = vector.broadcast %jit3A_664 : i32 to vector<128x1000xi32>
    %select_n3A_666 = arith.select %eq3A_663, %iota3A_0, %broadcast_in_dim3A_665 : vector<128x1000xi1>, vector<128x1000xi32>
    %reduce_min3A_667 = arith.constant dense<2147483647> : vector<128xi32>
    %reduce_min3A_668 = vector.multi_reduction <minsi>, %select_n3A_666, %reduce_min3A_667 [1] : vector<128x1000xi32> to vector<128xi32>
    %broadcast_in_dim3A_669 = vector.shape_cast %reduce_min3A_668 : vector<128xi32> to vector<128x1xi32>
    %jit3A_670 = arith.constant 8 : i32
    %div3A_671 = vector.broadcast %jit3A_670 : i32 to vector<128x40xi32>
    %div3A_672 = arith.divsi %iota3A, %div3A_671 : vector<128x40xi32>
    %sign3A_673 = arith.constant 0 : i32
    %sign3A_674 = vector.broadcast %sign3A_673 : i32 to vector<128x40xi32>
    %sign3A_675 = arith.cmpi sgt, %iota3A, %sign3A_674 : vector<128x40xi32>
    %sign3A_676 = arith.extui %sign3A_675 : vector<128x40xi1> to vector<128x40xi32>
    %sign3A_677 = arith.constant 0 : i32
    %sign3A_678 = vector.broadcast %sign3A_677 : i32 to vector<128x40xi32>
    %sign3A_679 = arith.cmpi slt, %iota3A, %sign3A_678 : vector<128x40xi32>
    %sign3A_680 = arith.extui %sign3A_679 : vector<128x40xi1> to vector<128x40xi32>
    %sign3A_681 = arith.subi %sign3A_676, %sign3A_680 : vector<128x40xi32>
    %sign3A_682 = arith.constant 0 : i32
    %sign3A_683 = arith.cmpi sgt, %jit3A_670, %sign3A_682 : i32
    %sign3A_684 = arith.extui %sign3A_683 : i1 to i32
    %sign3A_685 = arith.constant 0 : i32
    %sign3A_686 = arith.cmpi slt, %jit3A_670, %sign3A_685 : i32
    %sign3A_687 = arith.extui %sign3A_686 : i1 to i32
    %sign3A_688 = arith.subi %sign3A_684, %sign3A_687 : i32
    %ne3A_689 = vector.broadcast %sign3A_688 : i32 to vector<128x40xi32>
    %ne3A_690 = arith.cmpi ne, %sign3A_681, %ne3A_689 : vector<128x40xi32>
    %rem3A_691 = vector.broadcast %jit3A_670 : i32 to vector<128x40xi32>
    %rem3A_692 = arith.remsi %iota3A, %rem3A_691 : vector<128x40xi32>
    %ne3A_693 = arith.constant 0 : i32
    %ne3A_694 = vector.broadcast %ne3A_693 : i32 to vector<128x40xi32>
    %ne3A_695 = arith.cmpi ne, %rem3A_692, %ne3A_694 : vector<128x40xi32>
    %and3A_696 = arith.andi %ne3A_690, %ne3A_695 : vector<128x40xi1>
    %sub3A_697 = arith.constant 1 : i32
    %sub3A_698 = vector.broadcast %sub3A_697 : i32 to vector<128x40xi32>
    %sub3A_699 = arith.subi %div3A_672, %sub3A_698 : vector<128x40xi32>
    %select_n3A_700 = arith.select %and3A_696, %sub3A_699, %div3A_672 : vector<128x40xi1>, vector<128x40xi32>
    %eq3A_701 = arith.constant 3 : i32
    %eq3A_702 = vector.broadcast %eq3A_701 : i32 to vector<128x40xi32>
    %eq3A_703 = arith.cmpi eq, %select_n3A_700, %eq3A_702 : vector<128x40xi32>
    %mul3A_704 = arith.constant 8 : i32
    %mul3A_705 = vector.broadcast %mul3A_704 : i32 to vector<128x1xi32>
    %mul3A_706 = arith.muli %broadcast_in_dim3A_669, %mul3A_705 : vector<128x1xi32>
    %jit3A_707 = arith.constant 8 : i32
    %eq3A_708 = arith.constant 0 : i32
    %eq3A_709 = arith.cmpi eq, %jit3A_707, %eq3A_708 : i32
    %jit3A_710 = arith.constant 1 : i32
    %select_n3A_711 = arith.select %eq3A_709, %jit3A_710, %jit3A_707 : i32
    %rem3A_712 = vector.broadcast %select_n3A_711 : i32 to vector<128x40xi32>
    %rem3A_713 = arith.remsi %iota3A, %rem3A_712 : vector<128x40xi32>
    %ne3A_714 = arith.constant 0 : i32
    %ne3A_715 = vector.broadcast %ne3A_714 : i32 to vector<128x40xi32>
    %ne3A_716 = arith.cmpi ne, %rem3A_713, %ne3A_715 : vector<128x40xi32>
    %lt3A_717 = arith.constant 0 : i32
    %lt3A_718 = vector.broadcast %lt3A_717 : i32 to vector<128x40xi32>
    %lt3A_719 = arith.cmpi slt, %rem3A_713, %lt3A_718 : vector<128x40xi32>
    %lt3A_720 = arith.constant 0 : i32
    %lt3A_721 = arith.cmpi slt, %select_n3A_711, %lt3A_720 : i32
    %ne3A_722 = vector.broadcast %lt3A_721 : i1 to vector<128x40xi1>
    %ne3A_723 = vector.broadcast %ne3A_722 : vector<128x40xi1> to vector<128x40xi1>
    %ne3A_724 = arith.xori %lt3A_719, %ne3A_723 : vector<128x40xi1>
    %and3A_725 = arith.andi %ne3A_724, %ne3A_716 : vector<128x40xi1>
    %add3A_726 = vector.broadcast %select_n3A_711 : i32 to vector<128x40xi32>
    %add3A_727 = arith.addi %rem3A_713, %add3A_726 : vector<128x40xi32>
    %select_n3A_728 = arith.select %and3A_725, %add3A_727, %rem3A_713 : vector<128x40xi1>, vector<128x40xi32>
    %add3A_729 = vector.broadcast %mul3A_706 : vector<128x1xi32> to vector<128x40xi32>
    %add3A_730 = arith.addi %add3A_729, %select_n3A_728 : vector<128x40xi32>
    %select_n3A_731 = arith.select %eq3A_703, %add3A_730, %select_n3A_653 : vector<128x40xi1>, vector<128x40xi32>
    %eq3A_732 = vector.broadcast %broadcast_in_dim3A_669 : vector<128x1xi32> to vector<128x1000xi32>
    %eq3A_733 = arith.cmpi eq, %iota3A_0, %eq3A_732 : vector<128x1000xi32>
    %jit3A_734 = arith.constant 0xFF800000 : f32
    %broadcast_in_dim3A_735 = vector.broadcast %jit3A_734 : f32 to vector<128x1000xf32>
    %select_n3A_736 = arith.select %eq3A_733, %broadcast_in_dim3A_735, %select_n3A_658 : vector<128x1000xi1>, vector<128x1000xf32>
    %reduce_max3A_737 = arith.constant dense<0xFF800000> : vector<128xf32>
    %reduce_max3A_738 = vector.multi_reduction <maximumf>, %select_n3A_736, %reduce_max3A_737 [1] : vector<128x1000xf32> to vector<128xf32>
    %broadcast_in_dim3A_739 = vector.shape_cast %reduce_max3A_738 : vector<128xf32> to vector<128x1xf32>
    %eq3A_740 = vector.broadcast %broadcast_in_dim3A_739 : vector<128x1xf32> to vector<128x1000xf32>
    %eq3A_741 = arith.cmpf oeq, %select_n3A_736, %eq3A_740 : vector<128x1000xf32>
    %jit3A_742 = arith.constant 1073741824 : i32
    %broadcast_in_dim3A_743 = vector.broadcast %jit3A_742 : i32 to vector<128x1000xi32>
    %select_n3A_744 = arith.select %eq3A_741, %iota3A_0, %broadcast_in_dim3A_743 : vector<128x1000xi1>, vector<128x1000xi32>
    %reduce_min3A_745 = arith.constant dense<2147483647> : vector<128xi32>
    %reduce_min3A_746 = vector.multi_reduction <minsi>, %select_n3A_744, %reduce_min3A_745 [1] : vector<128x1000xi32> to vector<128xi32>
    %broadcast_in_dim3A_747 = vector.shape_cast %reduce_min3A_746 : vector<128xi32> to vector<128x1xi32>
    %jit3A_748 = arith.constant 8 : i32
    %div3A_749 = vector.broadcast %jit3A_748 : i32 to vector<128x40xi32>
    %div3A_750 = arith.divsi %iota3A, %div3A_749 : vector<128x40xi32>
    %sign3A_751 = arith.constant 0 : i32
    %sign3A_752 = vector.broadcast %sign3A_751 : i32 to vector<128x40xi32>
    %sign3A_753 = arith.cmpi sgt, %iota3A, %sign3A_752 : vector<128x40xi32>
    %sign3A_754 = arith.extui %sign3A_753 : vector<128x40xi1> to vector<128x40xi32>
    %sign3A_755 = arith.constant 0 : i32
    %sign3A_756 = vector.broadcast %sign3A_755 : i32 to vector<128x40xi32>
    %sign3A_757 = arith.cmpi slt, %iota3A, %sign3A_756 : vector<128x40xi32>
    %sign3A_758 = arith.extui %sign3A_757 : vector<128x40xi1> to vector<128x40xi32>
    %sign3A_759 = arith.subi %sign3A_754, %sign3A_758 : vector<128x40xi32>
    %sign3A_760 = arith.constant 0 : i32
    %sign3A_761 = arith.cmpi sgt, %jit3A_748, %sign3A_760 : i32
    %sign3A_762 = arith.extui %sign3A_761 : i1 to i32
    %sign3A_763 = arith.constant 0 : i32
    %sign3A_764 = arith.cmpi slt, %jit3A_748, %sign3A_763 : i32
    %sign3A_765 = arith.extui %sign3A_764 : i1 to i32
    %sign3A_766 = arith.subi %sign3A_762, %sign3A_765 : i32
    %ne3A_767 = vector.broadcast %sign3A_766 : i32 to vector<128x40xi32>
    %ne3A_768 = arith.cmpi ne, %sign3A_759, %ne3A_767 : vector<128x40xi32>
    %rem3A_769 = vector.broadcast %jit3A_748 : i32 to vector<128x40xi32>
    %rem3A_770 = arith.remsi %iota3A, %rem3A_769 : vector<128x40xi32>
    %ne3A_771 = arith.constant 0 : i32
    %ne3A_772 = vector.broadcast %ne3A_771 : i32 to vector<128x40xi32>
    %ne3A_773 = arith.cmpi ne, %rem3A_770, %ne3A_772 : vector<128x40xi32>
    %and3A_774 = arith.andi %ne3A_768, %ne3A_773 : vector<128x40xi1>
    %sub3A_775 = arith.constant 1 : i32
    %sub3A_776 = vector.broadcast %sub3A_775 : i32 to vector<128x40xi32>
    %sub3A_777 = arith.subi %div3A_750, %sub3A_776 : vector<128x40xi32>
    %select_n3A_778 = arith.select %and3A_774, %sub3A_777, %div3A_750 : vector<128x40xi1>, vector<128x40xi32>
    %eq3A_779 = arith.constant 4 : i32
    %eq3A_780 = vector.broadcast %eq3A_779 : i32 to vector<128x40xi32>
    %eq3A_781 = arith.cmpi eq, %select_n3A_778, %eq3A_780 : vector<128x40xi32>
    %mul3A_782 = arith.constant 8 : i32
    %mul3A_783 = vector.broadcast %mul3A_782 : i32 to vector<128x1xi32>
    %mul3A_784 = arith.muli %broadcast_in_dim3A_747, %mul3A_783 : vector<128x1xi32>
    %jit3A_785 = arith.constant 8 : i32
    %eq3A_786 = arith.constant 0 : i32
    %eq3A_787 = arith.cmpi eq, %jit3A_785, %eq3A_786 : i32
    %jit3A_788 = arith.constant 1 : i32
    %select_n3A_789 = arith.select %eq3A_787, %jit3A_788, %jit3A_785 : i32
    %rem3A_790 = vector.broadcast %select_n3A_789 : i32 to vector<128x40xi32>
    %rem3A_791 = arith.remsi %iota3A, %rem3A_790 : vector<128x40xi32>
    %ne3A_792 = arith.constant 0 : i32
    %ne3A_793 = vector.broadcast %ne3A_792 : i32 to vector<128x40xi32>
    %ne3A_794 = arith.cmpi ne, %rem3A_791, %ne3A_793 : vector<128x40xi32>
    %lt3A_795 = arith.constant 0 : i32
    %lt3A_796 = vector.broadcast %lt3A_795 : i32 to vector<128x40xi32>
    %lt3A_797 = arith.cmpi slt, %rem3A_791, %lt3A_796 : vector<128x40xi32>
    %lt3A_798 = arith.constant 0 : i32
    %lt3A_799 = arith.cmpi slt, %select_n3A_789, %lt3A_798 : i32
    %ne3A_800 = vector.broadcast %lt3A_799 : i1 to vector<128x40xi1>
    %ne3A_801 = vector.broadcast %ne3A_800 : vector<128x40xi1> to vector<128x40xi1>
    %ne3A_802 = arith.xori %lt3A_797, %ne3A_801 : vector<128x40xi1>
    %and3A_803 = arith.andi %ne3A_802, %ne3A_794 : vector<128x40xi1>
    %add3A_804 = vector.broadcast %select_n3A_789 : i32 to vector<128x40xi32>
    %add3A_805 = arith.addi %rem3A_791, %add3A_804 : vector<128x40xi32>
    %select_n3A_806 = arith.select %and3A_803, %add3A_805, %rem3A_791 : vector<128x40xi1>, vector<128x40xi32>
    %add3A_807 = vector.broadcast %mul3A_784 : vector<128x1xi32> to vector<128x40xi32>
    %add3A_808 = arith.addi %add3A_807, %select_n3A_806 : vector<128x40xi32>
    %select_n3A_809 = arith.select %eq3A_781, %add3A_808, %select_n3A_731 : vector<128x40xi1>, vector<128x40xi32>
    %swap3A_810 = arith.constant 1 : index
    %swap3A_811 = arith.constant 0 : index
    %swap3A_812 = arith.constant 0 : index
    %swap3A_813 = vector.load %arg8[%swap3A_810, %swap3A_811, %swap3A_812] : memref<3x128x40xi32, #tpu.memory_space<vmem>>, vector<1x128x40xi32>
    %swap3A_814 = vector.shape_cast %swap3A_813 : vector<1x128x40xi32> to vector<128x40xi32>
    %swap3A_815 = vector.shape_cast %select_n3A_809 : vector<128x40xi32> to vector<1x128x40xi32>
    tpu.vector_store %arg8[%swap3A_810, %swap3A_811, %swap3A_812], %swap3A_815 {strides = array<i32>} : memref<3x128x40xi32, #tpu.memory_space<vmem>>, vector<1x128x40xi32>,
    %get3A_816 = arith.constant 0 : index
    %get3A_817 = arith.constant 0 : index
    %get3A_818 = vector.load %arg5[%get3A_816, %get3A_817] : memref<1000x768xf32, #tpu.memory_space<vmem>>, vector<1000x768xf32>
    %get3A_819 = arith.constant 2 : index
    %get3A_820 = arith.constant 0 : index
    %get3A_821 = arith.constant 0 : index
    %get3A_822 = vector.load %arg7[%get3A_819, %get3A_820, %get3A_821] : memref<3x1000x1xf32, #tpu.memory_space<vmem>>, vector<1x1000x1xf32>
    %get3A_823 = vector.shape_cast %get3A_822 : vector<1x1000x1xf32> to vector<1000x1xf32>
    %div3A_824 = vector.broadcast %get3A_823 : vector<1000x1xf32> to vector<1000x768xf32>
    %div3A_825 = arith.divf %get3A_818, %div3A_824 : vector<1000x768xf32>
    %get3A_826 = arith.constant 0 : index
    %get3A_827 = arith.constant 0 : index
    %get3A_828 = vector.load %arg2[%get3A_826, %get3A_827] : memref<128x768xf32, #tpu.memory_space<vmem>>, vector<128x768xf32>
    %get3A_829 = arith.constant 2 : index
    %get3A_830 = arith.constant 0 : index
    %get3A_831 = arith.constant 0 : index
    %get3A_832 = vector.load %arg6[%get3A_829, %get3A_830, %get3A_831] : memref<3x128x1xf32, #tpu.memory_space<vmem>>, vector<1x128x1xf32>
    %get3A_833 = vector.shape_cast %get3A_832 : vector<1x128x1xf32> to vector<128x1xf32>
    %div3A_834 = vector.broadcast %get3A_833 : vector<128x1xf32> to vector<128x768xf32>
    %div3A_835 = arith.divf %get3A_828, %div3A_834 : vector<128x768xf32>
    %convert_element_type3A_836 = arith.truncf %div3A_835 : vector<128x768xf32> to vector<128x768xbf16>
    %convert_element_type3A_837 = arith.truncf %div3A_825 : vector<1000x768xf32> to vector<1000x768xbf16>
    %dot_general3A_838 = arith.constant dense<0.000000e+00> : vector<128x1000xf32>
    %dot_general3A_839 = tpu.matmul %convert_element_type3A_836, %convert_element_type3A_837, %dot_general3A_838 {dimension_numbers = #tpu.dot_dimension_numbers<[1], [1], [0], [0], [0, 0, 1, 0], [], []>, transpose_lhs_hint = false} : vector<128x768xbf16>, vector<1000x768xbf16>, vector<128x1000xf32> -> vector<128x1000xf32>
    %broadcast_in_dim3A_840 = arith.constant 0 : i32
    %broadcast_in_dim3A_841 = vector.broadcast %broadcast_in_dim3A_840 : i32 to vector<128x40xi32>
    %reduce_max3A_842 = arith.constant dense<0xFF800000> : vector<128xf32>
    %reduce_max3A_843 = vector.multi_reduction <maximumf>, %dot_general3A_839, %reduce_max3A_842 [1] : vector<128x1000xf32> to vector<128xf32>
    %broadcast_in_dim3A_844 = vector.shape_cast %reduce_max3A_843 : vector<128xf32> to vector<128x1xf32>
    %eq3A_845 = vector.broadcast %broadcast_in_dim3A_844 : vector<128x1xf32> to vector<128x1000xf32>
    %eq3A_846 = arith.cmpf oeq, %dot_general3A_839, %eq3A_845 : vector<128x1000xf32>
    %jit3A_847 = arith.constant 1073741824 : i32
    %broadcast_in_dim3A_848 = vector.broadcast %jit3A_847 : i32 to vector<128x1000xi32>
    %select_n3A_849 = arith.select %eq3A_846, %iota3A_0, %broadcast_in_dim3A_848 : vector<128x1000xi1>, vector<128x1000xi32>
    %reduce_min3A_850 = arith.constant dense<2147483647> : vector<128xi32>
    %reduce_min3A_851 = vector.multi_reduction <minsi>, %select_n3A_849, %reduce_min3A_850 [1] : vector<128x1000xi32> to vector<128xi32>
    %broadcast_in_dim3A_852 = vector.shape_cast %reduce_min3A_851 : vector<128xi32> to vector<128x1xi32>
    %jit3A_853 = arith.constant 8 : i32
    %div3A_854 = vector.broadcast %jit3A_853 : i32 to vector<128x40xi32>
    %div3A_855 = arith.divsi %iota3A, %div3A_854 : vector<128x40xi32>
    %sign3A_856 = arith.constant 0 : i32
    %sign3A_857 = vector.broadcast %sign3A_856 : i32 to vector<128x40xi32>
    %sign3A_858 = arith.cmpi sgt, %iota3A, %sign3A_857 : vector<128x40xi32>
    %sign3A_859 = arith.extui %sign3A_858 : vector<128x40xi1> to vector<128x40xi32>
    %sign3A_860 = arith.constant 0 : i32
    %sign3A_861 = vector.broadcast %sign3A_860 : i32 to vector<128x40xi32>
    %sign3A_862 = arith.cmpi slt, %iota3A, %sign3A_861 : vector<128x40xi32>
    %sign3A_863 = arith.extui %sign3A_862 : vector<128x40xi1> to vector<128x40xi32>
    %sign3A_864 = arith.subi %sign3A_859, %sign3A_863 : vector<128x40xi32>
    %sign3A_865 = arith.constant 0 : i32
    %sign3A_866 = arith.cmpi sgt, %jit3A_853, %sign3A_865 : i32
    %sign3A_867 = arith.extui %sign3A_866 : i1 to i32
    %sign3A_868 = arith.constant 0 : i32
    %sign3A_869 = arith.cmpi slt, %jit3A_853, %sign3A_868 : i32
    %sign3A_870 = arith.extui %sign3A_869 : i1 to i32
    %sign3A_871 = arith.subi %sign3A_867, %sign3A_870 : i32
    %ne3A_872 = vector.broadcast %sign3A_871 : i32 to vector<128x40xi32>
    %ne3A_873 = arith.cmpi ne, %sign3A_864, %ne3A_872 : vector<128x40xi32>
    %rem3A_874 = vector.broadcast %jit3A_853 : i32 to vector<128x40xi32>
    %rem3A_875 = arith.remsi %iota3A, %rem3A_874 : vector<128x40xi32>
    %ne3A_876 = arith.constant 0 : i32
    %ne3A_877 = vector.broadcast %ne3A_876 : i32 to vector<128x40xi32>
    %ne3A_878 = arith.cmpi ne, %rem3A_875, %ne3A_877 : vector<128x40xi32>
    %and3A_879 = arith.andi %ne3A_873, %ne3A_878 : vector<128x40xi1>
    %sub3A_880 = arith.constant 1 : i32
    %sub3A_881 = vector.broadcast %sub3A_880 : i32 to vector<128x40xi32>
    %sub3A_882 = arith.subi %div3A_855, %sub3A_881 : vector<128x40xi32>
    %select_n3A_883 = arith.select %and3A_879, %sub3A_882, %div3A_855 : vector<128x40xi1>, vector<128x40xi32>
    %eq3A_884 = arith.constant 0 : i32
    %eq3A_885 = vector.broadcast %eq3A_884 : i32 to vector<128x40xi32>
    %eq3A_886 = arith.cmpi eq, %select_n3A_883, %eq3A_885 : vector<128x40xi32>
    %mul3A_887 = arith.constant 8 : i32
    %mul3A_888 = vector.broadcast %mul3A_887 : i32 to vector<128x1xi32>
    %mul3A_889 = arith.muli %broadcast_in_dim3A_852, %mul3A_888 : vector<128x1xi32>
    %jit3A_890 = arith.constant 8 : i32
    %eq3A_891 = arith.constant 0 : i32
    %eq3A_892 = arith.cmpi eq, %jit3A_890, %eq3A_891 : i32
    %jit3A_893 = arith.constant 1 : i32
    %select_n3A_894 = arith.select %eq3A_892, %jit3A_893, %jit3A_890 : i32
    %rem3A_895 = vector.broadcast %select_n3A_894 : i32 to vector<128x40xi32>
    %rem3A_896 = arith.remsi %iota3A, %rem3A_895 : vector<128x40xi32>
    %ne3A_897 = arith.constant 0 : i32
    %ne3A_898 = vector.broadcast %ne3A_897 : i32 to vector<128x40xi32>
    %ne3A_899 = arith.cmpi ne, %rem3A_896, %ne3A_898 : vector<128x40xi32>
    %lt3A_900 = arith.constant 0 : i32
    %lt3A_901 = vector.broadcast %lt3A_900 : i32 to vector<128x40xi32>
    %lt3A_902 = arith.cmpi slt, %rem3A_896, %lt3A_901 : vector<128x40xi32>
    %lt3A_903 = arith.constant 0 : i32
    %lt3A_904 = arith.cmpi slt, %select_n3A_894, %lt3A_903 : i32
    %ne3A_905 = vector.broadcast %lt3A_904 : i1 to vector<128x40xi1>
    %ne3A_906 = vector.broadcast %ne3A_905 : vector<128x40xi1> to vector<128x40xi1>
    %ne3A_907 = arith.xori %lt3A_902, %ne3A_906 : vector<128x40xi1>
    %and3A_908 = arith.andi %ne3A_907, %ne3A_899 : vector<128x40xi1>
    %add3A_909 = vector.broadcast %select_n3A_894 : i32 to vector<128x40xi32>
    %add3A_910 = arith.addi %rem3A_896, %add3A_909 : vector<128x40xi32>
    %select_n3A_911 = arith.select %and3A_908, %add3A_910, %rem3A_896 : vector<128x40xi1>, vector<128x40xi32>
    %add3A_912 = vector.broadcast %mul3A_889 : vector<128x1xi32> to vector<128x40xi32>
    %add3A_913 = arith.addi %add3A_912, %select_n3A_911 : vector<128x40xi32>
    %select_n3A_914 = arith.select %eq3A_886, %add3A_913, %broadcast_in_dim3A_841 : vector<128x40xi1>, vector<128x40xi32>
    %eq3A_915 = vector.broadcast %broadcast_in_dim3A_852 : vector<128x1xi32> to vector<128x1000xi32>
    %eq3A_916 = arith.cmpi eq, %iota3A_0, %eq3A_915 : vector<128x1000xi32>
    %jit3A_917 = arith.constant 0xFF800000 : f32
    %broadcast_in_dim3A_918 = vector.broadcast %jit3A_917 : f32 to vector<128x1000xf32>
    %select_n3A_919 = arith.select %eq3A_916, %broadcast_in_dim3A_918, %dot_general3A_839 : vector<128x1000xi1>, vector<128x1000xf32>
    %reduce_max3A_920 = arith.constant dense<0xFF800000> : vector<128xf32>
    %reduce_max3A_921 = vector.multi_reduction <maximumf>, %select_n3A_919, %reduce_max3A_920 [1] : vector<128x1000xf32> to vector<128xf32>
    %broadcast_in_dim3A_922 = vector.shape_cast %reduce_max3A_921 : vector<128xf32> to vector<128x1xf32>
    %eq3A_923 = vector.broadcast %broadcast_in_dim3A_922 : vector<128x1xf32> to vector<128x1000xf32>
    %eq3A_924 = arith.cmpf oeq, %select_n3A_919, %eq3A_923 : vector<128x1000xf32>
    %jit3A_925 = arith.constant 1073741824 : i32
    %broadcast_in_dim3A_926 = vector.broadcast %jit3A_925 : i32 to vector<128x1000xi32>
    %select_n3A_927 = arith.select %eq3A_924, %iota3A_0, %broadcast_in_dim3A_926 : vector<128x1000xi1>, vector<128x1000xi32>
    %reduce_min3A_928 = arith.constant dense<2147483647> : vector<128xi32>
    %reduce_min3A_929 = vector.multi_reduction <minsi>, %select_n3A_927, %reduce_min3A_928 [1] : vector<128x1000xi32> to vector<128xi32>
    %broadcast_in_dim3A_930 = vector.shape_cast %reduce_min3A_929 : vector<128xi32> to vector<128x1xi32>
    %jit3A_931 = arith.constant 8 : i32
    %div3A_932 = vector.broadcast %jit3A_931 : i32 to vector<128x40xi32>
    %div3A_933 = arith.divsi %iota3A, %div3A_932 : vector<128x40xi32>
    %sign3A_934 = arith.constant 0 : i32
    %sign3A_935 = vector.broadcast %sign3A_934 : i32 to vector<128x40xi32>
    %sign3A_936 = arith.cmpi sgt, %iota3A, %sign3A_935 : vector<128x40xi32>
    %sign3A_937 = arith.extui %sign3A_936 : vector<128x40xi1> to vector<128x40xi32>
    %sign3A_938 = arith.constant 0 : i32
    %sign3A_939 = vector.broadcast %sign3A_938 : i32 to vector<128x40xi32>
    %sign3A_940 = arith.cmpi slt, %iota3A, %sign3A_939 : vector<128x40xi32>
    %sign3A_941 = arith.extui %sign3A_940 : vector<128x40xi1> to vector<128x40xi32>
    %sign3A_942 = arith.subi %sign3A_937, %sign3A_941 : vector<128x40xi32>
    %sign3A_943 = arith.constant 0 : i32
    %sign3A_944 = arith.cmpi sgt, %jit3A_931, %sign3A_943 : i32
    %sign3A_945 = arith.extui %sign3A_944 : i1 to i32
    %sign3A_946 = arith.constant 0 : i32
    %sign3A_947 = arith.cmpi slt, %jit3A_931, %sign3A_946 : i32
    %sign3A_948 = arith.extui %sign3A_947 : i1 to i32
    %sign3A_949 = arith.subi %sign3A_945, %sign3A_948 : i32
    %ne3A_950 = vector.broadcast %sign3A_949 : i32 to vector<128x40xi32>
    %ne3A_951 = arith.cmpi ne, %sign3A_942, %ne3A_950 : vector<128x40xi32>
    %rem3A_952 = vector.broadcast %jit3A_931 : i32 to vector<128x40xi32>
    %rem3A_953 = arith.remsi %iota3A, %rem3A_952 : vector<128x40xi32>
    %ne3A_954 = arith.constant 0 : i32
    %ne3A_955 = vector.broadcast %ne3A_954 : i32 to vector<128x40xi32>
    %ne3A_956 = arith.cmpi ne, %rem3A_953, %ne3A_955 : vector<128x40xi32>
    %and3A_957 = arith.andi %ne3A_951, %ne3A_956 : vector<128x40xi1>
    %sub3A_958 = arith.constant 1 : i32
    %sub3A_959 = vector.broadcast %sub3A_958 : i32 to vector<128x40xi32>
    %sub3A_960 = arith.subi %div3A_933, %sub3A_959 : vector<128x40xi32>
    %select_n3A_961 = arith.select %and3A_957, %sub3A_960, %div3A_933 : vector<128x40xi1>, vector<128x40xi32>
    %eq3A_962 = arith.constant 1 : i32
    %eq3A_963 = vector.broadcast %eq3A_962 : i32 to vector<128x40xi32>
    %eq3A_964 = arith.cmpi eq, %select_n3A_961, %eq3A_963 : vector<128x40xi32>
    %mul3A_965 = arith.constant 8 : i32
    %mul3A_966 = vector.broadcast %mul3A_965 : i32 to vector<128x1xi32>
    %mul3A_967 = arith.muli %broadcast_in_dim3A_930, %mul3A_966 : vector<128x1xi32>
    %jit3A_968 = arith.constant 8 : i32
    %eq3A_969 = arith.constant 0 : i32
    %eq3A_970 = arith.cmpi eq, %jit3A_968, %eq3A_969 : i32
    %jit3A_971 = arith.constant 1 : i32
    %select_n3A_972 = arith.select %eq3A_970, %jit3A_971, %jit3A_968 : i32
    %rem3A_973 = vector.broadcast %select_n3A_972 : i32 to vector<128x40xi32>
    %rem3A_974 = arith.remsi %iota3A, %rem3A_973 : vector<128x40xi32>
    %ne3A_975 = arith.constant 0 : i32
    %ne3A_976 = vector.broadcast %ne3A_975 : i32 to vector<128x40xi32>
    %ne3A_977 = arith.cmpi ne, %rem3A_974, %ne3A_976 : vector<128x40xi32>
    %lt3A_978 = arith.constant 0 : i32
    %lt3A_979 = vector.broadcast %lt3A_978 : i32 to vector<128x40xi32>
    %lt3A_980 = arith.cmpi slt, %rem3A_974, %lt3A_979 : vector<128x40xi32>
    %lt3A_981 = arith.constant 0 : i32
    %lt3A_982 = arith.cmpi slt, %select_n3A_972, %lt3A_981 : i32
    %ne3A_983 = vector.broadcast %lt3A_982 : i1 to vector<128x40xi1>
    %ne3A_984 = vector.broadcast %ne3A_983 : vector<128x40xi1> to vector<128x40xi1>
    %ne3A_985 = arith.xori %lt3A_980, %ne3A_984 : vector<128x40xi1>
    %and3A_986 = arith.andi %ne3A_985, %ne3A_977 : vector<128x40xi1>
    %add3A_987 = vector.broadcast %select_n3A_972 : i32 to vector<128x40xi32>
    %add3A_988 = arith.addi %rem3A_974, %add3A_987 : vector<128x40xi32>
    %select_n3A_989 = arith.select %and3A_986, %add3A_988, %rem3A_974 : vector<128x40xi1>, vector<128x40xi32>
    %add3A_990 = vector.broadcast %mul3A_967 : vector<128x1xi32> to vector<128x40xi32>
    %add3A_991 = arith.addi %add3A_990, %select_n3A_989 : vector<128x40xi32>
    %select_n3A_992 = arith.select %eq3A_964, %add3A_991, %select_n3A_914 : vector<128x40xi1>, vector<128x40xi32>
    %eq3A_993 = vector.broadcast %broadcast_in_dim3A_930 : vector<128x1xi32> to vector<128x1000xi32>
    %eq3A_994 = arith.cmpi eq, %iota3A_0, %eq3A_993 : vector<128x1000xi32>
    %jit3A_995 = arith.constant 0xFF800000 : f32
    %broadcast_in_dim3A_996 = vector.broadcast %jit3A_995 : f32 to vector<128x1000xf32>
    %select_n3A_997 = arith.select %eq3A_994, %broadcast_in_dim3A_996, %select_n3A_919 : vector<128x1000xi1>, vector<128x1000xf32>
    %reduce_max3A_998 = arith.constant dense<0xFF800000> : vector<128xf32>
    %reduce_max3A_999 = vector.multi_reduction <maximumf>, %select_n3A_997, %reduce_max3A_998 [1] : vector<128x1000xf32> to vector<128xf32>
    %broadcast_in_dim3A_1000 = vector.shape_cast %reduce_max3A_999 : vector<128xf32> to vector<128x1xf32>
    %eq3A_1001 = vector.broadcast %broadcast_in_dim3A_1000 : vector<128x1xf32> to vector<128x1000xf32>
    %eq3A_1002 = arith.cmpf oeq, %select_n3A_997, %eq3A_1001 : vector<128x1000xf32>
    %jit3A_1003 = arith.constant 1073741824 : i32
    %broadcast_in_dim3A_1004 = vector.broadcast %jit3A_1003 : i32 to vector<128x1000xi32>
    %select_n3A_1005 = arith.select %eq3A_1002, %iota3A_0, %broadcast_in_dim3A_1004 : vector<128x1000xi1>, vector<128x1000xi32>
    %reduce_min3A_1006 = arith.constant dense<2147483647> : vector<128xi32>
    %reduce_min3A_1007 = vector.multi_reduction <minsi>, %select_n3A_1005, %reduce_min3A_1006 [1] : vector<128x1000xi32> to vector<128xi32>
    %broadcast_in_dim3A_1008 = vector.shape_cast %reduce_min3A_1007 : vector<128xi32> to vector<128x1xi32>
    %jit3A_1009 = arith.constant 8 : i32
    %div3A_1010 = vector.broadcast %jit3A_1009 : i32 to vector<128x40xi32>
    %div3A_1011 = arith.divsi %iota3A, %div3A_1010 : vector<128x40xi32>
    %sign3A_1012 = arith.constant 0 : i32
    %sign3A_1013 = vector.broadcast %sign3A_1012 : i32 to vector<128x40xi32>
    %sign3A_1014 = arith.cmpi sgt, %iota3A, %sign3A_1013 : vector<128x40xi32>
    %sign3A_1015 = arith.extui %sign3A_1014 : vector<128x40xi1> to vector<128x40xi32>
    %sign3A_1016 = arith.constant 0 : i32
    %sign3A_1017 = vector.broadcast %sign3A_1016 : i32 to vector<128x40xi32>
    %sign3A_1018 = arith.cmpi slt, %iota3A, %sign3A_1017 : vector<128x40xi32>
    %sign3A_1019 = arith.extui %sign3A_1018 : vector<128x40xi1> to vector<128x40xi32>
    %sign3A_1020 = arith.subi %sign3A_1015, %sign3A_1019 : vector<128x40xi32>
    %sign3A_1021 = arith.constant 0 : i32
    %sign3A_1022 = arith.cmpi sgt, %jit3A_1009, %sign3A_1021 : i32
    %sign3A_1023 = arith.extui %sign3A_1022 : i1 to i32
    %sign3A_1024 = arith.constant 0 : i32
    %sign3A_1025 = arith.cmpi slt, %jit3A_1009, %sign3A_1024 : i32
    %sign3A_1026 = arith.extui %sign3A_1025 : i1 to i32
    %sign3A_1027 = arith.subi %sign3A_1023, %sign3A_1026 : i32
    %ne3A_1028 = vector.broadcast %sign3A_1027 : i32 to vector<128x40xi32>
    %ne3A_1029 = arith.cmpi ne, %sign3A_1020, %ne3A_1028 : vector<128x40xi32>
    %rem3A_1030 = vector.broadcast %jit3A_1009 : i32 to vector<128x40xi32>
    %rem3A_1031 = arith.remsi %iota3A, %rem3A_1030 : vector<128x40xi32>
    %ne3A_1032 = arith.constant 0 : i32
    %ne3A_1033 = vector.broadcast %ne3A_1032 : i32 to vector<128x40xi32>
    %ne3A_1034 = arith.cmpi ne, %rem3A_1031, %ne3A_1033 : vector<128x40xi32>
    %and3A_1035 = arith.andi %ne3A_1029, %ne3A_1034 : vector<128x40xi1>
    %sub3A_1036 = arith.constant 1 : i32
    %sub3A_1037 = vector.broadcast %sub3A_1036 : i32 to vector<128x40xi32>
    %sub3A_1038 = arith.subi %div3A_1011, %sub3A_1037 : vector<128x40xi32>
    %select_n3A_1039 = arith.select %and3A_1035, %sub3A_1038, %div3A_1011 : vector<128x40xi1>, vector<128x40xi32>
    %eq3A_1040 = arith.constant 2 : i32
    %eq3A_1041 = vector.broadcast %eq3A_1040 : i32 to vector<128x40xi32>
    %eq3A_1042 = arith.cmpi eq, %select_n3A_1039, %eq3A_1041 : vector<128x40xi32>
    %mul3A_1043 = arith.constant 8 : i32
    %mul3A_1044 = vector.broadcast %mul3A_1043 : i32 to vector<128x1xi32>
    %mul3A_1045 = arith.muli %broadcast_in_dim3A_1008, %mul3A_1044 : vector<128x1xi32>
    %jit3A_1046 = arith.constant 8 : i32
    %eq3A_1047 = arith.constant 0 : i32
    %eq3A_1048 = arith.cmpi eq, %jit3A_1046, %eq3A_1047 : i32
    %jit3A_1049 = arith.constant 1 : i32
    %select_n3A_1050 = arith.select %eq3A_1048, %jit3A_1049, %jit3A_1046 : i32
    %rem3A_1051 = vector.broadcast %select_n3A_1050 : i32 to vector<128x40xi32>
    %rem3A_1052 = arith.remsi %iota3A, %rem3A_1051 : vector<128x40xi32>
    %ne3A_1053 = arith.constant 0 : i32
    %ne3A_1054 = vector.broadcast %ne3A_1053 : i32 to vector<128x40xi32>
    %ne3A_1055 = arith.cmpi ne, %rem3A_1052, %ne3A_1054 : vector<128x40xi32>
    %lt3A_1056 = arith.constant 0 : i32
    %lt3A_1057 = vector.broadcast %lt3A_1056 : i32 to vector<128x40xi32>
    %lt3A_1058 = arith.cmpi slt, %rem3A_1052, %lt3A_1057 : vector<128x40xi32>
    %lt3A_1059 = arith.constant 0 : i32
    %lt3A_1060 = arith.cmpi slt, %select_n3A_1050, %lt3A_1059 : i32
    %ne3A_1061 = vector.broadcast %lt3A_1060 : i1 to vector<128x40xi1>
    %ne3A_1062 = vector.broadcast %ne3A_1061 : vector<128x40xi1> to vector<128x40xi1>
    %ne3A_1063 = arith.xori %lt3A_1058, %ne3A_1062 : vector<128x40xi1>
    %and3A_1064 = arith.andi %ne3A_1063, %ne3A_1055 : vector<128x40xi1>
    %add3A_1065 = vector.broadcast %select_n3A_1050 : i32 to vector<128x40xi32>
    %add3A_1066 = arith.addi %rem3A_1052, %add3A_1065 : vector<128x40xi32>
    %select_n3A_1067 = arith.select %and3A_1064, %add3A_1066, %rem3A_1052 : vector<128x40xi1>, vector<128x40xi32>
    %add3A_1068 = vector.broadcast %mul3A_1045 : vector<128x1xi32> to vector<128x40xi32>
    %add3A_1069 = arith.addi %add3A_1068, %select_n3A_1067 : vector<128x40xi32>
    %select_n3A_1070 = arith.select %eq3A_1042, %add3A_1069, %select_n3A_992 : vector<128x40xi1>, vector<128x40xi32>
    %eq3A_1071 = vector.broadcast %broadcast_in_dim3A_1008 : vector<128x1xi32> to vector<128x1000xi32>
    %eq3A_1072 = arith.cmpi eq, %iota3A_0, %eq3A_1071 : vector<128x1000xi32>
    %jit3A_1073 = arith.constant 0xFF800000 : f32
    %broadcast_in_dim3A_1074 = vector.broadcast %jit3A_1073 : f32 to vector<128x1000xf32>
    %select_n3A_1075 = arith.select %eq3A_1072, %broadcast_in_dim3A_1074, %select_n3A_997 : vector<128x1000xi1>, vector<128x1000xf32>
    %reduce_max3A_1076 = arith.constant dense<0xFF800000> : vector<128xf32>
    %reduce_max3A_1077 = vector.multi_reduction <maximumf>, %select_n3A_1075, %reduce_max3A_1076 [1] : vector<128x1000xf32> to vector<128xf32>
    %broadcast_in_dim3A_1078 = vector.shape_cast %reduce_max3A_1077 : vector<128xf32> to vector<128x1xf32>
    %eq3A_1079 = vector.broadcast %broadcast_in_dim3A_1078 : vector<128x1xf32> to vector<128x1000xf32>
    %eq3A_1080 = arith.cmpf oeq, %select_n3A_1075, %eq3A_1079 : vector<128x1000xf32>
    %jit3A_1081 = arith.constant 1073741824 : i32
    %broadcast_in_dim3A_1082 = vector.broadcast %jit3A_1081 : i32 to vector<128x1000xi32>
    %select_n3A_1083 = arith.select %eq3A_1080, %iota3A_0, %broadcast_in_dim3A_1082 : vector<128x1000xi1>, vector<128x1000xi32>
    %reduce_min3A_1084 = arith.constant dense<2147483647> : vector<128xi32>
    %reduce_min3A_1085 = vector.multi_reduction <minsi>, %select_n3A_1083, %reduce_min3A_1084 [1] : vector<128x1000xi32> to vector<128xi32>
    %broadcast_in_dim3A_1086 = vector.shape_cast %reduce_min3A_1085 : vector<128xi32> to vector<128x1xi32>
    %jit3A_1087 = arith.constant 8 : i32
    %div3A_1088 = vector.broadcast %jit3A_1087 : i32 to vector<128x40xi32>
    %div3A_1089 = arith.divsi %iota3A, %div3A_1088 : vector<128x40xi32>
    %sign3A_1090 = arith.constant 0 : i32
    %sign3A_1091 = vector.broadcast %sign3A_1090 : i32 to vector<128x40xi32>
    %sign3A_1092 = arith.cmpi sgt, %iota3A, %sign3A_1091 : vector<128x40xi32>
    %sign3A_1093 = arith.extui %sign3A_1092 : vector<128x40xi1> to vector<128x40xi32>
    %sign3A_1094 = arith.constant 0 : i32
    %sign3A_1095 = vector.broadcast %sign3A_1094 : i32 to vector<128x40xi32>
    %sign3A_1096 = arith.cmpi slt, %iota3A, %sign3A_1095 : vector<128x40xi32>
    %sign3A_1097 = arith.extui %sign3A_1096 : vector<128x40xi1> to vector<128x40xi32>
    %sign3A_1098 = arith.subi %sign3A_1093, %sign3A_1097 : vector<128x40xi32>
    %sign3A_1099 = arith.constant 0 : i32
    %sign3A_1100 = arith.cmpi sgt, %jit3A_1087, %sign3A_1099 : i32
    %sign3A_1101 = arith.extui %sign3A_1100 : i1 to i32
    %sign3A_1102 = arith.constant 0 : i32
    %sign3A_1103 = arith.cmpi slt, %jit3A_1087, %sign3A_1102 : i32
    %sign3A_1104 = arith.extui %sign3A_1103 : i1 to i32
    %sign3A_1105 = arith.subi %sign3A_1101, %sign3A_1104 : i32
    %ne3A_1106 = vector.broadcast %sign3A_1105 : i32 to vector<128x40xi32>
    %ne3A_1107 = arith.cmpi ne, %sign3A_1098, %ne3A_1106 : vector<128x40xi32>
    %rem3A_1108 = vector.broadcast %jit3A_1087 : i32 to vector<128x40xi32>
    %rem3A_1109 = arith.remsi %iota3A, %rem3A_1108 : vector<128x40xi32>
    %ne3A_1110 = arith.constant 0 : i32
    %ne3A_1111 = vector.broadcast %ne3A_1110 : i32 to vector<128x40xi32>
    %ne3A_1112 = arith.cmpi ne, %rem3A_1109, %ne3A_1111 : vector<128x40xi32>
    %and3A_1113 = arith.andi %ne3A_1107, %ne3A_1112 : vector<128x40xi1>
    %sub3A_1114 = arith.constant 1 : i32
    %sub3A_1115 = vector.broadcast %sub3A_1114 : i32 to vector<128x40xi32>
    %sub3A_1116 = arith.subi %div3A_1089, %sub3A_1115 : vector<128x40xi32>
    %select_n3A_1117 = arith.select %and3A_1113, %sub3A_1116, %div3A_1089 : vector<128x40xi1>, vector<128x40xi32>
    %eq3A_1118 = arith.constant 3 : i32
    %eq3A_1119 = vector.broadcast %eq3A_1118 : i32 to vector<128x40xi32>
    %eq3A_1120 = arith.cmpi eq, %select_n3A_1117, %eq3A_1119 : vector<128x40xi32>
    %mul3A_1121 = arith.constant 8 : i32
    %mul3A_1122 = vector.broadcast %mul3A_1121 : i32 to vector<128x1xi32>
    %mul3A_1123 = arith.muli %broadcast_in_dim3A_1086, %mul3A_1122 : vector<128x1xi32>
    %jit3A_1124 = arith.constant 8 : i32
    %eq3A_1125 = arith.constant 0 : i32
    %eq3A_1126 = arith.cmpi eq, %jit3A_1124, %eq3A_1125 : i32
    %jit3A_1127 = arith.constant 1 : i32
    %select_n3A_1128 = arith.select %eq3A_1126, %jit3A_1127, %jit3A_1124 : i32
    %rem3A_1129 = vector.broadcast %select_n3A_1128 : i32 to vector<128x40xi32>
    %rem3A_1130 = arith.remsi %iota3A, %rem3A_1129 : vector<128x40xi32>
    %ne3A_1131 = arith.constant 0 : i32
    %ne3A_1132 = vector.broadcast %ne3A_1131 : i32 to vector<128x40xi32>
    %ne3A_1133 = arith.cmpi ne, %rem3A_1130, %ne3A_1132 : vector<128x40xi32>
    %lt3A_1134 = arith.constant 0 : i32
    %lt3A_1135 = vector.broadcast %lt3A_1134 : i32 to vector<128x40xi32>
    %lt3A_1136 = arith.cmpi slt, %rem3A_1130, %lt3A_1135 : vector<128x40xi32>
    %lt3A_1137 = arith.constant 0 : i32
    %lt3A_1138 = arith.cmpi slt, %select_n3A_1128, %lt3A_1137 : i32
    %ne3A_1139 = vector.broadcast %lt3A_1138 : i1 to vector<128x40xi1>
    %ne3A_1140 = vector.broadcast %ne3A_1139 : vector<128x40xi1> to vector<128x40xi1>
    %ne3A_1141 = arith.xori %lt3A_1136, %ne3A_1140 : vector<128x40xi1>
    %and3A_1142 = arith.andi %ne3A_1141, %ne3A_1133 : vector<128x40xi1>
    %add3A_1143 = vector.broadcast %select_n3A_1128 : i32 to vector<128x40xi32>
    %add3A_1144 = arith.addi %rem3A_1130, %add3A_1143 : vector<128x40xi32>
    %select_n3A_1145 = arith.select %and3A_1142, %add3A_1144, %rem3A_1130 : vector<128x40xi1>, vector<128x40xi32>
    %add3A_1146 = vector.broadcast %mul3A_1123 : vector<128x1xi32> to vector<128x40xi32>
    %add3A_1147 = arith.addi %add3A_1146, %select_n3A_1145 : vector<128x40xi32>
    %select_n3A_1148 = arith.select %eq3A_1120, %add3A_1147, %select_n3A_1070 : vector<128x40xi1>, vector<128x40xi32>
    %eq3A_1149 = vector.broadcast %broadcast_in_dim3A_1086 : vector<128x1xi32> to vector<128x1000xi32>
    %eq3A_1150 = arith.cmpi eq, %iota3A_0, %eq3A_1149 : vector<128x1000xi32>
    %jit3A_1151 = arith.constant 0xFF800000 : f32
    %broadcast_in_dim3A_1152 = vector.broadcast %jit3A_1151 : f32 to vector<128x1000xf32>
    %select_n3A_1153 = arith.select %eq3A_1150, %broadcast_in_dim3A_1152, %select_n3A_1075 : vector<128x1000xi1>, vector<128x1000xf32>
    %reduce_max3A_1154 = arith.constant dense<0xFF800000> : vector<128xf32>
    %reduce_max3A_1155 = vector.multi_reduction <maximumf>, %select_n3A_1153, %reduce_max3A_1154 [1] : vector<128x1000xf32> to vector<128xf32>
    %broadcast_in_dim3A_1156 = vector.shape_cast %reduce_max3A_1155 : vector<128xf32> to vector<128x1xf32>
    %eq3A_1157 = vector.broadcast %broadcast_in_dim3A_1156 : vector<128x1xf32> to vector<128x1000xf32>
    %eq3A_1158 = arith.cmpf oeq, %select_n3A_1153, %eq3A_1157 : vector<128x1000xf32>
    %jit3A_1159 = arith.constant 1073741824 : i32
    %broadcast_in_dim3A_1160 = vector.broadcast %jit3A_1159 : i32 to vector<128x1000xi32>
    %select_n3A_1161 = arith.select %eq3A_1158, %iota3A_0, %broadcast_in_dim3A_1160 : vector<128x1000xi1>, vector<128x1000xi32>
    %reduce_min3A_1162 = arith.constant dense<2147483647> : vector<128xi32>
    %reduce_min3A_1163 = vector.multi_reduction <minsi>, %select_n3A_1161, %reduce_min3A_1162 [1] : vector<128x1000xi32> to vector<128xi32>
    %broadcast_in_dim3A_1164 = vector.shape_cast %reduce_min3A_1163 : vector<128xi32> to vector<128x1xi32>
    %jit3A_1165 = arith.constant 8 : i32
    %div3A_1166 = vector.broadcast %jit3A_1165 : i32 to vector<128x40xi32>
    %div3A_1167 = arith.divsi %iota3A, %div3A_1166 : vector<128x40xi32>
    %sign3A_1168 = arith.constant 0 : i32
    %sign3A_1169 = vector.broadcast %sign3A_1168 : i32 to vector<128x40xi32>
    %sign3A_1170 = arith.cmpi sgt, %iota3A, %sign3A_1169 : vector<128x40xi32>
    %sign3A_1171 = arith.extui %sign3A_1170 : vector<128x40xi1> to vector<128x40xi32>
    %sign3A_1172 = arith.constant 0 : i32
    %sign3A_1173 = vector.broadcast %sign3A_1172 : i32 to vector<128x40xi32>
    %sign3A_1174 = arith.cmpi slt, %iota3A, %sign3A_1173 : vector<128x40xi32>
    %sign3A_1175 = arith.extui %sign3A_1174 : vector<128x40xi1> to vector<128x40xi32>
    %sign3A_1176 = arith.subi %sign3A_1171, %sign3A_1175 : vector<128x40xi32>
    %sign3A_1177 = arith.constant 0 : i32
    %sign3A_1178 = arith.cmpi sgt, %jit3A_1165, %sign3A_1177 : i32
    %sign3A_1179 = arith.extui %sign3A_1178 : i1 to i32
    %sign3A_1180 = arith.constant 0 : i32
    %sign3A_1181 = arith.cmpi slt, %jit3A_1165, %sign3A_1180 : i32
    %sign3A_1182 = arith.extui %sign3A_1181 : i1 to i32
    %sign3A_1183 = arith.subi %sign3A_1179, %sign3A_1182 : i32
    %ne3A_1184 = vector.broadcast %sign3A_1183 : i32 to vector<128x40xi32>
    %ne3A_1185 = arith.cmpi ne, %sign3A_1176, %ne3A_1184 : vector<128x40xi32>
    %rem3A_1186 = vector.broadcast %jit3A_1165 : i32 to vector<128x40xi32>
    %rem3A_1187 = arith.remsi %iota3A, %rem3A_1186 : vector<128x40xi32>
    %ne3A_1188 = arith.constant 0 : i32
    %ne3A_1189 = vector.broadcast %ne3A_1188 : i32 to vector<128x40xi32>
    %ne3A_1190 = arith.cmpi ne, %rem3A_1187, %ne3A_1189 : vector<128x40xi32>
    %and3A_1191 = arith.andi %ne3A_1185, %ne3A_1190 : vector<128x40xi1>
    %sub3A_1192 = arith.constant 1 : i32
    %sub3A_1193 = vector.broadcast %sub3A_1192 : i32 to vector<128x40xi32>
    %sub3A_1194 = arith.subi %div3A_1167, %sub3A_1193 : vector<128x40xi32>
    %select_n3A_1195 = arith.select %and3A_1191, %sub3A_1194, %div3A_1167 : vector<128x40xi1>, vector<128x40xi32>
    %eq3A_1196 = arith.constant 4 : i32
    %eq3A_1197 = vector.broadcast %eq3A_1196 : i32 to vector<128x40xi32>
    %eq3A_1198 = arith.cmpi eq, %select_n3A_1195, %eq3A_1197 : vector<128x40xi32>
    %mul3A_1199 = arith.constant 8 : i32
    %mul3A_1200 = vector.broadcast %mul3A_1199 : i32 to vector<128x1xi32>
    %mul3A_1201 = arith.muli %broadcast_in_dim3A_1164, %mul3A_1200 : vector<128x1xi32>
    %jit3A_1202 = arith.constant 8 : i32
    %eq3A_1203 = arith.constant 0 : i32
    %eq3A_1204 = arith.cmpi eq, %jit3A_1202, %eq3A_1203 : i32
    %jit3A_1205 = arith.constant 1 : i32
    %select_n3A_1206 = arith.select %eq3A_1204, %jit3A_1205, %jit3A_1202 : i32
    %rem3A_1207 = vector.broadcast %select_n3A_1206 : i32 to vector<128x40xi32>
    %rem3A_1208 = arith.remsi %iota3A, %rem3A_1207 : vector<128x40xi32>
    %ne3A_1209 = arith.constant 0 : i32
    %ne3A_1210 = vector.broadcast %ne3A_1209 : i32 to vector<128x40xi32>
    %ne3A_1211 = arith.cmpi ne, %rem3A_1208, %ne3A_1210 : vector<128x40xi32>
    %lt3A_1212 = arith.constant 0 : i32
    %lt3A_1213 = vector.broadcast %lt3A_1212 : i32 to vector<128x40xi32>
    %lt3A_1214 = arith.cmpi slt, %rem3A_1208, %lt3A_1213 : vector<128x40xi32>
    %lt3A_1215 = arith.constant 0 : i32
    %lt3A_1216 = arith.cmpi slt, %select_n3A_1206, %lt3A_1215 : i32
    %ne3A_1217 = vector.broadcast %lt3A_1216 : i1 to vector<128x40xi1>
    %ne3A_1218 = vector.broadcast %ne3A_1217 : vector<128x40xi1> to vector<128x40xi1>
    %ne3A_1219 = arith.xori %lt3A_1214, %ne3A_1218 : vector<128x40xi1>
    %and3A_1220 = arith.andi %ne3A_1219, %ne3A_1211 : vector<128x40xi1>
    %add3A_1221 = vector.broadcast %select_n3A_1206 : i32 to vector<128x40xi32>
    %add3A_1222 = arith.addi %rem3A_1208, %add3A_1221 : vector<128x40xi32>
    %select_n3A_1223 = arith.select %and3A_1220, %add3A_1222, %rem3A_1208 : vector<128x40xi1>, vector<128x40xi32>
    %add3A_1224 = vector.broadcast %mul3A_1201 : vector<128x1xi32> to vector<128x40xi32>
    %add3A_1225 = arith.addi %add3A_1224, %select_n3A_1223 : vector<128x40xi32>
    %select_n3A_1226 = arith.select %eq3A_1198, %add3A_1225, %select_n3A_1148 : vector<128x40xi1>, vector<128x40xi32>
    %swap3A_1227 = arith.constant 2 : index
    %swap3A_1228 = arith.constant 0 : index
    %swap3A_1229 = arith.constant 0 : index
    %swap3A_1230 = vector.load %arg8[%swap3A_1227, %swap3A_1228, %swap3A_1229] : memref<3x128x40xi32, #tpu.memory_space<vmem>>, vector<1x128x40xi32>
    %swap3A_1231 = vector.shape_cast %swap3A_1230 : vector<1x128x40xi32> to vector<128x40xi32>
    %swap3A_1232 = vector.shape_cast %select_n3A_1226 : vector<128x40xi32> to vector<1x128x40xi32>
    tpu.vector_store %arg8[%swap3A_1227, %swap3A_1228, %swap3A_1229], %swap3A_1232 {strides = array<i32>} : memref<3x128x40xi32, #tpu.memory_space<vmem>>, vector<1x128x40xi32>,
    return
  }
}

</mosaic_0001>

<sc_bundles>
// kernel: kernel.4.cloned.1.call-start
scs
__scs_entry_jumppad:
0x0: {  	(pc) =	sbr.rel $0x88, $3  }
0x1: {  	(tag) =	ssettag $0x0;
	lr =	simm.s32 $0x1  }
0x2: {  	[smem:$0x3F98] =	sst lr;
	_ =	strace $0xD0000000  }
0x3: {  	_ = 	snop  }
0x4: {  	_ = 	snop  }
0x5: {  	_ = 	snop  }
0x6: {  	_ = 	snop  }
0x7: {  	_ = 	snop  }
__scs_overlays_trampoline_lowered:
0x8: {  	[smem:$0x3FA7] =	sst s0  }
0x9: {  	[smem:$0x3FA8] =	sst s1  }
0xa: {  	[smem:$0x3FA9] =	sst s2  }
0xb: {  	[smem:$0x3FAA] =	sst s3  }
0xc: {  	[smem:$0x3FAB] =	sst s4  }
0xd: {  	[smem:$0x3FAC] =	sst s5  }
0xe: {  	[smem:$0x3FAD] =	sst s6  }
0xf: {  	[smem:$0x3FAE] =	sst s7  }
0x10: {  	[smem:$0x3FAF] =	sst s8  }
0x11: {  	[smem:$0x3FB0] =	sst s9;
	s0 =	simm.s32 @!p0 $0x0  }
0x12: {  	s1 =	sld [smem:$0x3F96];
	s0 =	simm.s32 @p0 $0x1  }
0x13: {  	[smem:$0x3FB1] =	sst s0;
	s0 =	simm.s32 @!p1 $0x0  }
0x14: {  	s2 =	sld [smem:$0x3F95];
	s0 =	simm.s32 @p1 $0x1  }
0x15: {  	[smem:$0x3FB2] =	sst s0;
	s0 =	simm.s32 @!p2 $0x0  }
0x16: {  	s3 =	sld [smem:$0x3FDB];
	s0 =	simm.s32 @p2 $0x1  }
0x17: {  	s4 =	simm.s32 $0x1BF5;
	[smem:$0x3FB4] =	sst s0  }
0x18: {  	s0 =	sld [smem:$0x3F97];
	_ =	swait.ge [sflag:s4], $0x0  }
0x19: {  	s7 =	sld [smem:$0x3F98]  }
0x1a: {  	s8 =	sadd.s32 $0xFFFFE003, lr  }
0x1b: {  	s9 =	sadd.s32 $0xFFFFFEF7, lr;
	s5 =	simm.s32 $0xFFFFFFFF;
	p2 =	slt.u32 s8, $0xFFFFF086  }
0x1c: {  	p1 =	slt.u32 s9, $0xF7A;
	s5 =	simm.s32 @!p2 $0x0  }
0x1d: {  	s5 =	simm.s32 @p1 $0x1;
	p0 =	seq.s32 s7, s2  }
0x1e: {  	s7 =	smul.u32 @!p0 $0xF7A, s2;
	p2 =	seq.s32 @!p0 s5, $0x0  }
0x1f: {  	s9 =	smul.u32 $0xF7A, s1;
	s8 =	simm.s32 @!p0 $0x1BF5;
	p2 =	por !p2, p0  }
0x20: {  	[sflag:s8] =	ssyncset.s32 @!p0 $0xFFFFF086;
	s6 =	sadd.s32 @!p0 s3, s7;
	s7 =	simm.s32 @!p0 $0x108  }
0x21: {  	s3 =	sadd.s32 s3, s9;
	s6 =	sadd.s32 @!p0 $0x88, s6;
	s7 =	simm.s32 @p2 $0x1082  }
0x22: {  	[simem:s7], [sflag:s8] =	dma.local @!p0 [hbm:s6], $0xF7A  }
0x23: {  	s9 =	sor.u32 $0xD0000000, s2;
	s6 =	simm.s32 $0x108;
	_ =	swait.ge @!p0 [sflag:s8], $0x0  }
0x24: {  	s3 =	sadd.s32 $0x88, s3;
	s6 =	simm.s32 @!p1 $0x1082;
	[sflag:s4] =	ssyncset.s32 $0xFFFFF086  }
0x25: {  	[simem:s6], [sflag:s4] =	dma.local [hbm:s3], $0xF7A  }
0x26: {  	[smem:$0x3F98] =	sst s1;
	(tag) =	ssettag s2;
	_ =	strace s9  }
0x27: {  	s1 =	sld [smem:$0x3FA8]  }
0x28: {  	s2 =	sld [smem:$0x3FA9]  }
0x29: {  	s4 =	sld [smem:$0x3FAB]  }
0x2a: {  	p0 =	seq.s32 s5, $0x0;
	s5 =	sld [smem:$0x3FAC]  }
0x2b: {  	s6 =	sld [smem:$0x3FAD]  }
0x2c: {  	s7 =	sld [smem:$0x3FAE]  }
0x2d: {  	s3 =	simm.s32 $0x108;
	s8 =	sld [smem:$0x3FAF]  }
0x2e: {  	s3 =	simm.s32 @!p0 $0x1082;
	s9 =	sld [smem:$0x3FB0]  }
0x2f: {  	lr =	sadd.s32 s0, s3;
	s0 =	sld [smem:$0x3FA7]  }
0x30: {  	s3 =	sld [smem:$0x3FAA]  }
0x31: {  	[smem:$0x3FB3] =	sst s10  }
0x32: {  	s10 =	sld [smem:$0x3FB1];
	_ =	sdelay $0x3  }
0x33: {  	p0 =	seq.s32 s10, $0x1;
	s10 =	sld [smem:$0x3FB3];
	_ =	sdelay $0x3  }
0x34: {  	[smem:$0x3FB3] =	sst s10  }
0x35: {  	s10 =	sld [smem:$0x3FB2];
	_ =	sdelay $0x3  }
0x36: {  	p1 =	seq.s32 s10, $0x1;
	s10 =	sld [smem:$0x3FB3];
	_ =	sdelay $0x3  }
0x37: {  	[smem:$0x3FB3] =	sst s10  }
0x38: {  	s10 =	sld [smem:$0x3FB4]  }
0x39: {  	_ = 	snop;
	(pc) =	sbr.ind lr, $3  }
0x3a: {  	_ = 	snop  }
0x3b: {  	_ = 	snop  }
0x3c: {  	p2 =	seq.s32 s10, $0x1;
	s10 =	sld [smem:$0x3FB3]  }
0x3d: {  	_ =	shalt  }
0x3e: {  	_ =	shalt  }
0x3f: {  	_ =	shalt  }
0x40: {  	_ =	shalt  }
0x41: {  	_ =	shalt  }
0x42: {  	_ =	shalt  }
0x43: {  	_ =	shalt  }
0x44: {  	_ =	shalt  }
0x45: {  	_ =	shalt  }
0x46: {  	_ =	shalt  }
0x47: {  	_ =	shalt  }
0x48: {  	_ =	shalt  }
0x49: {  	_ =	shalt  }
0x4a: {  	_ =	shalt  }
0x4b: {  	_ =	shalt  }
0x4c: {  	_ =	shalt  }
0x4d: {  	_ =	shalt  }
0x4e: {  	_ =	shalt  }
0x4f: {  	_ =	shalt  }
0x50: {  	_ =	shalt  }
0x51: {  	_ =	shalt  }
0x52: {  	_ =	shalt  }
0x53: {  	_ =	shalt  }
0x54: {  	_ =	shalt  }
0x55: {  	_ =	shalt  }
0x56: {  	_ =	shalt  }
0x57: {  	_ =	shalt  }
0x58: {  	_ =	shalt  }
0x59: {  	_ =	shalt  }
0x5a: {  	_ =	shalt  }
0x5b: {  	_ =	shalt  }
0x5c: {  	_ =	shalt  }
0x5d: {  	_ =	shalt  }
0x5e: {  	_ =	shalt  }
0x5f: {  	_ =	shalt  }
0x60: {  	_ =	shalt  }
0x61: {  	_ =	shalt  }
0x62: {  	_ =	shalt  }
0x63: {  	_ =	shalt  }
0x64: {  	_ =	shalt  }
0x65: {  	_ =	shalt  }
0x66: {  	_ =	shalt  }
0x67: {  	_ =	shalt  }
0x68: {  	_ =	shalt  }
0x69: {  	_ =	shalt  }
0x6a: {  	_ =	shalt  }
0x6b: {  	_ =	shalt  }
0x6c: {  	_ =	shalt  }
0x6d: {  	_ =	shalt  }
0x6e: {  	_ =	shalt  }
0x6f: {  	_ =	shalt  }
0x70: {  	_ =	shalt  }
0x71: {  	_ =	shalt  }
0x72: {  	_ =	shalt  }
0x73: {  	_ =	shalt  }
0x74: {  	_ =	shalt  }
0x75: {  	_ =	shalt  }
0x76: {  	_ =	shalt  }
0x77: {  	_ =	shalt  }
0x78: {  	_ =	shalt  }
0x79: {  	_ =	shalt  }
0x7a: {  	_ =	shalt  }
0x7b: {  	_ =	shalt  }
0x7c: {  	_ =	shalt  }
0x7d: {  	_ =	shalt  }
0x7e: {  	_ =	shalt  }
0x7f: {  	_ =	shalt  }
0x80: {  	_ =	shalt  }
0x81: {  	_ =	shalt  }
0x82: {  	_ =	shalt  }
0x83: {  	_ =	shalt  }
0x84: {  	_ =	shalt  }
0x85: {  	_ =	shalt  }
0x86: {  	_ =	shalt  }
0x87: {  	_ =	shalt  }
.Lfunc_end0:
.L_simem_size_0:
called_computation_lowered:
.L_overlay_start_0:
0x88: {  	s2 =	sld [smem:$0x3FD9]  }
0x89: {  	s3 =	sld [smem:$0x3FFE];
	_ =	sdelay $0x1  }
0x8a: {  	s1 =	srdreg.scid  }
0x8b: {  	s0 =	sand.u32 $0x1, s1  }
0x8c: {  	s15 =	sshll.u32 s0, $0xA;
	s2 =	sadd.s32 s3, s2  }
0x8d: {  	s2 =	sadd.s32 s2, s15  }
0x8e: {  	[smem:$0x3FBF] =	sst s2  }
0x8f: {  	_ = 	snop  }
0x90: {  	s2 =	sld [smem:$0x3FD0]  }
0x91: {  	s16 =	sld [smem:$0x3FC6]  }
0x92: {  	s4 =	sld [smem:$0x3FC4]  }
0x93: {  	s6 =	simm.s32 $0xA;
	s7 =	simm.s32 $0x10;
	s5 =	sld [smem:$0x3FC2]  }
0x94: {  	[smem:s7], [sflag:s6] =	dma.local [hbm:s2], $0x1  }
0x95: {  	_ =	swait.eq [sflag:s6], $0x1  }
0x96: {  	s17 =	sld [smem:$0x11]  }
0x97: {  	s18 =	sld [smem:$0x12];
	[sflag:s6] =	ssyncset.done $0x0  }
0x98: {  	s8 =	sld [smem:$0x13];
	[sflag:s6] =	ssyncadd.s32 $0xFFFFFFFF  }
0x99: {  	s19 =	sld [smem:$0x14];
	(tm) =	ssettm $0x1  }
0x9a: {  	s9 =	sld [smem:$0x3FFB];
	_ =	sdelay $0x3  }
0x9b: {  	_ =	strace s9  }
0x9c: {  	s9 =	sld [smem:$0x3FFC];
	_ =	sdelay $0x3  }
0x9d: {  	_ =	strace s9  }
0x9e: {  	s9 =	sld [smem:$0x3FFD];
	_ =	sdelay $0x3  }
0x9f: {  	_ =	strace s9  }
0xa0: {  	_ =	strace $0x8FFFFFFF  }
0xa1: {  	s20 =	sld [smem:$0x3FDB];
	_ =	sdelay $0x1  }
0xa2: {  	s10 =	simm.s32 $_scs_section_size  }
0xa3: {  	s11 =	simm.s32 $_size__tile_overlayer_lowered;
	s12 =	simm.s32 $_tile_overlayer_lowered  }
0xa4: {  	s23 =	simm.s32 $0x1BFF;
	s22 =	sshll.u32 s12, $0x1;
	s9 =	sadd.s32 s10, s20  }
0xa5: {  	s13 =	simm.s32 $0x0;
	s21 =	sshll.u32 s11, $0x1;
	s11 =	sadd.s32 s22, s9  }
0xa6: {  	[timem:s13], [sflag:s23] =	dma.local [hbm:s11], s21  }
0xa7: {  	_ =	swait.ge [sflag:s23], s21  }
0xa8: {  	s10 =	ssub.s32 $0x0, s21;
	[sflag:s23] =	ssyncset.done $0x0  }
0xa9: {  	[sflag:s23] =	ssyncadd.s32 s10;
	_ =	sdelay $0x1  }
0xaa: {  	s24 =	simm.s32 $0x1B8B  }
0xab: {  	_ =	swait.ge [sflag:s24], $0x1  }
0xac: {  	[sflag:s24] =	ssyncset.done $0x0  }
0xad: {  	s25 =	simm.s32 $0x1B8E;
	[sflag:s24] =	ssyncadd.s32 $0xFFFFFFFF  }
0xae: {  	s26 =	simm.s32 $execute0_lowered;
	[smem:$0x3FD2] =	sst s25  }
0xaf: {  	s10 =	sshll.u32 s26, $0x1;
	_ =	strace $0x80000046;
	[dreg:$0x1] =	wrdreg $0xFFFFFFFF  }
0xb0: {  	s28 =	simm.s32 $_size_execute0_lowered;
	s9 =	sadd.s32 s9, s10;
	[dreg:$0x0] =	wrdreg $0x0  }
0xb1: {  	s10 =	sshll.u32 s28, $0x1;
	[dreg:$0x2] =	wrdreg s9  }
0xb2: {  	[dreg:$0x3] =	wrdreg s10  }
0xb3: {  	[dreg:$0x4] =	wrdreg $0xC0  }
0xb4: {  	_ =	task [dreg:s13], $0x5FFFF  }
0xb5: {  	[dreg:$0x1] =	wrdreg $0xFFFFFFFF  }
0xb6: {  	[dreg:$0x0] =	wrdreg $0x60  }
0xb7: {  	[dreg:$0x2] =	wrdreg s16  }
0xb8: {  	[dreg:$0x3] =	wrdreg s4  }
0xb9: {  	[dreg:$0x4] =	wrdreg s5  }
0xba: {  	[dreg:$0x5] =	wrdreg s17  }
0xbb: {  	[dreg:$0x6] =	wrdreg s18  }
0xbc: {  	[dreg:$0x7] =	wrdreg s8  }
0xbd: {  	[dreg:$0x8] =	wrdreg s19  }
0xbe: {  	[dreg:$0x9] =	wrdreg $0x9  }
0xbf: {  	_ =	task.clear_ibuf [dreg:s13], $0xAFFFF;
	_ =	strace $0x90000046  }
0xc0: {  	s29 =	simm.s32 $0x9;
	_ =	strace $0x80000048  }
0xc1: {  	_ =	swait.ge [sflag:s29], $0x1  }
0xc2: {  	[sflag:s29] =	ssyncadd.s32 $0xFFFFFFFF  }
0xc3: {  	_ =	strace $0x90000048  }
0xc4: {  	_ =	sfence  }
0xc5: {  	s30 =	sld [smem:$0x0];
	_ =	sdelay $0x2  }
0xc6: {  	s31 =	sshll.u32 s1, $0xD;
	s1 =	sshrl.u32 s1, $0x2  }
0xc7: {  	s3 =	sand.u32 $0x4000, s31;
	s1 =	sadd.s32 s1, s30  }
0xc8: {  	s0 =	sor.u32 s3, s0;
	s1 =	sshll.u32 s1, $0x11  }
0xc9: {  	s0 =	sor.u32 s1, s0  }
0xca: {  	s0 =	sadd.s32 $0x8F2B, s0  }
0xcb: {  	[sflag:s0] =	ssyncadd.remote.s32 $0x1  }
0xcc: {  	_ =	sfence.sel $0xFFFF  }
0xcd: {  	[dreg:$0x0] =	wrdreg $0xFFFFFFFF;
	(pc) =	sbr.abs _section_cstart, $3  }
0xce: {  	[dreg:$0x1] =	wrdreg $0xFFFFFFFF  }
0xcf: {  	_ =	task.clear_ibuf [dreg:s13], $0x2FFFF;
	_ =	strace $0x9FFFFFFF  }
0xd0: {  	(tm) =	ssettm $0x7FFFFFFF  }
0xd1: {  	_ =	shalt  }
tec
execute0_lowered:
.L_overlay_start_1:
0x0: {  	(tag) =	ssettag $0x1  }
0x1: {  	s0 =	rddreg [dreg:$0x0]  }
0x2: {  	s1 =	rddreg [dreg:$0x1]  }
0x3: {  	s3 =	rddreg [dreg:$0x2]  }
0x4: {  	s2 =	rddreg [dreg:$0x3]  }
0x5: {  	s4 =	rddreg [dreg:$0x4]  }
0x6: {  	s5 =	srdreg.scid;
	s6 =	rddreg [dreg:$0x5]  }
0x7: {  	s8 =	stileid.u32;
	s12 =	rddreg [dreg:$0x6];
	s31 =	simm.s32 $0x8000  }
0x8: {  	s28 =	simm.s32 $0x1;
	s29 =	simm.s32 $0x3;
	s30 =	simm.s32 $0x2  }
0x9: {  	s7 =	sand.u32 $0x1, s5;
	s25 =	sshll.u32 s8, $0x1;
	s5 =	simm.s32 $0x0  }
0xa: {  	s8 =	sor.u32 s7, s25;
	[smem:$0x7FF] =	sst s5;
	s7 =	ssub.s32 $0x2, s7  }
0xb: {  	s25 =	simm.s32 $0x200;
	s9 =	sshll.u32 s8, $0x6;
	s26 =	smul.u32 $0xA0, s8  }
0xc: {  	_ =	strace $0x80000047;
	s18 =	sshrl.u32 s7, $0x1;
	s9 =	sadd.s32 s2, s9  }
0xd: {  	[dreg:$0x16] =	wrdreg s25;
	s11 =	sadd.s32 $0x800, s9;
	s13 =	sshrl.u32 s26, $0x3  }
0xe: {  	[dreg:$0x18] =	wrdreg s9;
	s9 =	sadd.s32 $0x1000, s9;
	s14 =	sadd.s32 $0x28, s26  }
0xf: {  	s2 =	sadd.s32 $0x78, s26;
	[dreg:$0x8] =	wrdreg s11;
	s10 =	smul.u32 $0x300, s13  }
0x10: {  	s26 =	simm.s32 $0x400;
	[dreg:$0x9] =	wrdreg s9;
	s8 =	sshrl.u32 s14, $0x3  }
0x11: {  	s2 =	sshrl.u32 s2, $0x3;
	[dreg:$0x17] =	wrdreg s26;
	s15 =	sadd.s32 s4, s10  }
0x12: {  	s11 =	smul.u32 $0x300, s8;
	s17 =	sadd.s32 s6, s10;
	[dreg:$0xa] =	wrdreg s15  }
0x13: {  	s2 =	smul.u32 $0x300, s2;
	s22 =	sadd.s32 s12, s10;
	[dreg:$0xe] =	wrdreg s17  }
0x14: {  	s13 =	sadd.s32 $0x1E00, s10;
	s8 =	sadd.s32 s4, s11;
	[dreg:$0x12] =	wrdreg s22  }
0x15: {  	s14 =	ssub.s32 s7, s18;
	s16 =	sadd.s32 s4, s13;
	[dreg:$0xb] =	wrdreg s8  }
0x16: {  	s7 =	sadd.s32 $0x100, s0;
	s4 =	sadd.s32 s4, s2;
	[dreg:$0xc] =	wrdreg s16  }
0x17: {  	s9 =	sadd.s32 $0x100, s1;
	s19 =	sadd.s32 s6, s11;
	[dreg:$0xd] =	wrdreg s4  }
0x18: {  	s10 =	sadd.s32 $0x200, s1;
	s20 =	sadd.s32 s6, s13;
	[dreg:$0xf] =	wrdreg s19  }
0x19: {  	s21 =	sadd.s32 s6, s2;
	s23 =	sadd.s32 s12, s11;
	[dreg:$0x10] =	wrdreg s20  }
0x1a: {  	s24 =	sadd.s32 s12, s13;
	s11 =	sadd.s32 $0x100, s3;
	[dreg:$0x11] =	wrdreg s21  }
0x1b: {  	v2 =	vlaneseq.u32;
	s2 =	sadd.s32 s12, s2;
	s12 =	sadd.s32 $0x200, s3;
	[dreg:$0x13] =	wrdreg s23  }
0x1c: {  	vm0 =	vmmov $0xffff;
	v1 =	vshrl.u32 v2, $0x3;
	s13 =	smax.u32 s14, $0x1;
	s15 =	simm.s32 $0x800;
	[dreg:$0x14] =	wrdreg s24  }
0x1d: {  	v0 =	vand.u32 $0x7, v2;
	v2 =	vor.u32 $0x8, v2;
	v1 =	vmul.u32 $0x8, v1;
	s8 =	sadd.s32 $0x200, s0;
	[dreg:$0x15] =	wrdreg s2;
	s4 =	simm.s32 $0x4  }
.LBB2_1:
0x1e: {  	s2 =	rddreg [dreg:$0x18];
	s14 =	simm.s32 $0x5  }
0x1f: {  	[tilespmem:s5], [sflag:$0x5] =	stream.linear.gather [hbm4b:s2+s5], $0x200, $0x38;
	[tilespmem:$0xF800] =	vst v63  }
0x20: {  	_ =	swait.ge [sflag:s14], $0x200  }
0x21: {  	s24 =	rddreg [dreg:$0x8];
	[sflag:s14] =	ssyncset.done $0x0  }
0x22: {  	s6 =	rddreg [dreg:$0x16];
	[sflag:s14] =	ssyncadd.s32 $0xFFFFFE00  }
0x23: {  	[tilespmem:s6], [sflag:$0x5] =	stream.linear.gather [hbm4b:s24+s5], $0x200, $0x38;
	[tilespmem:$0xF800] =	vst v63  }
0x24: {  	_ =	swait.ge [sflag:s14], $0x200  }
0x25: {  	s25 =	rddreg [dreg:$0x9];
	[sflag:s14] =	ssyncset.done $0x0  }
0x26: {  	s26 =	rddreg [dreg:$0x17];
	[sflag:s14] =	ssyncadd.s32 $0xFFFFFE00  }
0x27: {  	[tilespmem:s26], [sflag:$0x5] =	stream.linear.gather [hbm4b:s25+s5], $0x200, $0x38;
	[tilespmem:$0xF800] =	vst v63  }
0x28: {  	_ =	swait.ge [sflag:s14], $0x200  }
0x29: {  	[sflag:s14] =	ssyncset.done $0x0  }
0x2a: {  	[sflag:s14] =	ssyncadd.s32 $0xFFFFFE00  }
0x2b: {  	v3 =	vld [tilespmem:$0x0];
	_ =	sdelay $0x4  }
0x2c: {  	v4 =	vshrl.u32 v3, $0x3  }
0x2d: {  	v4 =	vmul.u32 $0x30, v4  }
0x2e: {  	v3 =	vand.u32 $0x7, v3  }
0x2f: {  	v3 =	vor.u32 v3, v4  }
0x30: {  	v4 =	vperm.xlane v3, v0;
	_ =	sdelay $0x1  }
0x31: {  	v4 =	vadd.s32 v1, v4;
	_ =	sdelay $0x3  }
0x32: {  	v3 =	vperm.xlane v3, v2  }
0x33: {  	[tilespmem:s15], [sflag:$0x1] =	stream.indirect_vreg.gather [hbm4b:s0+s5], $0x80, v4, vm0, $0xb8;
	[tilespmem:$0xF800] =	vst v63  }
0x34: {  	s14 =	simm.s32 $0x1000;
	v3 =	vadd.s32 v1, v3  }
0x35: {  	[tilespmem:s14], [sflag:$0x1] =	stream.indirect_vreg.gather [hbm4b:s7+s5], $0x80, v4, vm0, $0xb8;
	[tilespmem:$0xF800] =	vst v63  }
0x36: {  	s16 =	simm.s32 $0x1800  }
0x37: {  	[tilespmem:s16], [sflag:$0x1] =	stream.indirect_vreg.gather [hbm4b:s8+s5], $0x80, v4, vm0, $0xb8;
	[tilespmem:$0xF800] =	vst v63  }
0x38: {  	s17 =	simm.s32 $0x2000  }
0x39: {  	[tilespmem:s17], [sflag:$0x1] =	stream.indirect_vreg.gather [hbm4b:s0+s5], $0x80, v3, vm0, $0xb8;
	[tilespmem:$0xF800] =	vst v63  }
0x3a: {  	s18 =	simm.s32 $0x2800  }
0x3b: {  	[tilespmem:s18], [sflag:$0x1] =	stream.indirect_vreg.gather [hbm4b:s7+s5], $0x80, v3, vm0, $0xb8;
	[tilespmem:$0xF800] =	vst v63  }
0x3c: {  	s19 =	simm.s32 $0x3000  }
0x3d: {  	[tilespmem:s19], [sflag:$0x1] =	stream.indirect_vreg.gather [hbm4b:s8+s5], $0x80, v3, vm0, $0xb8;
	[tilespmem:$0xF800] =	vst v63  }
0x3e: {  	v3 =	vld [tilespmem:$0x10];
	_ =	sdelay $0x4  }
0x3f: {  	v29 =	vshrl.u32 v3, $0x3  }
0x40: {  	v4 =	vmul.u32 $0x30, v29  }
0x41: {  	v3 =	vand.u32 $0x7, v3  }
0x42: {  	v3 =	vor.u32 v3, v4  }
0x43: {  	v4 =	vperm.xlane v3, v0;
	_ =	sdelay $0x1  }
0x44: {  	v4 =	vadd.s32 v1, v4;
	_ =	sdelay $0x3  }
0x45: {  	s20 =	simm.s32 $0x3800;
	v3 =	vperm.xlane v3, v2  }
0x46: {  	[tilespmem:s20], [sflag:$0x1] =	stream.indirect_vreg.gather [hbm4b:s0+s5], $0x80, v4, vm0, $0xb8;
	[tilespmem:$0xF800] =	vst v63  }
0x47: {  	s21 =	simm.s32 $0x4000;
	v3 =	vadd.s32 v1, v3  }
0x48: {  	[tilespmem:s21], [sflag:$0x1] =	stream.indirect_vreg.gather [hbm4b:s7+s5], $0x80, v4, vm0, $0xb8;
	[tilespmem:$0xF800] =	vst v63  }
0x49: {  	s22 =	simm.s32 $0x4800  }
0x4a: {  	[tilespmem:s22], [sflag:$0x1] =	stream.indirect_vreg.gather [hbm4b:s8+s5], $0x80, v4, vm0, $0xb8;
	[tilespmem:$0xF800] =	vst v63  }
0x4b: {  	s23 =	simm.s32 $0x5000  }
0x4c: {  	[tilespmem:s23], [sflag:$0x1] =	stream.indirect_vreg.gather [hbm4b:s0+s5], $0x80, v3, vm0, $0xb8;
	[tilespmem:$0xF800] =	vst v63  }
0x4d: {  	s16 =	simm.s32 $0x5800  }
0x4e: {  	[tilespmem:s16], [sflag:$0x1] =	stream.indirect_vreg.gather [hbm4b:s7+s5], $0x80, v3, vm0, $0xb8;
	[tilespmem:$0xF800] =	vst v63  }
0x4f: {  	s17 =	simm.s32 $0x6000  }
0x50: {  	[tilespmem:s17], [sflag:$0x1] =	stream.indirect_vreg.gather [hbm4b:s8+s5], $0x80, v3, vm0, $0xb8;
	[tilespmem:$0xF800] =	vst v63  }
0x51: {  	v3 =	vld.msk [tilespmem:$0x20], $0xff;
	_ =	sdelay $0x4  }
0x52: {  	v30 =	vshrl.u32 v3, $0x3  }
0x53: {  	v4 =	vmul.u32 $0x30, v30  }
0x54: {  	v3 =	vand.u32 $0x7, v3  }
0x55: {  	v3 =	vor.u32 v3, v4  }
0x56: {  	v3 =	vperm.xlane v3, v0;
	_ =	sdelay $0x1  }
0x57: {  	v3 =	vadd.s32 v1, v3;
	_ =	sdelay $0x3  }
0x58: {  	s22 =	simm.s32 $0x6800  }
0x59: {  	[tilespmem:s22], [sflag:$0x1] =	stream.indirect_vreg.gather [hbm4b:s0+s5], $0x80, v3, vm0, $0xb8;
	[tilespmem:$0xF800] =	vst v63  }
0x5a: {  	s23 =	simm.s32 $0x7000  }
0x5b: {  	[tilespmem:s23], [sflag:$0x1] =	stream.indirect_vreg.gather [hbm4b:s7+s5], $0x80, v3, vm0, $0xb8;
	[tilespmem:$0xF800] =	vst v63  }
0x5c: {  	s17 =	simm.s32 $0x7800  }
0x5d: {  	[tilespmem:s17], [sflag:$0x1] =	stream.indirect_vreg.gather [hbm4b:s8+s5], $0x80, v3, vm0, $0xb8;
	[tilespmem:$0xF800] =	vst v63  }
0x5e: {  	v3 =	vld [tilespmem:$0x80];
	_ =	sdelay $0x4  }
0x5f: {  	v31 =	vshrl.u32 v3, $0x3  }
0x60: {  	v4 =	vmul.u32 $0x30, v31  }
0x61: {  	v3 =	vand.u32 $0x7, v3  }
0x62: {  	v3 =	vor.u32 v3, v4  }
0x63: {  	v4 =	vperm.xlane v3, v0;
	_ =	sdelay $0x1  }
0x64: {  	v4 =	vadd.s32 v1, v4;
	_ =	sdelay $0x3  }
0x65: {  	v3 =	vperm.xlane v3, v2  }
0x66: {  	[tilespmem:s31], [sflag:$0x2] =	stream.indirect_vreg.gather [hbm4b:s0+s5], $0x80, v4, vm0, $0xb8;
	[tilespmem:$0xF800] =	vst v63  }
0x67: {  	s2 =	simm.s32 $0x8800;
	v3 =	vadd.s32 v1, v3  }
0x68: {  	[tilespmem:s2], [sflag:$0x2] =	stream.indirect_vreg.gather [hbm4b:s7+s5], $0x80, v4, vm0, $0xb8;
	[tilespmem:$0xF800] =	vst v63  }
0x69: {  	s2 =	simm.s32 $0x9000  }
0x6a: {  	[tilespmem:s2], [sflag:$0x2] =	stream.indirect_vreg.gather [hbm4b:s8+s5], $0x80, v4, vm0, $0xb8;
	[tilespmem:$0xF800] =	vst v63  }
0x6b: {  	s2 =	simm.s32 $0x9800  }
0x6c: {  	[tilespmem:s2], [sflag:$0x2] =	stream.indirect_vreg.gather [hbm4b:s0+s5], $0x80, v3, vm0, $0xb8;
	[tilespmem:$0xF800] =	vst v63  }
0x6d: {  	s2 =	simm.s32 $0xA000  }
0x6e: {  	[tilespmem:s2], [sflag:$0x2] =	stream.indirect_vreg.gather [hbm4b:s7+s5], $0x80, v3, vm0, $0xb8;
	[tilespmem:$0xF800] =	vst v63  }
0x6f: {  	s2 =	simm.s32 $0xA800  }
0x70: {  	[tilespmem:s2], [sflag:$0x2] =	stream.indirect_vreg.gather [hbm4b:s8+s5], $0x80, v3, vm0, $0xb8;
	[tilespmem:$0xF800] =	vst v63  }
0x71: {  	v3 =	vld [tilespmem:$0x90];
	_ =	sdelay $0x4  }
0x72: {  	v32 =	vshrl.u32 v3, $0x3  }
0x73: {  	v4 =	vmul.u32 $0x30, v32  }
0x74: {  	v3 =	vand.u32 $0x7, v3  }
0x75: {  	v3 =	vor.u32 v3, v4  }
0x76: {  	v4 =	vperm.xlane v3, v0;
	_ =	sdelay $0x1  }
0x77: {  	v4 =	vadd.s32 v1, v4;
	_ =	sdelay $0x3  }
0x78: {  	s2 =	simm.s32 $0xB000;
	v3 =	vperm.xlane v3, v2  }
0x79: {  	[tilespmem:s2], [sflag:$0x2] =	stream.indirect_vreg.gather [hbm4b:s0+s5], $0x80, v4, vm0, $0xb8;
	[tilespmem:$0xF800] =	vst v63  }
0x7a: {  	v3 =	vadd.s32 v1, v3;
	s2 =	simm.s32 $0xB800  }
0x7b: {  	[tilespmem:s2], [sflag:$0x2] =	stream.indirect_vreg.gather [hbm4b:s7+s5], $0x80, v4, vm0, $0xb8;
	[tilespmem:$0xF800] =	vst v63  }
0x7c: {  	s2 =	simm.s32 $0xC000  }
0x7d: {  	[tilespmem:s2], [sflag:$0x2] =	stream.indirect_vreg.gather [hbm4b:s8+s5], $0x80, v4, vm0, $0xb8;
	[tilespmem:$0xF800] =	vst v63  }
0x7e: {  	s2 =	simm.s32 $0xC800  }
0x7f: {  	[tilespmem:s2], [sflag:$0x2] =	stream.indirect_vreg.gather [hbm4b:s0+s5], $0x80, v3, vm0, $0xb8;
	[tilespmem:$0xF800] =	vst v63  }
0x80: {  	s2 =	simm.s32 $0xD000  }
0x81: {  	[tilespmem:s2], [sflag:$0x2] =	stream.indirect_vreg.gather [hbm4b:s7+s5], $0x80, v3, vm0, $0xb8;
	[tilespmem:$0xF800] =	vst v63  }
0x82: {  	s2 =	simm.s32 $0xD800  }
0x83: {  	[tilespmem:s2], [sflag:$0x2] =	stream.indirect_vreg.gather [hbm4b:s8+s5], $0x80, v3, vm0, $0xb8;
	[tilespmem:$0xF800] =	vst v63  }
0x84: {  	v3 =	vld.msk [tilespmem:$0xA0], $0xff;
	_ =	sdelay $0x4  }
0x85: {  	v33 =	vshrl.u32 v3, $0x3  }
0x86: {  	v4 =	vmul.u32 $0x30, v33  }
0x87: {  	v3 =	vand.u32 $0x7, v3  }
0x88: {  	v3 =	vor.u32 v3, v4  }
0x89: {  	v3 =	vperm.xlane v3, v0;
	_ =	sdelay $0x1  }
0x8a: {  	v3 =	vadd.s32 v1, v3;
	_ =	sdelay $0x3  }
0x8b: {  	s2 =	simm.s32 $0xE000  }
0x8c: {  	[tilespmem:s2], [sflag:$0x2] =	stream.indirect_vreg.gather [hbm4b:s0+s5], $0x80, v3, vm0, $0xb8;
	[tilespmem:$0xF800] =	vst v63  }
0x8d: {  	s2 =	simm.s32 $0xE800  }
0x8e: {  	[tilespmem:s2], [sflag:$0x2] =	stream.indirect_vreg.gather [hbm4b:s7+s5], $0x80, v3, vm0, $0xb8;
	[tilespmem:$0xF800] =	vst v63  }
0x8f: {  	s2 =	simm.s32 $0xF000  }
0x90: {  	[tilespmem:s2], [sflag:$0x2] =	stream.indirect_vreg.gather [hbm4b:s8+s5], $0x80, v3, vm0, $0xb8;
	[tilespmem:$0xF800] =	vst v63  }
0x91: {  	_ =	swait.ge [sflag:s28], $0x7800  }
0x92: {  	[sflag:s28] =	ssyncset.done $0x0  }
0x93: {  	s2 =	rddreg [dreg:$0xa];
	[sflag:s28] =	ssyncadd.s32 $0xFFFF8800  }
0x94: {  	[hbm4b:s2+s5] =	stream.linear.scatter [tilespmem:s15], [sflag:$0x3], $0x7800, $0x38;
	[tilespmem:$0xF800] =	vst v63  }
0x95: {  	_ =	swait.ge [sflag:s29], $0x7800  }
0x96: {  	[sflag:s29] =	ssyncset.done $0x0  }
0x97: {  	[sflag:s29] =	ssyncadd.s32 $0xFFFF8800  }
0x98: {  	v3 =	vld [tilespmem:$0x100];
	_ =	sdelay $0x4  }
0x99: {  	v34 =	vshrl.u32 v3, $0x3  }
0x9a: {  	v4 =	vmul.u32 $0x30, v34  }
0x9b: {  	v3 =	vand.u32 $0x7, v3  }
0x9c: {  	v3 =	vor.u32 v3, v4  }
0x9d: {  	v4 =	vperm.xlane v3, v0;
	_ =	sdelay $0x1  }
0x9e: {  	v4 =	vadd.s32 v1, v4;
	_ =	sdelay $0x3  }
0x9f: {  	v3 =	vperm.xlane v3, v2  }
0xa0: {  	[tilespmem:s15], [sflag:$0x1] =	stream.indirect_vreg.gather [hbm4b:s0+s5], $0x80, v4, vm0, $0xb8;
	[tilespmem:$0xF800] =	vst v63  }
0xa1: {  	s24 =	simm.s32 $0x1000;
	v3 =	vadd.s32 v1, v3  }
0xa2: {  	[tilespmem:s24], [sflag:$0x1] =	stream.indirect_vreg.gather [hbm4b:s7+s5], $0x80, v4, vm0, $0xb8;
	[tilespmem:$0xF800] =	vst v63  }
0xa3: {  	s25 =	simm.s32 $0x1800  }
0xa4: {  	[tilespmem:s25], [sflag:$0x1] =	stream.indirect_vreg.gather [hbm4b:s8+s5], $0x80, v4, vm0, $0xb8;
	[tilespmem:$0xF800] =	vst v63  }
0xa5: {  	s26 =	simm.s32 $0x2000  }
0xa6: {  	[tilespmem:s26], [sflag:$0x1] =	stream.indirect_vreg.gather [hbm4b:s0+s5], $0x80, v3, vm0, $0xb8;
	[tilespmem:$0xF800] =	vst v63  }
0xa7: {  	s26 =	simm.s32 $0x2800  }
0xa8: {  	[tilespmem:s26], [sflag:$0x1] =	stream.indirect_vreg.gather [hbm4b:s7+s5], $0x80, v3, vm0, $0xb8;
	[tilespmem:$0xF800] =	vst v63  }
0xa9: {  	s6 =	simm.s32 $0x3000  }
0xaa: {  	[tilespmem:s6], [sflag:$0x1] =	stream.indirect_vreg.gather [hbm4b:s8+s5], $0x80, v3, vm0, $0xb8;
	[tilespmem:$0xF800] =	vst v63  }
0xab: {  	v3 =	vld [tilespmem:$0x110];
	_ =	sdelay $0x4  }
0xac: {  	v35 =	vshrl.u32 v3, $0x3  }
0xad: {  	v4 =	vmul.u32 $0x30, v35  }
0xae: {  	v3 =	vand.u32 $0x7, v3  }
0xaf: {  	v3 =	vor.u32 v3, v4  }
0xb0: {  	v4 =	vperm.xlane v3, v0;
	_ =	sdelay $0x1  }
0xb1: {  	v4 =	vadd.s32 v1, v4;
	_ =	sdelay $0x3  }
0xb2: {  	s14 =	simm.s32 $0x3800;
	v3 =	vperm.xlane v3, v2  }
0xb3: {  	[tilespmem:s14], [sflag:$0x1] =	stream.indirect_vreg.gather [hbm4b:s0+s5], $0x80, v4, vm0, $0xb8;
	[tilespmem:$0xF800] =	vst v63  }
0xb4: {  	s18 =	simm.s32 $0x4000;
	v3 =	vadd.s32 v1, v3  }
0xb5: {  	[tilespmem:s18], [sflag:$0x1] =	stream.indirect_vreg.gather [hbm4b:s7+s5], $0x80, v4, vm0, $0xb8;
	[tilespmem:$0xF800] =	vst v63  }
0xb6: {  	s19 =	simm.s32 $0x4800  }
0xb7: {  	[tilespmem:s19], [sflag:$0x1] =	stream.indirect_vreg.gather [hbm4b:s8+s5], $0x80, v4, vm0, $0xb8;
	[tilespmem:$0xF800] =	vst v63  }
0xb8: {  	s20 =	simm.s32 $0x5000  }
0xb9: {  	[tilespmem:s20], [sflag:$0x1] =	stream.indirect_vreg.gather [hbm4b:s0+s5], $0x80, v3, vm0, $0xb8;
	[tilespmem:$0xF800] =	vst v63  }
0xba: {  	s21 =	simm.s32 $0x5800  }
0xbb: {  	[tilespmem:s21], [sflag:$0x1] =	stream.indirect_vreg.gather [hbm4b:s7+s5], $0x80, v3, vm0, $0xb8;
	[tilespmem:$0xF800] =	vst v63  }
0xbc: {  	s16 =	simm.s32 $0x6000  }
0xbd: {  	[tilespmem:s16], [sflag:$0x1] =	stream.indirect_vreg.gather [hbm4b:s8+s5], $0x80, v3, vm0, $0xb8;
	[tilespmem:$0xF800] =	vst v63  }
0xbe: {  	v3 =	vld.msk [tilespmem:$0x120], $0xff;
	_ =	sdelay $0x4  }
0xbf: {  	v36 =	vshrl.u32 v3, $0x3  }
0xc0: {  	v4 =	vmul.u32 $0x30, v36  }
0xc1: {  	v3 =	vand.u32 $0x7, v3  }
0xc2: {  	v3 =	vor.u32 v3, v4  }
0xc3: {  	v3 =	vperm.xlane v3, v0;
	_ =	sdelay $0x1  }
0xc4: {  	v3 =	vadd.s32 v1, v3;
	_ =	sdelay $0x3  }
0xc5: {  	s22 =	simm.s32 $0x6800  }
0xc6: {  	[tilespmem:s22], [sflag:$0x1] =	stream.indirect_vreg.gather [hbm4b:s0+s5], $0x80, v3, vm0, $0xb8;
	[tilespmem:$0xF800] =	vst v63  }
0xc7: {  	s23 =	simm.s32 $0x7000  }
0xc8: {  	[tilespmem:s23], [sflag:$0x1] =	stream.indirect_vreg.gather [hbm4b:s7+s5], $0x80, v3, vm0, $0xb8;
	[tilespmem:$0xF800] =	vst v63  }
0xc9: {  	s17 =	simm.s32 $0x7800  }
0xca: {  	[tilespmem:s17], [sflag:$0x1] =	stream.indirect_vreg.gather [hbm4b:s8+s5], $0x80, v3, vm0, $0xb8;
	[tilespmem:$0xF800] =	vst v63  }
0xcb: {  	_ =	swait.ge [sflag:s30], $0x7800  }
0xcc: {  	[sflag:s30] =	ssyncset.done $0x0  }
0xcd: {  	s23 =	rddreg [dreg:$0xb];
	[sflag:s30] =	ssyncadd.s32 $0xFFFF8800  }
0xce: {  	[hbm4b:s23+s5] =	stream.linear.scatter [tilespmem:s31], [sflag:$0x4], $0x7800, $0x38;
	[tilespmem:$0xF800] =	vst v63  }
0xcf: {  	_ =	swait.ge [sflag:s4], $0x7800  }
0xd0: {  	[sflag:s4] =	ssyncset.done $0x0  }
0xd1: {  	[sflag:s4] =	ssyncadd.s32 $0xFFFF8800  }
0xd2: {  	v3 =	vld [tilespmem:$0x180];
	_ =	sdelay $0x4  }
0xd3: {  	v37 =	vshrl.u32 v3, $0x3  }
0xd4: {  	v4 =	vmul.u32 $0x30, v37  }
0xd5: {  	v3 =	vand.u32 $0x7, v3  }
0xd6: {  	v3 =	vor.u32 v3, v4  }
0xd7: {  	v4 =	vperm.xlane v3, v0;
	_ =	sdelay $0x1  }
0xd8: {  	v4 =	vadd.s32 v1, v4;
	_ =	sdelay $0x3  }
0xd9: {  	v3 =	vperm.xlane v3, v2  }
0xda: {  	[tilespmem:s31], [sflag:$0x2] =	stream.indirect_vreg.gather [hbm4b:s0+s5], $0x80, v4, vm0, $0xb8;
	[tilespmem:$0xF800] =	vst v63  }
0xdb: {  	s24 =	simm.s32 $0x8800;
	v3 =	vadd.s32 v1, v3  }
0xdc: {  	[tilespmem:s24], [sflag:$0x2] =	stream.indirect_vreg.gather [hbm4b:s7+s5], $0x80, v4, vm0, $0xb8;
	[tilespmem:$0xF800] =	vst v63  }
0xdd: {  	s25 =	simm.s32 $0x9000  }
0xde: {  	[tilespmem:s25], [sflag:$0x2] =	stream.indirect_vreg.gather [hbm4b:s8+s5], $0x80, v4, vm0, $0xb8;
	[tilespmem:$0xF800] =	vst v63  }
0xdf: {  	s26 =	simm.s32 $0x9800  }
0xe0: {  	[tilespmem:s26], [sflag:$0x2] =	stream.indirect_vreg.gather [hbm4b:s0+s5], $0x80, v3, vm0, $0xb8;
	[tilespmem:$0xF800] =	vst v63  }
0xe1: {  	s16 =	simm.s32 $0xA000  }
0xe2: {  	[tilespmem:s16], [sflag:$0x2] =	stream.indirect_vreg.gather [hbm4b:s7+s5], $0x80, v3, vm0, $0xb8;
	[tilespmem:$0xF800] =	vst v63  }
0xe3: {  	s17 =	simm.s32 $0xA800  }
0xe4: {  	[tilespmem:s17], [sflag:$0x2] =	stream.indirect_vreg.gather [hbm4b:s8+s5], $0x80, v3, vm0, $0xb8;
	[tilespmem:$0xF800] =	vst v63  }
0xe5: {  	v3 =	vld [tilespmem:$0x190];
	_ =	sdelay $0x4  }
0xe6: {  	v38 =	vshrl.u32 v3, $0x3  }
0xe7: {  	v4 =	vmul.u32 $0x30, v38  }
0xe8: {  	v3 =	vand.u32 $0x7, v3  }
0xe9: {  	v3 =	vor.u32 v3, v4  }
0xea: {  	v4 =	vperm.xlane v3, v0;
	_ =	sdelay $0x1  }
0xeb: {  	v4 =	vadd.s32 v1, v4;
	_ =	sdelay $0x3  }
0xec: {  	s18 =	simm.s32 $0xB000;
	v3 =	vperm.xlane v3, v2  }
0xed: {  	[tilespmem:s18], [sflag:$0x2] =	stream.indirect_vreg.gather [hbm4b:s0+s5], $0x80, v4, vm0, $0xb8;
	[tilespmem:$0xF800] =	vst v63  }
0xee: {  	s19 =	simm.s32 $0xB800;
	v3 =	vadd.s32 v1, v3  }
0xef: {  	[tilespmem:s19], [sflag:$0x2] =	stream.indirect_vreg.gather [hbm4b:s7+s5], $0x80, v4, vm0, $0xb8;
	[tilespmem:$0xF800] =	vst v63  }
0xf0: {  	s20 =	simm.s32 $0xC000  }
0xf1: {  	[tilespmem:s20], [sflag:$0x2] =	stream.indirect_vreg.gather [hbm4b:s8+s5], $0x80, v4, vm0, $0xb8;
	[tilespmem:$0xF800] =	vst v63  }
0xf2: {  	s23 =	simm.s32 $0xC800  }
0xf3: {  	[tilespmem:s23], [sflag:$0x2] =	stream.indirect_vreg.gather [hbm4b:s0+s5], $0x80, v3, vm0, $0xb8;
	[tilespmem:$0xF800] =	vst v63  }
0xf4: {  	s25 =	simm.s32 $0xD000  }
0xf5: {  	[tilespmem:s25], [sflag:$0x2] =	stream.indirect_vreg.gather [hbm4b:s7+s5], $0x80, v3, vm0, $0xb8;
	[tilespmem:$0xF800] =	vst v63  }
0xf6: {  	s26 =	simm.s32 $0xD800  }
0xf7: {  	[tilespmem:s26], [sflag:$0x2] =	stream.indirect_vreg.gather [hbm4b:s8+s5], $0x80, v3, vm0, $0xb8;
	[tilespmem:$0xF800] =	vst v63  }
0xf8: {  	v3 =	vld.msk [tilespmem:$0x1A0], $0xff;
	_ =	sdelay $0x4  }
0xf9: {  	v39 =	vshrl.u32 v3, $0x3  }
0xfa: {  	v4 =	vmul.u32 $0x30, v39  }
0xfb: {  	v3 =	vand.u32 $0x7, v3  }
0xfc: {  	v3 =	vor.u32 v3, v4  }
0xfd: {  	v3 =	vperm.xlane v3, v0;
	_ =	sdelay $0x1  }
0xfe: {  	v3 =	vadd.s32 v1, v3;
	_ =	sdelay $0x3  }
0xff: {  	s18 =	simm.s32 $0xE000  }
0x100: {  	[tilespmem:s18], [sflag:$0x2] =	stream.indirect_vreg.gather [hbm4b:s0+s5], $0x80, v3, vm0, $0xb8;
	[tilespmem:$0xF800] =	vst v63  }
0x101: {  	s23 =	simm.s32 $0xE800  }
0x102: {  	[tilespmem:s23], [sflag:$0x2] =	stream.indirect_vreg.gather [hbm4b:s7+s5], $0x80, v3, vm0, $0xb8;
	[tilespmem:$0xF800] =	vst v63  }
0x103: {  	s26 =	simm.s32 $0xF000  }
0x104: {  	[tilespmem:s26], [sflag:$0x2] =	stream.indirect_vreg.gather [hbm4b:s8+s5], $0x80, v3, vm0, $0xb8;
	[tilespmem:$0xF800] =	vst v63  }
0x105: {  	_ =	swait.ge [sflag:s28], $0x7800  }
0x106: {  	[sflag:s28] =	ssyncset.done $0x0  }
0x107: {  	s2 =	rddreg [dreg:$0xc];
	[sflag:s28] =	ssyncadd.s32 $0xFFFF8800  }
0x108: {  	[hbm4b:s2+s5] =	stream.linear.scatter [tilespmem:s15], [sflag:$0x3], $0x7800, $0x38;
	[tilespmem:$0xF800] =	vst v63  }
0x109: {  	_ =	swait.ge [sflag:s29], $0x7800  }
0x10a: {  	[sflag:s29] =	ssyncset.done $0x0  }
0x10b: {  	[sflag:s29] =	ssyncadd.s32 $0xFFFF8800  }
0x10c: {  	v3 =	vld [tilespmem:$0x200];
	_ =	sdelay $0x4  }
0x10d: {  	v40 =	vshrl.u32 v3, $0x3  }
0x10e: {  	v4 =	vmul.u32 $0x30, v40  }
0x10f: {  	v3 =	vand.u32 $0x7, v3  }
0x110: {  	v3 =	vor.u32 v3, v4  }
0x111: {  	v4 =	vperm.xlane v3, v0;
	_ =	sdelay $0x1  }
0x112: {  	v4 =	vadd.s32 v1, v4;
	_ =	sdelay $0x3  }
0x113: {  	v3 =	vperm.xlane v3, v2  }
0x114: {  	[tilespmem:s15], [sflag:$0x1] =	stream.indirect_vreg.gather [hbm4b:s1+s5], $0x80, v4, vm0, $0xb8;
	[tilespmem:$0xF800] =	vst v63  }
0x115: {  	s2 =	simm.s32 $0x1000;
	v3 =	vadd.s32 v1, v3  }
0x116: {  	[tilespmem:s2], [sflag:$0x1] =	stream.indirect_vreg.gather [hbm4b:s9+s5], $0x80, v4, vm0, $0xb8;
	[tilespmem:$0xF800] =	vst v63  }
0x117: {  	s2 =	simm.s32 $0x1800  }
0x118: {  	[tilespmem:s2], [sflag:$0x1] =	stream.indirect_vreg.gather [hbm4b:s10+s5], $0x80, v4, vm0, $0xb8;
	[tilespmem:$0xF800] =	vst v63  }
0x119: {  	s2 =	simm.s32 $0x2000  }
0x11a: {  	[tilespmem:s2], [sflag:$0x1] =	stream.indirect_vreg.gather [hbm4b:s1+s5], $0x80, v3, vm0, $0xb8;
	[tilespmem:$0xF800] =	vst v63  }
0x11b: {  	s2 =	simm.s32 $0x2800  }
0x11c: {  	[tilespmem:s2], [sflag:$0x1] =	stream.indirect_vreg.gather [hbm4b:s9+s5], $0x80, v3, vm0, $0xb8;
	[tilespmem:$0xF800] =	vst v63  }
0x11d: {  	s2 =	simm.s32 $0x3000  }
0x11e: {  	[tilespmem:s2], [sflag:$0x1] =	stream.indirect_vreg.gather [hbm4b:s10+s5], $0x80, v3, vm0, $0xb8;
	[tilespmem:$0xF800] =	vst v63  }
0x11f: {  	v3 =	vld [tilespmem:$0x210];
	_ =	sdelay $0x4  }
0x120: {  	v41 =	vshrl.u32 v3, $0x3  }
0x121: {  	v4 =	vmul.u32 $0x30, v41  }
0x122: {  	v3 =	vand.u32 $0x7, v3  }
0x123: {  	v3 =	vor.u32 v3, v4  }
0x124: {  	v4 =	vperm.xlane v3, v0;
	_ =	sdelay $0x1  }
0x125: {  	v4 =	vadd.s32 v1, v4;
	_ =	sdelay $0x3  }
0x126: {  	s2 =	simm.s32 $0x3800;
	v3 =	vperm.xlane v3, v2  }
0x127: {  	[tilespmem:s2], [sflag:$0x1] =	stream.indirect_vreg.gather [hbm4b:s1+s5], $0x80, v4, vm0, $0xb8;
	[tilespmem:$0xF800] =	vst v63  }
0x128: {  	v3 =	vadd.s32 v1, v3;
	s2 =	simm.s32 $0x4000  }
0x129: {  	[tilespmem:s2], [sflag:$0x1] =	stream.indirect_vreg.gather [hbm4b:s9+s5], $0x80, v4, vm0, $0xb8;
	[tilespmem:$0xF800] =	vst v63  }
0x12a: {  	s2 =	simm.s32 $0x4800  }
0x12b: {  	[tilespmem:s2], [sflag:$0x1] =	stream.indirect_vreg.gather [hbm4b:s10+s5], $0x80, v4, vm0, $0xb8;
	[tilespmem:$0xF800] =	vst v63  }
0x12c: {  	s2 =	simm.s32 $0x5000  }
0x12d: {  	[tilespmem:s2], [sflag:$0x1] =	stream.indirect_vreg.gather [hbm4b:s1+s5], $0x80, v3, vm0, $0xb8;
	[tilespmem:$0xF800] =	vst v63  }
0x12e: {  	s2 =	simm.s32 $0x5800  }
0x12f: {  	[tilespmem:s2], [sflag:$0x1] =	stream.indirect_vreg.gather [hbm4b:s9+s5], $0x80, v3, vm0, $0xb8;
	[tilespmem:$0xF800] =	vst v63  }
0x130: {  	s2 =	simm.s32 $0x6000  }
0x131: {  	[tilespmem:s2], [sflag:$0x1] =	stream.indirect_vreg.gather [hbm4b:s10+s5], $0x80, v3, vm0, $0xb8;
	[tilespmem:$0xF800] =	vst v63  }
0x132: {  	v3 =	vld.msk [tilespmem:$0x220], $0xff;
	_ =	sdelay $0x4  }
0x133: {  	v42 =	vshrl.u32 v3, $0x3  }
0x134: {  	v4 =	vmul.u32 $0x30, v42  }
0x135: {  	v3 =	vand.u32 $0x7, v3  }
0x136: {  	v3 =	vor.u32 v3, v4  }
0x137: {  	v3 =	vperm.xlane v3, v0;
	_ =	sdelay $0x1  }
0x138: {  	v3 =	vadd.s32 v1, v3;
	_ =	sdelay $0x3  }
0x139: {  	s2 =	simm.s32 $0x6800  }
0x13a: {  	[tilespmem:s2], [sflag:$0x1] =	stream.indirect_vreg.gather [hbm4b:s1+s5], $0x80, v3, vm0, $0xb8;
	[tilespmem:$0xF800] =	vst v63  }
0x13b: {  	s2 =	simm.s32 $0x7000  }
0x13c: {  	[tilespmem:s2], [sflag:$0x1] =	stream.indirect_vreg.gather [hbm4b:s9+s5], $0x80, v3, vm0, $0xb8;
	[tilespmem:$0xF800] =	vst v63  }
0x13d: {  	s2 =	simm.s32 $0x7800  }
0x13e: {  	[tilespmem:s2], [sflag:$0x1] =	stream.indirect_vreg.gather [hbm4b:s10+s5], $0x80, v3, vm0, $0xb8;
	[tilespmem:$0xF800] =	vst v63  }
0x13f: {  	_ =	swait.ge [sflag:s30], $0x7800  }
0x140: {  	[sflag:s30] =	ssyncset.done $0x0  }
0x141: {  	s2 =	rddreg [dreg:$0xd];
	[sflag:s30] =	ssyncadd.s32 $0xFFFF8800  }
0x142: {  	[hbm4b:s2+s5] =	stream.linear.scatter [tilespmem:s31], [sflag:$0x4], $0x7800, $0x38;
	[tilespmem:$0xF800] =	vst v63  }
0x143: {  	_ =	swait.ge [sflag:s4], $0x7800  }
0x144: {  	[sflag:s4] =	ssyncset.done $0x0  }
0x145: {  	[sflag:s4] =	ssyncadd.s32 $0xFFFF8800  }
0x146: {  	v3 =	vld [tilespmem:$0x280];
	_ =	sdelay $0x4  }
0x147: {  	v43 =	vshrl.u32 v3, $0x3  }
0x148: {  	v4 =	vmul.u32 $0x30, v43  }
0x149: {  	v3 =	vand.u32 $0x7, v3  }
0x14a: {  	v3 =	vor.u32 v3, v4  }
0x14b: {  	v4 =	vperm.xlane v3, v0;
	_ =	sdelay $0x1  }
0x14c: {  	v4 =	vadd.s32 v1, v4;
	_ =	sdelay $0x3  }
0x14d: {  	v3 =	vperm.xlane v3, v2  }
0x14e: {  	[tilespmem:s31], [sflag:$0x2] =	stream.indirect_vreg.gather [hbm4b:s1+s5], $0x80, v4, vm0, $0xb8;
	[tilespmem:$0xF800] =	vst v63  }
0x14f: {  	s6 =	simm.s32 $0x8800;
	v3 =	vadd.s32 v1, v3  }
0x150: {  	[tilespmem:s6], [sflag:$0x2] =	stream.indirect_vreg.gather [hbm4b:s9+s5], $0x80, v4, vm0, $0xb8;
	[tilespmem:$0xF800] =	vst v63  }
0x151: {  	s14 =	simm.s32 $0x9000  }
0x152: {  	[tilespmem:s14], [sflag:$0x2] =	stream.indirect_vreg.gather [hbm4b:s10+s5], $0x80, v4, vm0, $0xb8;
	[tilespmem:$0xF800] =	vst v63  }
0x153: {  	s21 =	simm.s32 $0x9800  }
0x154: {  	[tilespmem:s21], [sflag:$0x2] =	stream.indirect_vreg.gather [hbm4b:s1+s5], $0x80, v3, vm0, $0xb8;
	[tilespmem:$0xF800] =	vst v63  }
0x155: {  	s22 =	simm.s32 $0xA000  }
0x156: {  	[tilespmem:s22], [sflag:$0x2] =	stream.indirect_vreg.gather [hbm4b:s9+s5], $0x80, v3, vm0, $0xb8;
	[tilespmem:$0xF800] =	vst v63  }
0x157: {  	s17 =	simm.s32 $0xA800  }
0x158: {  	[tilespmem:s17], [sflag:$0x2] =	stream.indirect_vreg.gather [hbm4b:s10+s5], $0x80, v3, vm0, $0xb8;
	[tilespmem:$0xF800] =	vst v63  }
0x159: {  	v3 =	vld [tilespmem:$0x290];
	_ =	sdelay $0x4  }
0x15a: {  	v44 =	vshrl.u32 v3, $0x3  }
0x15b: {  	v4 =	vmul.u32 $0x30, v44  }
0x15c: {  	v3 =	vand.u32 $0x7, v3  }
0x15d: {  	v3 =	vor.u32 v3, v4  }
0x15e: {  	v4 =	vperm.xlane v3, v0;
	_ =	sdelay $0x1  }
0x15f: {  	v4 =	vadd.s32 v1, v4;
	_ =	sdelay $0x3  }
0x160: {  	s24 =	simm.s32 $0xB000;
	v3 =	vperm.xlane v3, v2  }
0x161: {  	[tilespmem:s24], [sflag:$0x2] =	stream.indirect_vreg.gather [hbm4b:s1+s5], $0x80, v4, vm0, $0xb8;
	[tilespmem:$0xF800] =	vst v63  }
0x162: {  	s6 =	simm.s32 $0xB800;
	v3 =	vadd.s32 v1, v3  }
0x163: {  	[tilespmem:s6], [sflag:$0x2] =	stream.indirect_vreg.gather [hbm4b:s9+s5], $0x80, v4, vm0, $0xb8;
	[tilespmem:$0xF800] =	vst v63  }
0x164: {  	s19 =	simm.s32 $0xC000  }
0x165: {  	[tilespmem:s19], [sflag:$0x2] =	stream.indirect_vreg.gather [hbm4b:s10+s5], $0x80, v4, vm0, $0xb8;
	[tilespmem:$0xF800] =	vst v63  }
0x166: {  	s20 =	simm.s32 $0xC800  }
0x167: {  	[tilespmem:s20], [sflag:$0x2] =	stream.indirect_vreg.gather [hbm4b:s1+s5], $0x80, v3, vm0, $0xb8;
	[tilespmem:$0xF800] =	vst v63  }
0x168: {  	s16 =	simm.s32 $0xD000  }
0x169: {  	[tilespmem:s16], [sflag:$0x2] =	stream.indirect_vreg.gather [hbm4b:s9+s5], $0x80, v3, vm0, $0xb8;
	[tilespmem:$0xF800] =	vst v63  }
0x16a: {  	s25 =	simm.s32 $0xD800  }
0x16b: {  	[tilespmem:s25], [sflag:$0x2] =	stream.indirect_vreg.gather [hbm4b:s10+s5], $0x80, v3, vm0, $0xb8;
	[tilespmem:$0xF800] =	vst v63  }
0x16c: {  	v3 =	vld.msk [tilespmem:$0x2A0], $0xff;
	_ =	sdelay $0x4  }
0x16d: {  	v45 =	vshrl.u32 v3, $0x3  }
0x16e: {  	v4 =	vmul.u32 $0x30, v45  }
0x16f: {  	v3 =	vand.u32 $0x7, v3  }
0x170: {  	v3 =	vor.u32 v3, v4  }
0x171: {  	v3 =	vperm.xlane v3, v0;
	_ =	sdelay $0x1  }
0x172: {  	v3 =	vadd.s32 v1, v3;
	_ =	sdelay $0x3  }
0x173: {  	s18 =	simm.s32 $0xE000  }
0x174: {  	[tilespmem:s18], [sflag:$0x2] =	stream.indirect_vreg.gather [hbm4b:s1+s5], $0x80, v3, vm0, $0xb8;
	[tilespmem:$0xF800] =	vst v63  }
0x175: {  	s23 =	simm.s32 $0xE800  }
0x176: {  	[tilespmem:s23], [sflag:$0x2] =	stream.indirect_vreg.gather [hbm4b:s9+s5], $0x80, v3, vm0, $0xb8;
	[tilespmem:$0xF800] =	vst v63  }
0x177: {  	s26 =	simm.s32 $0xF000  }
0x178: {  	[tilespmem:s26], [sflag:$0x2] =	stream.indirect_vreg.gather [hbm4b:s10+s5], $0x80, v3, vm0, $0xb8;
	[tilespmem:$0xF800] =	vst v63  }
0x179: {  	_ =	swait.ge [sflag:s28], $0x7800  }
0x17a: {  	[sflag:s28] =	ssyncset.done $0x0  }
0x17b: {  	s2 =	rddreg [dreg:$0xe];
	[sflag:s28] =	ssyncadd.s32 $0xFFFF8800  }
0x17c: {  	[hbm4b:s2+s5] =	stream.linear.scatter [tilespmem:s15], [sflag:$0x3], $0x7800, $0x38;
	[tilespmem:$0xF800] =	vst v63  }
0x17d: {  	_ =	swait.ge [sflag:s29], $0x7800  }
0x17e: {  	[sflag:s29] =	ssyncset.done $0x0  }
0x17f: {  	[sflag:s29] =	ssyncadd.s32 $0xFFFF8800  }
0x180: {  	v3 =	vld [tilespmem:$0x300];
	_ =	sdelay $0x4  }
0x181: {  	v46 =	vshrl.u32 v3, $0x3  }
0x182: {  	v4 =	vmul.u32 $0x30, v46  }
0x183: {  	v3 =	vand.u32 $0x7, v3  }
0x184: {  	v3 =	vor.u32 v3, v4  }
0x185: {  	v4 =	vperm.xlane v3, v0;
	_ =	sdelay $0x1  }
0x186: {  	v4 =	vadd.s32 v1, v4;
	_ =	sdelay $0x3  }
0x187: {  	v3 =	vperm.xlane v3, v2  }
0x188: {  	[tilespmem:s15], [sflag:$0x1] =	stream.indirect_vreg.gather [hbm4b:s1+s5], $0x80, v4, vm0, $0xb8;
	[tilespmem:$0xF800] =	vst v63  }
0x189: {  	s2 =	simm.s32 $0x1000;
	v3 =	vadd.s32 v1, v3  }
0x18a: {  	[tilespmem:s2], [sflag:$0x1] =	stream.indirect_vreg.gather [hbm4b:s9+s5], $0x80, v4, vm0, $0xb8;
	[tilespmem:$0xF800] =	vst v63  }
0x18b: {  	s2 =	simm.s32 $0x1800  }
0x18c: {  	[tilespmem:s2], [sflag:$0x1] =	stream.indirect_vreg.gather [hbm4b:s10+s5], $0x80, v4, vm0, $0xb8;
	[tilespmem:$0xF800] =	vst v63  }
0x18d: {  	s2 =	simm.s32 $0x2000  }
0x18e: {  	[tilespmem:s2], [sflag:$0x1] =	stream.indirect_vreg.gather [hbm4b:s1+s5], $0x80, v3, vm0, $0xb8;
	[tilespmem:$0xF800] =	vst v63  }
0x18f: {  	s2 =	simm.s32 $0x2800  }
0x190: {  	[tilespmem:s2], [sflag:$0x1] =	stream.indirect_vreg.gather [hbm4b:s9+s5], $0x80, v3, vm0, $0xb8;
	[tilespmem:$0xF800] =	vst v63  }
0x191: {  	s2 =	simm.s32 $0x3000  }
0x192: {  	[tilespmem:s2], [sflag:$0x1] =	stream.indirect_vreg.gather [hbm4b:s10+s5], $0x80, v3, vm0, $0xb8;
	[tilespmem:$0xF800] =	vst v63  }
0x193: {  	v3 =	vld [tilespmem:$0x310];
	_ =	sdelay $0x4  }
0x194: {  	v47 =	vshrl.u32 v3, $0x3  }
0x195: {  	v4 =	vmul.u32 $0x30, v47  }
0x196: {  	v3 =	vand.u32 $0x7, v3  }
0x197: {  	v3 =	vor.u32 v3, v4  }
0x198: {  	v4 =	vperm.xlane v3, v0;
	_ =	sdelay $0x1  }
0x199: {  	v4 =	vadd.s32 v1, v4;
	_ =	sdelay $0x3  }
0x19a: {  	s2 =	simm.s32 $0x3800;
	v3 =	vperm.xlane v3, v2  }
0x19b: {  	[tilespmem:s2], [sflag:$0x1] =	stream.indirect_vreg.gather [hbm4b:s1+s5], $0x80, v4, vm0, $0xb8;
	[tilespmem:$0xF800] =	vst v63  }
0x19c: {  	v3 =	vadd.s32 v1, v3;
	s2 =	simm.s32 $0x4000  }
0x19d: {  	[tilespmem:s2], [sflag:$0x1] =	stream.indirect_vreg.gather [hbm4b:s9+s5], $0x80, v4, vm0, $0xb8;
	[tilespmem:$0xF800] =	vst v63  }
0x19e: {  	s2 =	simm.s32 $0x4800  }
0x19f: {  	[tilespmem:s2], [sflag:$0x1] =	stream.indirect_vreg.gather [hbm4b:s10+s5], $0x80, v4, vm0, $0xb8;
	[tilespmem:$0xF800] =	vst v63  }
0x1a0: {  	s2 =	simm.s32 $0x5000  }
0x1a1: {  	[tilespmem:s2], [sflag:$0x1] =	stream.indirect_vreg.gather [hbm4b:s1+s5], $0x80, v3, vm0, $0xb8;
	[tilespmem:$0xF800] =	vst v63  }
0x1a2: {  	s2 =	simm.s32 $0x5800  }
0x1a3: {  	[tilespmem:s2], [sflag:$0x1] =	stream.indirect_vreg.gather [hbm4b:s9+s5], $0x80, v3, vm0, $0xb8;
	[tilespmem:$0xF800] =	vst v63  }
0x1a4: {  	s2 =	simm.s32 $0x6000  }
0x1a5: {  	[tilespmem:s2], [sflag:$0x1] =	stream.indirect_vreg.gather [hbm4b:s10+s5], $0x80, v3, vm0, $0xb8;
	[tilespmem:$0xF800] =	vst v63  }
0x1a6: {  	v3 =	vld.msk [tilespmem:$0x320], $0xff;
	_ =	sdelay $0x4  }
0x1a7: {  	v48 =	vshrl.u32 v3, $0x3  }
0x1a8: {  	v4 =	vmul.u32 $0x30, v48  }
0x1a9: {  	v3 =	vand.u32 $0x7, v3  }
0x1aa: {  	v3 =	vor.u32 v3, v4  }
0x1ab: {  	v3 =	vperm.xlane v3, v0;
	_ =	sdelay $0x1  }
0x1ac: {  	v3 =	vadd.s32 v1, v3;
	_ =	sdelay $0x3  }
0x1ad: {  	s2 =	simm.s32 $0x6800  }
0x1ae: {  	[tilespmem:s2], [sflag:$0x1] =	stream.indirect_vreg.gather [hbm4b:s1+s5], $0x80, v3, vm0, $0xb8;
	[tilespmem:$0xF800] =	vst v63  }
0x1af: {  	s2 =	simm.s32 $0x7000  }
0x1b0: {  	[tilespmem:s2], [sflag:$0x1] =	stream.indirect_vreg.gather [hbm4b:s9+s5], $0x80, v3, vm0, $0xb8;
	[tilespmem:$0xF800] =	vst v63  }
0x1b1: {  	s2 =	simm.s32 $0x7800  }
0x1b2: {  	[tilespmem:s2], [sflag:$0x1] =	stream.indirect_vreg.gather [hbm4b:s10+s5], $0x80, v3, vm0, $0xb8;
	[tilespmem:$0xF800] =	vst v63  }
0x1b3: {  	_ =	swait.ge [sflag:s30], $0x7800  }
0x1b4: {  	[sflag:s30] =	ssyncset.done $0x0  }
0x1b5: {  	s2 =	rddreg [dreg:$0xf];
	[sflag:s30] =	ssyncadd.s32 $0xFFFF8800  }
0x1b6: {  	[hbm4b:s2+s5] =	stream.linear.scatter [tilespmem:s31], [sflag:$0x4], $0x7800, $0x38;
	[tilespmem:$0xF800] =	vst v63  }
0x1b7: {  	_ =	swait.ge [sflag:s4], $0x7800  }
0x1b8: {  	[sflag:s4] =	ssyncset.done $0x0  }
0x1b9: {  	[sflag:s4] =	ssyncadd.s32 $0xFFFF8800  }
0x1ba: {  	v3 =	vld [tilespmem:$0x380];
	_ =	sdelay $0x4  }
0x1bb: {  	v49 =	vshrl.u32 v3, $0x3  }
0x1bc: {  	v4 =	vmul.u32 $0x30, v49  }
0x1bd: {  	v3 =	vand.u32 $0x7, v3  }
0x1be: {  	v3 =	vor.u32 v3, v4  }
0x1bf: {  	v4 =	vperm.xlane v3, v0;
	_ =	sdelay $0x1  }
0x1c0: {  	v4 =	vadd.s32 v1, v4;
	_ =	sdelay $0x3  }
0x1c1: {  	v3 =	vperm.xlane v3, v2  }
0x1c2: {  	[tilespmem:s31], [sflag:$0x2] =	stream.indirect_vreg.gather [hbm4b:s1+s5], $0x80, v4, vm0, $0xb8;
	[tilespmem:$0xF800] =	vst v63  }
0x1c3: {  	s2 =	simm.s32 $0x8800;
	v3 =	vadd.s32 v1, v3  }
0x1c4: {  	[tilespmem:s2], [sflag:$0x2] =	stream.indirect_vreg.gather [hbm4b:s9+s5], $0x80, v4, vm0, $0xb8;
	[tilespmem:$0xF800] =	vst v63  }
0x1c5: {  	s14 =	simm.s32 $0x9000  }
0x1c6: {  	[tilespmem:s14], [sflag:$0x2] =	stream.indirect_vreg.gather [hbm4b:s10+s5], $0x80, v4, vm0, $0xb8;
	[tilespmem:$0xF800] =	vst v63  }
0x1c7: {  	s21 =	simm.s32 $0x9800  }
0x1c8: {  	[tilespmem:s21], [sflag:$0x2] =	stream.indirect_vreg.gather [hbm4b:s1+s5], $0x80, v3, vm0, $0xb8;
	[tilespmem:$0xF800] =	vst v63  }
0x1c9: {  	s22 =	simm.s32 $0xA000  }
0x1ca: {  	[tilespmem:s22], [sflag:$0x2] =	stream.indirect_vreg.gather [hbm4b:s9+s5], $0x80, v3, vm0, $0xb8;
	[tilespmem:$0xF800] =	vst v63  }
0x1cb: {  	s17 =	simm.s32 $0xA800  }
0x1cc: {  	[tilespmem:s17], [sflag:$0x2] =	stream.indirect_vreg.gather [hbm4b:s10+s5], $0x80, v3, vm0, $0xb8;
	[tilespmem:$0xF800] =	vst v63  }
0x1cd: {  	v3 =	vld [tilespmem:$0x390];
	_ =	sdelay $0x4  }
0x1ce: {  	v50 =	vshrl.u32 v3, $0x3  }
0x1cf: {  	v4 =	vmul.u32 $0x30, v50  }
0x1d0: {  	v3 =	vand.u32 $0x7, v3  }
0x1d1: {  	v3 =	vor.u32 v3, v4  }
0x1d2: {  	v4 =	vperm.xlane v3, v0;
	_ =	sdelay $0x1  }
0x1d3: {  	v4 =	vadd.s32 v1, v4;
	_ =	sdelay $0x3  }
0x1d4: {  	s24 =	simm.s32 $0xB000;
	v3 =	vperm.xlane v3, v2  }
0x1d5: {  	[tilespmem:s24], [sflag:$0x2] =	stream.indirect_vreg.gather [hbm4b:s1+s5], $0x80, v4, vm0, $0xb8;
	[tilespmem:$0xF800] =	vst v63  }
0x1d6: {  	s6 =	simm.s32 $0xB800;
	v3 =	vadd.s32 v1, v3  }
0x1d7: {  	[tilespmem:s6], [sflag:$0x2] =	stream.indirect_vreg.gather [hbm4b:s9+s5], $0x80, v4, vm0, $0xb8;
	[tilespmem:$0xF800] =	vst v63  }
0x1d8: {  	s19 =	simm.s32 $0xC000  }
0x1d9: {  	[tilespmem:s19], [sflag:$0x2] =	stream.indirect_vreg.gather [hbm4b:s10+s5], $0x80, v4, vm0, $0xb8;
	[tilespmem:$0xF800] =	vst v63  }
0x1da: {  	s20 =	simm.s32 $0xC800  }
0x1db: {  	[tilespmem:s20], [sflag:$0x2] =	stream.indirect_vreg.gather [hbm4b:s1+s5], $0x80, v3, vm0, $0xb8;
	[tilespmem:$0xF800] =	vst v63  }
0x1dc: {  	s16 =	simm.s32 $0xD000  }
0x1dd: {  	[tilespmem:s16], [sflag:$0x2] =	stream.indirect_vreg.gather [hbm4b:s9+s5], $0x80, v3, vm0, $0xb8;
	[tilespmem:$0xF800] =	vst v63  }
0x1de: {  	s25 =	simm.s32 $0xD800  }
0x1df: {  	[tilespmem:s25], [sflag:$0x2] =	stream.indirect_vreg.gather [hbm4b:s10+s5], $0x80, v3, vm0, $0xb8;
	[tilespmem:$0xF800] =	vst v63  }
0x1e0: {  	v3 =	vld.msk [tilespmem:$0x3A0], $0xff;
	_ =	sdelay $0x4  }
0x1e1: {  	v51 =	vshrl.u32 v3, $0x3  }
0x1e2: {  	v4 =	vmul.u32 $0x30, v51  }
0x1e3: {  	v3 =	vand.u32 $0x7, v3  }
0x1e4: {  	v3 =	vor.u32 v3, v4  }
0x1e5: {  	v3 =	vperm.xlane v3, v0;
	_ =	sdelay $0x1  }
0x1e6: {  	v3 =	vadd.s32 v1, v3;
	_ =	sdelay $0x3  }
0x1e7: {  	s18 =	simm.s32 $0xE000  }
0x1e8: {  	[tilespmem:s18], [sflag:$0x2] =	stream.indirect_vreg.gather [hbm4b:s1+s5], $0x80, v3, vm0, $0xb8;
	[tilespmem:$0xF800] =	vst v63  }
0x1e9: {  	s23 =	simm.s32 $0xE800  }
0x1ea: {  	[tilespmem:s23], [sflag:$0x2] =	stream.indirect_vreg.gather [hbm4b:s9+s5], $0x80, v3, vm0, $0xb8;
	[tilespmem:$0xF800] =	vst v63  }
0x1eb: {  	s26 =	simm.s32 $0xF000  }
0x1ec: {  	[tilespmem:s26], [sflag:$0x2] =	stream.indirect_vreg.gather [hbm4b:s10+s5], $0x80, v3, vm0, $0xb8;
	[tilespmem:$0xF800] =	vst v63  }
0x1ed: {  	_ =	swait.ge [sflag:s28], $0x7800  }
0x1ee: {  	[sflag:s28] =	ssyncset.done $0x0  }
0x1ef: {  	s25 =	rddreg [dreg:$0x10];
	[sflag:s28] =	ssyncadd.s32 $0xFFFF8800  }
0x1f0: {  	[hbm4b:s25+s5] =	stream.linear.scatter [tilespmem:s15], [sflag:$0x3], $0x7800, $0x38;
	[tilespmem:$0xF800] =	vst v63  }
0x1f1: {  	_ =	swait.ge [sflag:s29], $0x7800  }
0x1f2: {  	[sflag:s29] =	ssyncset.done $0x0  }
0x1f3: {  	[sflag:s29] =	ssyncadd.s32 $0xFFFF8800  }
0x1f4: {  	v3 =	vld [tilespmem:$0x400];
	_ =	sdelay $0x4  }
0x1f5: {  	v52 =	vshrl.u32 v3, $0x3  }
0x1f6: {  	v4 =	vmul.u32 $0x30, v52  }
0x1f7: {  	v3 =	vand.u32 $0x7, v3  }
0x1f8: {  	v3 =	vor.u32 v3, v4  }
0x1f9: {  	v4 =	vperm.xlane v3, v0;
	_ =	sdelay $0x1  }
0x1fa: {  	v4 =	vadd.s32 v1, v4;
	_ =	sdelay $0x3  }
0x1fb: {  	v3 =	vperm.xlane v3, v2  }
0x1fc: {  	[tilespmem:s15], [sflag:$0x1] =	stream.indirect_vreg.gather [hbm4b:s3+s5], $0x80, v4, vm0, $0xb8;
	[tilespmem:$0xF800] =	vst v63  }
0x1fd: {  	s26 =	simm.s32 $0x1000;
	v3 =	vadd.s32 v1, v3  }
0x1fe: {  	[tilespmem:s26], [sflag:$0x1] =	stream.indirect_vreg.gather [hbm4b:s11+s5], $0x80, v4, vm0, $0xb8;
	[tilespmem:$0xF800] =	vst v63  }
0x1ff: {  	s16 =	simm.s32 $0x1800  }
0x200: {  	[tilespmem:s16], [sflag:$0x1] =	stream.indirect_vreg.gather [hbm4b:s12+s5], $0x80, v4, vm0, $0xb8;
	[tilespmem:$0xF800] =	vst v63  }
0x201: {  	s24 =	simm.s32 $0x2000  }
0x202: {  	[tilespmem:s24], [sflag:$0x1] =	stream.indirect_vreg.gather [hbm4b:s3+s5], $0x80, v3, vm0, $0xb8;
	[tilespmem:$0xF800] =	vst v63  }
0x203: {  	s25 =	simm.s32 $0x2800  }
0x204: {  	[tilespmem:s25], [sflag:$0x1] =	stream.indirect_vreg.gather [hbm4b:s11+s5], $0x80, v3, vm0, $0xb8;
	[tilespmem:$0xF800] =	vst v63  }
0x205: {  	s26 =	simm.s32 $0x3000  }
0x206: {  	[tilespmem:s26], [sflag:$0x1] =	stream.indirect_vreg.gather [hbm4b:s12+s5], $0x80, v3, vm0, $0xb8;
	[tilespmem:$0xF800] =	vst v63  }
0x207: {  	v3 =	vld [tilespmem:$0x410];
	_ =	sdelay $0x4  }
0x208: {  	v53 =	vshrl.u32 v3, $0x3  }
0x209: {  	v4 =	vmul.u32 $0x30, v53  }
0x20a: {  	v3 =	vand.u32 $0x7, v3  }
0x20b: {  	v3 =	vor.u32 v3, v4  }
0x20c: {  	v4 =	vperm.xlane v3, v0;
	_ =	sdelay $0x1  }
0x20d: {  	v4 =	vadd.s32 v1, v4;
	_ =	sdelay $0x3  }
0x20e: {  	s16 =	simm.s32 $0x3800;
	v3 =	vperm.xlane v3, v2  }
0x20f: {  	[tilespmem:s16], [sflag:$0x1] =	stream.indirect_vreg.gather [hbm4b:s3+s5], $0x80, v4, vm0, $0xb8;
	[tilespmem:$0xF800] =	vst v63  }
0x210: {  	s24 =	simm.s32 $0x4000;
	v3 =	vadd.s32 v1, v3  }
0x211: {  	[tilespmem:s24], [sflag:$0x1] =	stream.indirect_vreg.gather [hbm4b:s11+s5], $0x80, v4, vm0, $0xb8;
	[tilespmem:$0xF800] =	vst v63  }
0x212: {  	s25 =	simm.s32 $0x4800  }
0x213: {  	[tilespmem:s25], [sflag:$0x1] =	stream.indirect_vreg.gather [hbm4b:s12+s5], $0x80, v4, vm0, $0xb8;
	[tilespmem:$0xF800] =	vst v63  }
0x214: {  	s26 =	simm.s32 $0x5000  }
0x215: {  	[tilespmem:s26], [sflag:$0x1] =	stream.indirect_vreg.gather [hbm4b:s3+s5], $0x80, v3, vm0, $0xb8;
	[tilespmem:$0xF800] =	vst v63  }
0x216: {  	s16 =	simm.s32 $0x5800  }
0x217: {  	[tilespmem:s16], [sflag:$0x1] =	stream.indirect_vreg.gather [hbm4b:s11+s5], $0x80, v3, vm0, $0xb8;
	[tilespmem:$0xF800] =	vst v63  }
0x218: {  	s24 =	simm.s32 $0x6000  }
0x219: {  	[tilespmem:s24], [sflag:$0x1] =	stream.indirect_vreg.gather [hbm4b:s12+s5], $0x80, v3, vm0, $0xb8;
	[tilespmem:$0xF800] =	vst v63  }
0x21a: {  	v3 =	vld.msk [tilespmem:$0x420], $0xff;
	_ =	sdelay $0x4  }
0x21b: {  	v54 =	vshrl.u32 v3, $0x3  }
0x21c: {  	v4 =	vmul.u32 $0x30, v54  }
0x21d: {  	v3 =	vand.u32 $0x7, v3  }
0x21e: {  	v3 =	vor.u32 v3, v4  }
0x21f: {  	v3 =	vperm.xlane v3, v0;
	_ =	sdelay $0x1  }
0x220: {  	v3 =	vadd.s32 v1, v3;
	_ =	sdelay $0x3  }
0x221: {  	s25 =	simm.s32 $0x6800  }
0x222: {  	[tilespmem:s25], [sflag:$0x1] =	stream.indirect_vreg.gather [hbm4b:s3+s5], $0x80, v3, vm0, $0xb8;
	[tilespmem:$0xF800] =	vst v63  }
0x223: {  	s26 =	simm.s32 $0x7000  }
0x224: {  	[tilespmem:s26], [sflag:$0x1] =	stream.indirect_vreg.gather [hbm4b:s11+s5], $0x80, v3, vm0, $0xb8;
	[tilespmem:$0xF800] =	vst v63  }
0x225: {  	s16 =	simm.s32 $0x7800  }
0x226: {  	[tilespmem:s16], [sflag:$0x1] =	stream.indirect_vreg.gather [hbm4b:s12+s5], $0x80, v3, vm0, $0xb8;
	[tilespmem:$0xF800] =	vst v63  }
0x227: {  	_ =	swait.ge [sflag:s30], $0x7800  }
0x228: {  	[sflag:s30] =	ssyncset.done $0x0  }
0x229: {  	s24 =	rddreg [dreg:$0x11];
	[sflag:s30] =	ssyncadd.s32 $0xFFFF8800  }
0x22a: {  	[hbm4b:s24+s5] =	stream.linear.scatter [tilespmem:s31], [sflag:$0x4], $0x7800, $0x38;
	[tilespmem:$0xF800] =	vst v63  }
0x22b: {  	_ =	swait.ge [sflag:s4], $0x7800  }
0x22c: {  	[sflag:s4] =	ssyncset.done $0x0  }
0x22d: {  	[sflag:s4] =	ssyncadd.s32 $0xFFFF8800  }
0x22e: {  	v3 =	vld [tilespmem:$0x480];
	_ =	sdelay $0x4  }
0x22f: {  	v55 =	vshrl.u32 v3, $0x3  }
0x230: {  	v4 =	vmul.u32 $0x30, v55  }
0x231: {  	v3 =	vand.u32 $0x7, v3  }
0x232: {  	v3 =	vor.u32 v3, v4  }
0x233: {  	v4 =	vperm.xlane v3, v0;
	_ =	sdelay $0x1  }
0x234: {  	v4 =	vadd.s32 v1, v4;
	_ =	sdelay $0x3  }
0x235: {  	v3 =	vperm.xlane v3, v2  }
0x236: {  	[tilespmem:s31], [sflag:$0x2] =	stream.indirect_vreg.gather [hbm4b:s3+s5], $0x80, v4, vm0, $0xb8;
	[tilespmem:$0xF800] =	vst v63  }
0x237: {  	s25 =	simm.s32 $0x8800;
	v3 =	vadd.s32 v1, v3  }
0x238: {  	[tilespmem:s25], [sflag:$0x2] =	stream.indirect_vreg.gather [hbm4b:s11+s5], $0x80, v4, vm0, $0xb8;
	[tilespmem:$0xF800] =	vst v63  }
0x239: {  	s14 =	simm.s32 $0x9000  }
0x23a: {  	[tilespmem:s14], [sflag:$0x2] =	stream.indirect_vreg.gather [hbm4b:s12+s5], $0x80, v4, vm0, $0xb8;
	[tilespmem:$0xF800] =	vst v63  }
0x23b: {  	s21 =	simm.s32 $0x9800  }
0x23c: {  	[tilespmem:s21], [sflag:$0x2] =	stream.indirect_vreg.gather [hbm4b:s3+s5], $0x80, v3, vm0, $0xb8;
	[tilespmem:$0xF800] =	vst v63  }
0x23d: {  	s22 =	simm.s32 $0xA000  }
0x23e: {  	[tilespmem:s22], [sflag:$0x2] =	stream.indirect_vreg.gather [hbm4b:s11+s5], $0x80, v3, vm0, $0xb8;
	[tilespmem:$0xF800] =	vst v63  }
0x23f: {  	s26 =	simm.s32 $0xA800  }
0x240: {  	[tilespmem:s26], [sflag:$0x2] =	stream.indirect_vreg.gather [hbm4b:s12+s5], $0x80, v3, vm0, $0xb8;
	[tilespmem:$0xF800] =	vst v63  }
0x241: {  	v3 =	vld [tilespmem:$0x490];
	_ =	sdelay $0x4  }
0x242: {  	v56 =	vshrl.u32 v3, $0x3  }
0x243: {  	v4 =	vmul.u32 $0x30, v56  }
0x244: {  	v3 =	vand.u32 $0x7, v3  }
0x245: {  	v3 =	vor.u32 v3, v4  }
0x246: {  	v4 =	vperm.xlane v3, v0;
	_ =	sdelay $0x1  }
0x247: {  	v4 =	vadd.s32 v1, v4;
	_ =	sdelay $0x3  }
0x248: {  	s14 =	simm.s32 $0xB000;
	v3 =	vperm.xlane v3, v2  }
0x249: {  	[tilespmem:s14], [sflag:$0x2] =	stream.indirect_vreg.gather [hbm4b:s3+s5], $0x80, v4, vm0, $0xb8;
	[tilespmem:$0xF800] =	vst v63  }
0x24a: {  	s17 =	simm.s32 $0xB800;
	v3 =	vadd.s32 v1, v3  }
0x24b: {  	[tilespmem:s17], [sflag:$0x2] =	stream.indirect_vreg.gather [hbm4b:s11+s5], $0x80, v4, vm0, $0xb8;
	[tilespmem:$0xF800] =	vst v63  }
0x24c: {  	s19 =	simm.s32 $0xC000  }
0x24d: {  	[tilespmem:s19], [sflag:$0x2] =	stream.indirect_vreg.gather [hbm4b:s12+s5], $0x80, v4, vm0, $0xb8;
	[tilespmem:$0xF800] =	vst v63  }
0x24e: {  	s20 =	simm.s32 $0xC800  }
0x24f: {  	[tilespmem:s20], [sflag:$0x2] =	stream.indirect_vreg.gather [hbm4b:s3+s5], $0x80, v3, vm0, $0xb8;
	[tilespmem:$0xF800] =	vst v63  }
0x250: {  	s6 =	simm.s32 $0xD000  }
0x251: {  	[tilespmem:s6], [sflag:$0x2] =	stream.indirect_vreg.gather [hbm4b:s11+s5], $0x80, v3, vm0, $0xb8;
	[tilespmem:$0xF800] =	vst v63  }
0x252: {  	s20 =	simm.s32 $0xD800  }
0x253: {  	[tilespmem:s20], [sflag:$0x2] =	stream.indirect_vreg.gather [hbm4b:s12+s5], $0x80, v3, vm0, $0xb8;
	[tilespmem:$0xF800] =	vst v63  }
0x254: {  	v3 =	vld.msk [tilespmem:$0x4A0], $0xff;
	_ =	sdelay $0x4  }
0x255: {  	v57 =	vshrl.u32 v3, $0x3  }
0x256: {  	v4 =	vmul.u32 $0x30, v57  }
0x257: {  	v3 =	vand.u32 $0x7, v3  }
0x258: {  	v3 =	vor.u32 v3, v4  }
0x259: {  	v3 =	vperm.xlane v3, v0;
	_ =	sdelay $0x1  }
0x25a: {  	v3 =	vadd.s32 v1, v3;
	_ =	sdelay $0x3  }
0x25b: {  	s18 =	simm.s32 $0xE000  }
0x25c: {  	[tilespmem:s18], [sflag:$0x2] =	stream.indirect_vreg.gather [hbm4b:s3+s5], $0x80, v3, vm0, $0xb8;
	[tilespmem:$0xF800] =	vst v63  }
0x25d: {  	s23 =	simm.s32 $0xE800  }
0x25e: {  	[tilespmem:s23], [sflag:$0x2] =	stream.indirect_vreg.gather [hbm4b:s11+s5], $0x80, v3, vm0, $0xb8;
	[tilespmem:$0xF800] =	vst v63  }
0x25f: {  	s23 =	simm.s32 $0xF000  }
0x260: {  	[tilespmem:s23], [sflag:$0x2] =	stream.indirect_vreg.gather [hbm4b:s12+s5], $0x80, v3, vm0, $0xb8;
	[tilespmem:$0xF800] =	vst v63  }
0x261: {  	_ =	swait.ge [sflag:s28], $0x7800  }
0x262: {  	[sflag:s28] =	ssyncset.done $0x0  }
0x263: {  	s2 =	rddreg [dreg:$0x12];
	[sflag:s28] =	ssyncadd.s32 $0xFFFF8800  }
0x264: {  	[hbm4b:s2+s5] =	stream.linear.scatter [tilespmem:s15], [sflag:$0x3], $0x7800, $0x38;
	[tilespmem:$0xF800] =	vst v63  }
0x265: {  	_ =	swait.ge [sflag:s29], $0x7800  }
0x266: {  	[sflag:s29] =	ssyncset.done $0x0  }
0x267: {  	[sflag:s29] =	ssyncadd.s32 $0xFFFF8800  }
0x268: {  	v3 =	vld [tilespmem:$0x500];
	_ =	sdelay $0x4  }
0x269: {  	v58 =	vshrl.u32 v3, $0x3  }
0x26a: {  	v4 =	vmul.u32 $0x30, v58  }
0x26b: {  	v3 =	vand.u32 $0x7, v3  }
0x26c: {  	v3 =	vor.u32 v3, v4  }
0x26d: {  	v4 =	vperm.xlane v3, v0;
	_ =	sdelay $0x1  }
0x26e: {  	v4 =	vadd.s32 v1, v4;
	_ =	sdelay $0x3  }
0x26f: {  	v3 =	vperm.xlane v3, v2  }
0x270: {  	[tilespmem:s15], [sflag:$0x1] =	stream.indirect_vreg.gather [hbm4b:s3+s5], $0x80, v4, vm0, $0xb8;
	[tilespmem:$0xF800] =	vst v63  }
0x271: {  	s2 =	simm.s32 $0x1000;
	v3 =	vadd.s32 v1, v3  }
0x272: {  	[tilespmem:s2], [sflag:$0x1] =	stream.indirect_vreg.gather [hbm4b:s11+s5], $0x80, v4, vm0, $0xb8;
	[tilespmem:$0xF800] =	vst v63  }
0x273: {  	s2 =	simm.s32 $0x1800  }
0x274: {  	[tilespmem:s2], [sflag:$0x1] =	stream.indirect_vreg.gather [hbm4b:s12+s5], $0x80, v4, vm0, $0xb8;
	[tilespmem:$0xF800] =	vst v63  }
0x275: {  	s2 =	simm.s32 $0x2000  }
0x276: {  	[tilespmem:s2], [sflag:$0x1] =	stream.indirect_vreg.gather [hbm4b:s3+s5], $0x80, v3, vm0, $0xb8;
	[tilespmem:$0xF800] =	vst v63  }
0x277: {  	s2 =	simm.s32 $0x2800  }
0x278: {  	[tilespmem:s2], [sflag:$0x1] =	stream.indirect_vreg.gather [hbm4b:s11+s5], $0x80, v3, vm0, $0xb8;
	[tilespmem:$0xF800] =	vst v63  }
0x279: {  	s2 =	simm.s32 $0x3000  }
0x27a: {  	[tilespmem:s2], [sflag:$0x1] =	stream.indirect_vreg.gather [hbm4b:s12+s5], $0x80, v3, vm0, $0xb8;
	[tilespmem:$0xF800] =	vst v63  }
0x27b: {  	v3 =	vld [tilespmem:$0x510];
	_ =	sdelay $0x4  }
0x27c: {  	v59 =	vshrl.u32 v3, $0x3  }
0x27d: {  	v4 =	vmul.u32 $0x30, v59  }
0x27e: {  	v3 =	vand.u32 $0x7, v3  }
0x27f: {  	v3 =	vor.u32 v3, v4  }
0x280: {  	v4 =	vperm.xlane v3, v0;
	_ =	sdelay $0x1  }
0x281: {  	v4 =	vadd.s32 v1, v4;
	_ =	sdelay $0x3  }
0x282: {  	s2 =	simm.s32 $0x3800;
	v3 =	vperm.xlane v3, v2  }
0x283: {  	[tilespmem:s2], [sflag:$0x1] =	stream.indirect_vreg.gather [hbm4b:s3+s5], $0x80, v4, vm0, $0xb8;
	[tilespmem:$0xF800] =	vst v63  }
0x284: {  	v3 =	vadd.s32 v1, v3;
	s2 =	simm.s32 $0x4000  }
0x285: {  	[tilespmem:s2], [sflag:$0x1] =	stream.indirect_vreg.gather [hbm4b:s11+s5], $0x80, v4, vm0, $0xb8;
	[tilespmem:$0xF800] =	vst v63  }
0x286: {  	s2 =	simm.s32 $0x4800  }
0x287: {  	[tilespmem:s2], [sflag:$0x1] =	stream.indirect_vreg.gather [hbm4b:s12+s5], $0x80, v4, vm0, $0xb8;
	[tilespmem:$0xF800] =	vst v63  }
0x288: {  	s2 =	simm.s32 $0x5000  }
0x289: {  	[tilespmem:s2], [sflag:$0x1] =	stream.indirect_vreg.gather [hbm4b:s3+s5], $0x80, v3, vm0, $0xb8;
	[tilespmem:$0xF800] =	vst v63  }
0x28a: {  	s2 =	simm.s32 $0x5800  }
0x28b: {  	[tilespmem:s2], [sflag:$0x1] =	stream.indirect_vreg.gather [hbm4b:s11+s5], $0x80, v3, vm0, $0xb8;
	[tilespmem:$0xF800] =	vst v63  }
0x28c: {  	s2 =	simm.s32 $0x6000  }
0x28d: {  	[tilespmem:s2], [sflag:$0x1] =	stream.indirect_vreg.gather [hbm4b:s12+s5], $0x80, v3, vm0, $0xb8;
	[tilespmem:$0xF800] =	vst v63  }
0x28e: {  	v3 =	vld.msk [tilespmem:$0x520], $0xff;
	_ =	sdelay $0x4  }
0x28f: {  	v60 =	vshrl.u32 v3, $0x3  }
0x290: {  	v4 =	vmul.u32 $0x30, v60  }
0x291: {  	v3 =	vand.u32 $0x7, v3  }
0x292: {  	v3 =	vor.u32 v3, v4  }
0x293: {  	v3 =	vperm.xlane v3, v0;
	_ =	sdelay $0x1  }
0x294: {  	v3 =	vadd.s32 v1, v3;
	_ =	sdelay $0x3  }
0x295: {  	s2 =	simm.s32 $0x6800  }
0x296: {  	[tilespmem:s2], [sflag:$0x1] =	stream.indirect_vreg.gather [hbm4b:s3+s5], $0x80, v3, vm0, $0xb8;
	[tilespmem:$0xF800] =	vst v63  }
0x297: {  	s2 =	simm.s32 $0x7000  }
0x298: {  	[tilespmem:s2], [sflag:$0x1] =	stream.indirect_vreg.gather [hbm4b:s11+s5], $0x80, v3, vm0, $0xb8;
	[tilespmem:$0xF800] =	vst v63  }
0x299: {  	s2 =	simm.s32 $0x7800  }
0x29a: {  	[tilespmem:s2], [sflag:$0x1] =	stream.indirect_vreg.gather [hbm4b:s12+s5], $0x80, v3, vm0, $0xb8;
	[tilespmem:$0xF800] =	vst v63  }
0x29b: {  	_ =	swait.ge [sflag:s30], $0x7800  }
0x29c: {  	[sflag:s30] =	ssyncset.done $0x0  }
0x29d: {  	s2 =	rddreg [dreg:$0x13];
	[sflag:s30] =	ssyncadd.s32 $0xFFFF8800  }
0x29e: {  	[hbm4b:s2+s5] =	stream.linear.scatter [tilespmem:s31], [sflag:$0x4], $0x7800, $0x38;
	[tilespmem:$0xF800] =	vst v63  }
0x29f: {  	_ =	swait.ge [sflag:s4], $0x7800  }
0x2a0: {  	[sflag:s4] =	ssyncset.done $0x0  }
0x2a1: {  	[sflag:s4] =	ssyncadd.s32 $0xFFFF8800  }
0x2a2: {  	v3 =	vld [tilespmem:$0x580];
	_ =	sdelay $0x4  }
0x2a3: {  	v61 =	vshrl.u32 v3, $0x3  }
0x2a4: {  	v4 =	vmul.u32 $0x30, v61  }
0x2a5: {  	v3 =	vand.u32 $0x7, v3  }
0x2a6: {  	v3 =	vor.u32 v3, v4  }
0x2a7: {  	v4 =	vperm.xlane v3, v0;
	_ =	sdelay $0x1  }
0x2a8: {  	v4 =	vadd.s32 v1, v4;
	_ =	sdelay $0x3  }
0x2a9: {  	v3 =	vperm.xlane v3, v2  }
0x2aa: {  	[tilespmem:s31], [sflag:$0x2] =	stream.indirect_vreg.gather [hbm4b:s3+s5], $0x80, v4, vm0, $0xb8;
	[tilespmem:$0xF800] =	vst v63  }
0x2ab: {  	s24 =	simm.s32 $0x8800;
	v3 =	vadd.s32 v1, v3  }
0x2ac: {  	[tilespmem:s24], [sflag:$0x2] =	stream.indirect_vreg.gather [hbm4b:s11+s5], $0x80, v4, vm0, $0xb8;
	[tilespmem:$0xF800] =	vst v63  }
0x2ad: {  	s25 =	simm.s32 $0x9000  }
0x2ae: {  	[tilespmem:s25], [sflag:$0x2] =	stream.indirect_vreg.gather [hbm4b:s12+s5], $0x80, v4, vm0, $0xb8;
	[tilespmem:$0xF800] =	vst v63  }
0x2af: {  	s16 =	simm.s32 $0x9800  }
0x2b0: {  	[tilespmem:s16], [sflag:$0x2] =	stream.indirect_vreg.gather [hbm4b:s3+s5], $0x80, v3, vm0, $0xb8;
	[tilespmem:$0xF800] =	vst v63  }
0x2b1: {  	s21 =	simm.s32 $0xA000  }
0x2b2: {  	[tilespmem:s21], [sflag:$0x2] =	stream.indirect_vreg.gather [hbm4b:s11+s5], $0x80, v3, vm0, $0xb8;
	[tilespmem:$0xF800] =	vst v63  }
0x2b3: {  	s22 =	simm.s32 $0xA800  }
0x2b4: {  	[tilespmem:s22], [sflag:$0x2] =	stream.indirect_vreg.gather [hbm4b:s12+s5], $0x80, v3, vm0, $0xb8;
	[tilespmem:$0xF800] =	vst v63  }
0x2b5: {  	v3 =	vld [tilespmem:$0x590];
	_ =	sdelay $0x4  }
0x2b6: {  	v62 =	vshrl.u32 v3, $0x3  }
0x2b7: {  	v4 =	vmul.u32 $0x30, v62  }
0x2b8: {  	v3 =	vand.u32 $0x7, v3  }
0x2b9: {  	v3 =	vor.u32 v3, v4  }
0x2ba: {  	v4 =	vperm.xlane v3, v0;
	_ =	sdelay $0x1  }
0x2bb: {  	v4 =	vadd.s32 v1, v4;
	_ =	sdelay $0x3  }
0x2bc: {  	s24 =	simm.s32 $0xB000;
	v3 =	vperm.xlane v3, v2  }
0x2bd: {  	[tilespmem:s24], [sflag:$0x2] =	stream.indirect_vreg.gather [hbm4b:s3+s5], $0x80, v4, vm0, $0xb8;
	[tilespmem:$0xF800] =	vst v63  }
0x2be: {  	s26 =	simm.s32 $0xB800;
	v3 =	vadd.s32 v1, v3  }
0x2bf: {  	[tilespmem:s26], [sflag:$0x2] =	stream.indirect_vreg.gather [hbm4b:s11+s5], $0x80, v4, vm0, $0xb8;
	[tilespmem:$0xF800] =	vst v63  }
0x2c0: {  	s17 =	simm.s32 $0xC000  }
0x2c1: {  	[tilespmem:s17], [sflag:$0x2] =	stream.indirect_vreg.gather [hbm4b:s12+s5], $0x80, v4, vm0, $0xb8;
	[tilespmem:$0xF800] =	vst v63  }
0x2c2: {  	s19 =	simm.s32 $0xC800  }
0x2c3: {  	[tilespmem:s19], [sflag:$0x2] =	stream.indirect_vreg.gather [hbm4b:s3+s5], $0x80, v3, vm0, $0xb8;
	[tilespmem:$0xF800] =	vst v63  }
0x2c4: {  	s14 =	simm.s32 $0xD000  }
0x2c5: {  	[tilespmem:s14], [sflag:$0x2] =	stream.indirect_vreg.gather [hbm4b:s11+s5], $0x80, v3, vm0, $0xb8;
	[tilespmem:$0xF800] =	vst v63  }
0x2c6: {  	s20 =	simm.s32 $0xD800  }
0x2c7: {  	[tilespmem:s20], [sflag:$0x2] =	stream.indirect_vreg.gather [hbm4b:s12+s5], $0x80, v3, vm0, $0xb8;
	[tilespmem:$0xF800] =	vst v63  }
0x2c8: {  	v3 =	vld.msk [tilespmem:$0x5A0], $0xff;
	_ =	sdelay $0x4  }
0x2c9: {  	v63 =	vshrl.u32 v3, $0x3  }
0x2ca: {  	v4 =	vmul.u32 $0x30, v63  }
0x2cb: {  	v3 =	vand.u32 $0x7, v3  }
0x2cc: {  	v3 =	vor.u32 v3, v4  }
0x2cd: {  	v3 =	vperm.xlane v3, v0;
	_ =	sdelay $0x1  }
0x2ce: {  	v3 =	vadd.s32 v1, v3;
	_ =	sdelay $0x3  }
0x2cf: {  	s6 =	simm.s32 $0xE000  }
0x2d0: {  	[tilespmem:s6], [sflag:$0x2] =	stream.indirect_vreg.gather [hbm4b:s3+s5], $0x80, v3, vm0, $0xb8;
	[tilespmem:$0xF800] =	vst v63  }
0x2d1: {  	s18 =	simm.s32 $0xE800  }
0x2d2: {  	[tilespmem:s18], [sflag:$0x2] =	stream.indirect_vreg.gather [hbm4b:s11+s5], $0x80, v3, vm0, $0xb8;
	[tilespmem:$0xF800] =	vst v63  }
0x2d3: {  	s23 =	simm.s32 $0xF000  }
0x2d4: {  	[tilespmem:s23], [sflag:$0x2] =	stream.indirect_vreg.gather [hbm4b:s12+s5], $0x80, v3, vm0, $0xb8;
	[tilespmem:$0xF800] =	vst v63  }
0x2d5: {  	_ =	swait.ge [sflag:s28], $0x7800  }
0x2d6: {  	[sflag:s28] =	ssyncset.done $0x0  }
0x2d7: {  	s25 =	rddreg [dreg:$0x14];
	[sflag:s28] =	ssyncadd.s32 $0xFFFF8800  }
0x2d8: {  	[hbm4b:s25+s5] =	stream.linear.scatter [tilespmem:s15], [sflag:$0x3], $0x7800, $0x38;
	[tilespmem:$0xF800] =	vst v63  }
0x2d9: {  	_ =	swait.ge [sflag:s30], $0x7800  }
0x2da: {  	[sflag:s30] =	ssyncset.done $0x0  }
0x2db: {  	s26 =	rddreg [dreg:$0x15];
	[sflag:s30] =	ssyncadd.s32 $0xFFFF8800  }
0x2dc: {  	[hbm4b:s26+s5] =	stream.linear.scatter [tilespmem:s31], [sflag:$0x4], $0x7800, $0x38;
	[tilespmem:$0xF800] =	vst v63  }
0x2dd: {  	p0 =	sne.s32 s13, $0x1;
	_ =	swait.ge [sflag:s29], $0x7800  }
.Ltmp0:
0x2de: {  	[sflag:s29] =	ssyncset.done $0x0;
	(pc) =	sbr.rel @p0 .LBB2_1-.Ltmp0, $4  }
0x2df: {  	[sflag:s29] =	ssyncadd.s32 $0xFFFF8800  }
0x2e0: {  	_ =	swait.ge [sflag:s4], $0x7800  }
0x2e1: {  	[sflag:s4] =	ssyncset.done $0x0  }
0x2e2: {  	s13 =	sadd.s32 $0xFFFFFFFF, s13;
	[sflag:s4] =	ssyncadd.s32 $0xFFFF8800  }
0x2e3: {  	_ =	sfence.sel $0x180000  }
0x2e4: {  	[bflag:$0x0] =	sbarrier.arrive $0xFFFF  }
0x2e5: {  	_ =	strace $0x90000047  }
0x2e6: {  	s0 =	stileid.u32;
	[bflag:$0x2] =	sbarrier.arrive $0xFFFF  }
0x2e7: {  	p0 =	sne.s32 s0, $0x0;
	s0 =	rddreg [dreg:$0x7]  }
0x2e8: {  	s0 =	sadd.s32 @!p0 $0x100000, s0  }
0x2e9: {  	[sflag:s0] =	ssyncadd.tile.s32 @!p0 $0x1;
	_ =	shalt  }
.Lfunc_end2:
_tile_overlayer_lowered:
.L_overlay_start_2:
0x2ea: {  	(tag) =	ssettag $0x2  }
0x2eb: {  	s0 =	rddreg [dreg:$0x0];
	s2 =	stileid.u32  }
0x2ec: {  	s1 =	rddreg [dreg:$0x1];
	p0 =	sne.s32 s2, $0x0  }
0x2ed: {  	s3 =	rddreg [dreg:$0x2];
	[bflag:$0x3] =	sbarrier.arrive $0xFFFF;
	s2 =	simm.s32 @!p0 $0x1C05  }
0x2ee: {  	[timem:s3], [sflag:s2] =	dma.local @!p0 [hbm:s0], s1  }
0x2ef: {  	s0 =	simm.s32 @!p0 $0x5  }
0x2f0: {  	_ =	swait.ge @!p0 [sflag:s0], s1  }
0x2f1: {  	s1 =	ssub.s32 @!p0 $0x0, s1;
	[sflag:s0] =	ssyncset.done @!p0 $0x0  }
0x2f2: {  	[sflag:s0] =	ssyncadd.s32 @!p0 s1  }
0x2f3: {  	[bflag:$0x3] =	sbarrier.arrive $0xFFFF  }
0x2f4: {  	_ =	shalt  }

</sc_bundles>
